<compile_context>
chip_gen: v7x
topology: tpu7x:2x2x1
jax: 0.10.2.dev20260603
libtpu: 0.0.44.dev20260713+nightly
codegen_flags: <defaults>
</compile_context>

<pallas_src>
import functools

import jax
import jax.numpy as jnp
from jax import lax
from jax.experimental import pallas as pl
from jax.experimental.pallas import tpu as pltpu
from jax.experimental.pallas import tpu_sc as plsc

NUM_LAYERS = 3
ENC_DIM = 64
N_CAT = NUM_LAYERS + 2
N_PAIR = N_CAT * N_CAT
BATCH = 4096
NEIGH = 50

NC, NS, LANES = 2, 16, 16
NW = NC * NS
BBLK = BATCH // NW
CODE_PITCH = 128


def _sc_body(node_hbm, t_hbm, emb_hbm, out_hbm,
             emb_v, stT, n_v, t_v, stage, sem_out0, sem_out1):
    cid = lax.axis_index("c")
    sid = lax.axis_index("s")
    wid = sid * NC + cid
    wb = pl.multiple_of(wid * BBLK, BBLK)
    sems = (sem_out0, sem_out1)

    pltpu.sync_copy(emb_hbm, emb_v)
    iota = lax.iota(jnp.int32, LANES)
    for dc in range(ENC_DIM // LANES):
        dsl = pl.ds(dc * LANES, LANES)
        base16 = (iota + dc * LANES) * CODE_PITCH
        for i in range(N_CAT):
            for j in range(N_CAT):
                val = emb_v[i, dsl] + emb_v[j, dsl]
                plsc.store_scatter(stT, [base16 + (i * N_CAT + j)], val)

    pltpu.sync_copy(node_hbm.at[:, pl.ds(wb, BBLK)], n_v)
    pltpu.sync_copy(t_hbm.at[:, pl.ds(wb, BBLK)], t_v)

    def emit_n(n, p):
        codes = []
        for bc in range(BBLK // LANES):
            sl = pl.ds(bc * LANES, LANES)
            nn = n_v[n, sl]
            tt = t_v[n, sl]
            s = nn + (tt * 1000.0).astype(jnp.int32)
            d1 = nn - N_CAT * ((nn * 26215) >> 17)
            d2 = s - N_CAT * ((s * 26215) >> 17)
            codes.append(jnp.where(nn == 0, N_PAIR - 1, d1 * N_CAT + d2))

        @plsc.parallel_loop(0, ENC_DIM, unroll=2)
        def _(d, codes=codes, p=p):
            dbase = d * CODE_PITCH
            for bc in range(BBLK // LANES):
                sl = pl.ds(bc * LANES, LANES)
                stage[p, d, sl] = plsc.load_gather(stT, [codes[bc] + dbase])

        pltpu.async_copy(stage.at[p], out_hbm.at[n, :, pl.ds(wb, BBLK)],
                         sems[p])

    def loop_body(i, carry):
        for p in range(2):
            @pl.when(i >= 1)
            def _(p=p):
                pltpu.make_async_copy(
                    stage.at[p], out_hbm.at[0, :, pl.ds(wb, BBLK)], sems[p]
                ).wait()
            emit_n(2 * i + p, p)
        return carry

    lax.fori_loop(0, NEIGH // 2, loop_body, 0)
    for p in range(2):
        pltpu.make_async_copy(
            stage.at[p], out_hbm.at[0, :, pl.ds(wb, BBLK)], sems[p]
        ).wait()


@functools.partial(
    pl.kernel,
    out_type=jax.ShapeDtypeStruct((NEIGH, ENC_DIM, BATCH), jnp.float32),
    mesh=plsc.VectorSubcoreMesh(core_axis_name="c", subcore_axis_name="s",
                                num_cores=NC, num_subcores=NS),
    compiler_params=pltpu.CompilerParams(use_tc_tiling_on_sc=True,
                                         needs_layout_passes=False),
    scratch_types=[
        pltpu.VMEM((N_CAT, ENC_DIM), jnp.float32),
        pltpu.VMEM((ENC_DIM * CODE_PITCH,), jnp.float32),
        pltpu.VMEM((NEIGH, BBLK), jnp.int32),
        pltpu.VMEM((NEIGH, BBLK), jnp.float32),
        pltpu.VMEM((2, ENC_DIM, BBLK), jnp.float32),
        pltpu.SemaphoreType.DMA,
        pltpu.SemaphoreType.DMA,
    ],
)
def _sc_encode(node_hbm, t_hbm, emb_hbm, out_hbm,
               emb_v, stT, n_v, t_v, stage, sem_out0, sem_out1):
    _sc_body(node_hbm, t_hbm, emb_hbm, out_hbm,
             emb_v, stT, n_v, t_v, stage, sem_out0, sem_out1)


def kernel(node_record, t_record, emb_table):
    nodeT = node_record.transpose(1, 0)
    tT = t_record.transpose(1, 0)
    outT = _sc_encode(nodeT, tT, emb_table)
    return outT.transpose(2, 0, 1)

# --- scband reference (transcript-rebuilt; emitter-appended) ---
"""Pipeline reference for scband-position-encoder-30099130811055 (READ-ONLY COPY).

The authoritative reference and input builder live on the scoring server;
editing this copy changes nothing except your own understanding.
"""

import jax, jax.numpy as jnp
import numpy as np

NUM_LAYERS = 3
ENC_DIM = 64
N_CAT = NUM_LAYERS + 2  # num_embeddings = num_layers + 2
BATCH = 4096
NEIGH = 50


def setup_inputs(seed: int = 0) -> dict:
    key = jax.random.key(seed)
    k1, k2, k3 = jax.random.split(key, 3)
    node_record = jax.random.randint(k1, (BATCH, NEIGH), 0, 10000, dtype=jnp.int32)
    t_record = jax.random.uniform(k2, (BATCH, NEIGH), dtype=jnp.float32)
    # learned spd distance-code embedding table: (num_layers + 2, enc_dim)
    emb_table = jax.random.normal(k3, (N_CAT, ENC_DIM), dtype=jnp.float32) * 0.02
    return {"node_record": node_record, "t_record": t_record, "emb_table": emb_table}


def reference(node_record, t_record, emb_table):
    # Faithful re-expression of PositionEncoder.forward (enc='spd'):
    # each (node, time) key maps to a pair of shortest-path distances
    # [d_src, d_tgt] in [0, num_layers+1]; distances > num_layers are clamped
    # to num_layers+1 (the 'unreachable' code). The CPU dict lookup is modeled
    # deterministically from (node, time); the device-side math — embedding
    # gather over the (num_layers+2, enc_dim) table followed by sum over the
    # src/tgt pair axis — is identical to the original.
    d_src = jnp.mod(node_record, N_CAT)
    t_int = (t_record * 1000.0).astype(jnp.int32)
    d_tgt = jnp.mod(node_record + t_int, N_CAT)
    # null key (node==0, t==0) maps to [2*n_hop, 2*n_hop] -> clamped to N_CAT-1
    null_mask = (node_record == 0)
    d_src = jnp.where(null_mask, N_CAT - 1, d_src)
    d_tgt = jnp.where(null_mask, N_CAT - 1, d_tgt)
    # clamp like: encodings[encodings > num_layers + 0.5] = num_layers + 1
    d_src = jnp.clip(d_src, 0, N_CAT - 1)
    d_tgt = jnp.clip(d_tgt, 0, N_CAT - 1)
    # embedding lookup: [B, N, 2, enc_dim]
    enc_src = jnp.take(emb_table, d_src, axis=0)
    enc_tgt = jnp.take(emb_table, d_tgt, axis=0)
    # sum over the pair axis (dim=-2 in the original): [B, N, enc_dim]
    encodings = enc_src + enc_tgt
    return encodings

if __name__ == "__main__":
    import jax
    _d = setup_inputs()
    print(jax.jit(kernel)(*tuple(_d.values())))

</pallas_src>

<mosaic_0001>
#map = affine_map<(d0, d1) -> (0, 0)>
#map1 = affine_map<(d0, d1) -> (0, 0, 0)>
module attributes {stable_mosaic.version = 14 : i64} {
  func.func @_sc_encode(%arg0: i32, %arg1: i32, %arg2: memref<50x4096xi32, #tpu.memory_space<hbm>>, %arg3: memref<50x4096xf32, #tpu.memory_space<hbm>>, %arg4: memref<5x64xf32, #tpu.memory_space<hbm>>, %arg5: memref<50x64x4096xf32, #tpu.memory_space<hbm>>, %arg6: memref<5x64xf32, #tpu.memory_space<vmem>>, %arg7: memref<8192xf32, #tpu.memory_space<vmem>>, %arg8: memref<50x128xi32, #tpu.memory_space<vmem>>, %arg9: memref<50x128xf32, #tpu.memory_space<vmem>>, %arg10: memref<2x64x128xf32, #tpu.memory_space<vmem>>, %arg11: memref<!tpu.dma_semaphore, #tpu.memory_space<semaphore_mem>>, %arg12: memref<!tpu.dma_semaphore, #tpu.memory_space<semaphore_mem>>) attributes {dimension_semantics = [#tpu.dimension_semantics<core_parallel>, #tpu.dimension_semantics<subcore_parallel>], iteration_bounds = array<i64: 2, 16>, scalar_prefetch = 0 : i64, scratch_operands = 7 : i64, tpu.core_type = #tpu.core_type<sc_vector_subcore>, window_params = [{transform_indices = #map}, {transform_indices = #map}, {transform_indices = #map}, {transform_indices = #map1}]} {
    %mul3A = arith.constant 2 : i32
    %mul3A_0 = arith.muli %arg1, %mul3A : i32
    %add3A = arith.addi %mul3A_0, %arg0 : i32
    %mul3A_1 = arith.constant 128 : i32
    %mul3A_2 = arith.muli %add3A, %mul3A_1 : i32
    %multiple_of3A = tpu.assume_multiple %mul3A_2, 128 : i32
    "tpu.region"() ({
      %run_scoped3A = tpu.sem_alloc : memref<!tpu.dma_semaphore, #tpu.memory_space<semaphore_mem>>
      tpu.enqueue_dma source(%arg4 : memref<5x64xf32, #tpu.memory_space<hbm>>) target(%arg6 : memref<5x64xf32, #tpu.memory_space<vmem>>) target_semaphore(%run_scoped3A : memref<!tpu.dma_semaphore, #tpu.memory_space<semaphore_mem>>)
      tpu.wait_dma2 semaphore(%run_scoped3A : memref<!tpu.dma_semaphore, #tpu.memory_space<semaphore_mem>>) src(%arg4 : memref<5x64xf32, #tpu.memory_space<hbm>>) dst(%arg6 : memref<5x64xf32, #tpu.memory_space<vmem>>)
      tpu.yield
    }) : () -> ()
    %iota3A = tpu.iota {dimensions = array<i32: 0>} : vector<16xi32>
    %add3A_3 = arith.constant 0 : i32
    %add3A_4 = vector.broadcast %add3A_3 : i32 to vector<16xi32>
    %add3A_5 = arith.addi %iota3A, %add3A_4 : vector<16xi32>
    %mul3A_6 = arith.constant 128 : i32
    %mul3A_7 = vector.broadcast %mul3A_6 : i32 to vector<16xi32>
    %mul3A_8 = arith.muli %add3A_5, %mul3A_7 : vector<16xi32>
    %get3A = arith.constant 0 : i32
    %get3A_9 = arith.index_cast %get3A : i32 to index
    %get3A_10 = arith.constant 0 : index
    %get3A_11 = tpu.vector_load %arg6[%get3A_9, %get3A_10] {strides = array<i32>} : memref<5x64xf32, #tpu.memory_space<vmem>>, vector<16xf32>,
    %get3A_12 = arith.constant 0 : i32
    %get3A_13 = arith.index_cast %get3A_12 : i32 to index
    %get3A_14 = arith.constant 0 : index
    %get3A_15 = tpu.vector_load %arg6[%get3A_13, %get3A_14] {strides = array<i32>} : memref<5x64xf32, #tpu.memory_space<vmem>>, vector<16xf32>,
    %add3A_16 = arith.addf %get3A_11, %get3A_15 : vector<16xf32>
    %add3A_17 = arith.constant 0 : i32
    %add3A_18 = vector.broadcast %add3A_17 : i32 to vector<16xi32>
    %add3A_19 = arith.addi %mul3A_8, %add3A_18 : vector<16xi32>
    tpu.vector_store_idx %arg7[%add3A_19], %add3A_16 : memref<8192xf32, #tpu.memory_space<vmem>>[vector<16xi32>], vector<16xf32>,
    %get3A_20 = arith.constant 0 : i32
    %get3A_21 = arith.index_cast %get3A_20 : i32 to index
    %get3A_22 = arith.constant 0 : index
    %get3A_23 = tpu.vector_load %arg6[%get3A_21, %get3A_22] {strides = array<i32>} : memref<5x64xf32, #tpu.memory_space<vmem>>, vector<16xf32>,
    %get3A_24 = arith.constant 1 : i32
    %get3A_25 = arith.index_cast %get3A_24 : i32 to index
    %get3A_26 = arith.constant 0 : index
    %get3A_27 = tpu.vector_load %arg6[%get3A_25, %get3A_26] {strides = array<i32>} : memref<5x64xf32, #tpu.memory_space<vmem>>, vector<16xf32>,
    %add3A_28 = arith.addf %get3A_23, %get3A_27 : vector<16xf32>
    %add3A_29 = arith.constant 1 : i32
    %add3A_30 = vector.broadcast %add3A_29 : i32 to vector<16xi32>
    %add3A_31 = arith.addi %mul3A_8, %add3A_30 : vector<16xi32>
    tpu.vector_store_idx %arg7[%add3A_31], %add3A_28 : memref<8192xf32, #tpu.memory_space<vmem>>[vector<16xi32>], vector<16xf32>,
    %get3A_32 = arith.constant 0 : i32
    %get3A_33 = arith.index_cast %get3A_32 : i32 to index
    %get3A_34 = arith.constant 0 : index
    %get3A_35 = tpu.vector_load %arg6[%get3A_33, %get3A_34] {strides = array<i32>} : memref<5x64xf32, #tpu.memory_space<vmem>>, vector<16xf32>,
    %get3A_36 = arith.constant 2 : i32
    %get3A_37 = arith.index_cast %get3A_36 : i32 to index
    %get3A_38 = arith.constant 0 : index
    %get3A_39 = tpu.vector_load %arg6[%get3A_37, %get3A_38] {strides = array<i32>} : memref<5x64xf32, #tpu.memory_space<vmem>>, vector<16xf32>,
    %add3A_40 = arith.addf %get3A_35, %get3A_39 : vector<16xf32>
    %add3A_41 = arith.constant 2 : i32
    %add3A_42 = vector.broadcast %add3A_41 : i32 to vector<16xi32>
    %add3A_43 = arith.addi %mul3A_8, %add3A_42 : vector<16xi32>
    tpu.vector_store_idx %arg7[%add3A_43], %add3A_40 : memref<8192xf32, #tpu.memory_space<vmem>>[vector<16xi32>], vector<16xf32>,
    %get3A_44 = arith.constant 0 : i32
    %get3A_45 = arith.index_cast %get3A_44 : i32 to index
    %get3A_46 = arith.constant 0 : index
    %get3A_47 = tpu.vector_load %arg6[%get3A_45, %get3A_46] {strides = array<i32>} : memref<5x64xf32, #tpu.memory_space<vmem>>, vector<16xf32>,
    %get3A_48 = arith.constant 3 : i32
    %get3A_49 = arith.index_cast %get3A_48 : i32 to index
    %get3A_50 = arith.constant 0 : index
    %get3A_51 = tpu.vector_load %arg6[%get3A_49, %get3A_50] {strides = array<i32>} : memref<5x64xf32, #tpu.memory_space<vmem>>, vector<16xf32>,
    %add3A_52 = arith.addf %get3A_47, %get3A_51 : vector<16xf32>
    %add3A_53 = arith.constant 3 : i32
    %add3A_54 = vector.broadcast %add3A_53 : i32 to vector<16xi32>
    %add3A_55 = arith.addi %mul3A_8, %add3A_54 : vector<16xi32>
    tpu.vector_store_idx %arg7[%add3A_55], %add3A_52 : memref<8192xf32, #tpu.memory_space<vmem>>[vector<16xi32>], vector<16xf32>,
    %get3A_56 = arith.constant 0 : i32
    %get3A_57 = arith.index_cast %get3A_56 : i32 to index
    %get3A_58 = arith.constant 0 : index
    %get3A_59 = tpu.vector_load %arg6[%get3A_57, %get3A_58] {strides = array<i32>} : memref<5x64xf32, #tpu.memory_space<vmem>>, vector<16xf32>,
    %get3A_60 = arith.constant 4 : i32
    %get3A_61 = arith.index_cast %get3A_60 : i32 to index
    %get3A_62 = arith.constant 0 : index
    %get3A_63 = tpu.vector_load %arg6[%get3A_61, %get3A_62] {strides = array<i32>} : memref<5x64xf32, #tpu.memory_space<vmem>>, vector<16xf32>,
    %add3A_64 = arith.addf %get3A_59, %get3A_63 : vector<16xf32>
    %add3A_65 = arith.constant 4 : i32
    %add3A_66 = vector.broadcast %add3A_65 : i32 to vector<16xi32>
    %add3A_67 = arith.addi %mul3A_8, %add3A_66 : vector<16xi32>
    tpu.vector_store_idx %arg7[%add3A_67], %add3A_64 : memref<8192xf32, #tpu.memory_space<vmem>>[vector<16xi32>], vector<16xf32>,
    %get3A_68 = arith.constant 1 : i32
    %get3A_69 = arith.index_cast %get3A_68 : i32 to index
    %get3A_70 = arith.constant 0 : index
    %get3A_71 = tpu.vector_load %arg6[%get3A_69, %get3A_70] {strides = array<i32>} : memref<5x64xf32, #tpu.memory_space<vmem>>, vector<16xf32>,
    %get3A_72 = arith.constant 0 : i32
    %get3A_73 = arith.index_cast %get3A_72 : i32 to index
    %get3A_74 = arith.constant 0 : index
    %get3A_75 = tpu.vector_load %arg6[%get3A_73, %get3A_74] {strides = array<i32>} : memref<5x64xf32, #tpu.memory_space<vmem>>, vector<16xf32>,
    %add3A_76 = arith.addf %get3A_71, %get3A_75 : vector<16xf32>
    %add3A_77 = arith.constant 5 : i32
    %add3A_78 = vector.broadcast %add3A_77 : i32 to vector<16xi32>
    %add3A_79 = arith.addi %mul3A_8, %add3A_78 : vector<16xi32>
    tpu.vector_store_idx %arg7[%add3A_79], %add3A_76 : memref<8192xf32, #tpu.memory_space<vmem>>[vector<16xi32>], vector<16xf32>,
    %get3A_80 = arith.constant 1 : i32
    %get3A_81 = arith.index_cast %get3A_80 : i32 to index
    %get3A_82 = arith.constant 0 : index
    %get3A_83 = tpu.vector_load %arg6[%get3A_81, %get3A_82] {strides = array<i32>} : memref<5x64xf32, #tpu.memory_space<vmem>>, vector<16xf32>,
    %get3A_84 = arith.constant 1 : i32
    %get3A_85 = arith.index_cast %get3A_84 : i32 to index
    %get3A_86 = arith.constant 0 : index
    %get3A_87 = tpu.vector_load %arg6[%get3A_85, %get3A_86] {strides = array<i32>} : memref<5x64xf32, #tpu.memory_space<vmem>>, vector<16xf32>,
    %add3A_88 = arith.addf %get3A_83, %get3A_87 : vector<16xf32>
    %add3A_89 = arith.constant 6 : i32
    %add3A_90 = vector.broadcast %add3A_89 : i32 to vector<16xi32>
    %add3A_91 = arith.addi %mul3A_8, %add3A_90 : vector<16xi32>
    tpu.vector_store_idx %arg7[%add3A_91], %add3A_88 : memref<8192xf32, #tpu.memory_space<vmem>>[vector<16xi32>], vector<16xf32>,
    %get3A_92 = arith.constant 1 : i32
    %get3A_93 = arith.index_cast %get3A_92 : i32 to index
    %get3A_94 = arith.constant 0 : index
    %get3A_95 = tpu.vector_load %arg6[%get3A_93, %get3A_94] {strides = array<i32>} : memref<5x64xf32, #tpu.memory_space<vmem>>, vector<16xf32>,
    %get3A_96 = arith.constant 2 : i32
    %get3A_97 = arith.index_cast %get3A_96 : i32 to index
    %get3A_98 = arith.constant 0 : index
    %get3A_99 = tpu.vector_load %arg6[%get3A_97, %get3A_98] {strides = array<i32>} : memref<5x64xf32, #tpu.memory_space<vmem>>, vector<16xf32>,
    %add3A_100 = arith.addf %get3A_95, %get3A_99 : vector<16xf32>
    %add3A_101 = arith.constant 7 : i32
    %add3A_102 = vector.broadcast %add3A_101 : i32 to vector<16xi32>
    %add3A_103 = arith.addi %mul3A_8, %add3A_102 : vector<16xi32>
    tpu.vector_store_idx %arg7[%add3A_103], %add3A_100 : memref<8192xf32, #tpu.memory_space<vmem>>[vector<16xi32>], vector<16xf32>,
    %get3A_104 = arith.constant 1 : i32
    %get3A_105 = arith.index_cast %get3A_104 : i32 to index
    %get3A_106 = arith.constant 0 : index
    %get3A_107 = tpu.vector_load %arg6[%get3A_105, %get3A_106] {strides = array<i32>} : memref<5x64xf32, #tpu.memory_space<vmem>>, vector<16xf32>,
    %get3A_108 = arith.constant 3 : i32
    %get3A_109 = arith.index_cast %get3A_108 : i32 to index
    %get3A_110 = arith.constant 0 : index
    %get3A_111 = tpu.vector_load %arg6[%get3A_109, %get3A_110] {strides = array<i32>} : memref<5x64xf32, #tpu.memory_space<vmem>>, vector<16xf32>,
    %add3A_112 = arith.addf %get3A_107, %get3A_111 : vector<16xf32>
    %add3A_113 = arith.constant 8 : i32
    %add3A_114 = vector.broadcast %add3A_113 : i32 to vector<16xi32>
    %add3A_115 = arith.addi %mul3A_8, %add3A_114 : vector<16xi32>
    tpu.vector_store_idx %arg7[%add3A_115], %add3A_112 : memref<8192xf32, #tpu.memory_space<vmem>>[vector<16xi32>], vector<16xf32>,
    %get3A_116 = arith.constant 1 : i32
    %get3A_117 = arith.index_cast %get3A_116 : i32 to index
    %get3A_118 = arith.constant 0 : index
    %get3A_119 = tpu.vector_load %arg6[%get3A_117, %get3A_118] {strides = array<i32>} : memref<5x64xf32, #tpu.memory_space<vmem>>, vector<16xf32>,
    %get3A_120 = arith.constant 4 : i32
    %get3A_121 = arith.index_cast %get3A_120 : i32 to index
    %get3A_122 = arith.constant 0 : index
    %get3A_123 = tpu.vector_load %arg6[%get3A_121, %get3A_122] {strides = array<i32>} : memref<5x64xf32, #tpu.memory_space<vmem>>, vector<16xf32>,
    %add3A_124 = arith.addf %get3A_119, %get3A_123 : vector<16xf32>
    %add3A_125 = arith.constant 9 : i32
    %add3A_126 = vector.broadcast %add3A_125 : i32 to vector<16xi32>
    %add3A_127 = arith.addi %mul3A_8, %add3A_126 : vector<16xi32>
    tpu.vector_store_idx %arg7[%add3A_127], %add3A_124 : memref<8192xf32, #tpu.memory_space<vmem>>[vector<16xi32>], vector<16xf32>,
    %get3A_128 = arith.constant 2 : i32
    %get3A_129 = arith.index_cast %get3A_128 : i32 to index
    %get3A_130 = arith.constant 0 : index
    %get3A_131 = tpu.vector_load %arg6[%get3A_129, %get3A_130] {strides = array<i32>} : memref<5x64xf32, #tpu.memory_space<vmem>>, vector<16xf32>,
    %get3A_132 = arith.constant 0 : i32
    %get3A_133 = arith.index_cast %get3A_132 : i32 to index
    %get3A_134 = arith.constant 0 : index
    %get3A_135 = tpu.vector_load %arg6[%get3A_133, %get3A_134] {strides = array<i32>} : memref<5x64xf32, #tpu.memory_space<vmem>>, vector<16xf32>,
    %add3A_136 = arith.addf %get3A_131, %get3A_135 : vector<16xf32>
    %add3A_137 = arith.constant 10 : i32
    %add3A_138 = vector.broadcast %add3A_137 : i32 to vector<16xi32>
    %add3A_139 = arith.addi %mul3A_8, %add3A_138 : vector<16xi32>
    tpu.vector_store_idx %arg7[%add3A_139], %add3A_136 : memref<8192xf32, #tpu.memory_space<vmem>>[vector<16xi32>], vector<16xf32>,
    %get3A_140 = arith.constant 2 : i32
    %get3A_141 = arith.index_cast %get3A_140 : i32 to index
    %get3A_142 = arith.constant 0 : index
    %get3A_143 = tpu.vector_load %arg6[%get3A_141, %get3A_142] {strides = array<i32>} : memref<5x64xf32, #tpu.memory_space<vmem>>, vector<16xf32>,
    %get3A_144 = arith.constant 1 : i32
    %get3A_145 = arith.index_cast %get3A_144 : i32 to index
    %get3A_146 = arith.constant 0 : index
    %get3A_147 = tpu.vector_load %arg6[%get3A_145, %get3A_146] {strides = array<i32>} : memref<5x64xf32, #tpu.memory_space<vmem>>, vector<16xf32>,
    %add3A_148 = arith.addf %get3A_143, %get3A_147 : vector<16xf32>
    %add3A_149 = arith.constant 11 : i32
    %add3A_150 = vector.broadcast %add3A_149 : i32 to vector<16xi32>
    %add3A_151 = arith.addi %mul3A_8, %add3A_150 : vector<16xi32>
    tpu.vector_store_idx %arg7[%add3A_151], %add3A_148 : memref<8192xf32, #tpu.memory_space<vmem>>[vector<16xi32>], vector<16xf32>,
    %get3A_152 = arith.constant 2 : i32
    %get3A_153 = arith.index_cast %get3A_152 : i32 to index
    %get3A_154 = arith.constant 0 : index
    %get3A_155 = tpu.vector_load %arg6[%get3A_153, %get3A_154] {strides = array<i32>} : memref<5x64xf32, #tpu.memory_space<vmem>>, vector<16xf32>,
    %get3A_156 = arith.constant 2 : i32
    %get3A_157 = arith.index_cast %get3A_156 : i32 to index
    %get3A_158 = arith.constant 0 : index
    %get3A_159 = tpu.vector_load %arg6[%get3A_157, %get3A_158] {strides = array<i32>} : memref<5x64xf32, #tpu.memory_space<vmem>>, vector<16xf32>,
    %add3A_160 = arith.addf %get3A_155, %get3A_159 : vector<16xf32>
    %add3A_161 = arith.constant 12 : i32
    %add3A_162 = vector.broadcast %add3A_161 : i32 to vector<16xi32>
    %add3A_163 = arith.addi %mul3A_8, %add3A_162 : vector<16xi32>
    tpu.vector_store_idx %arg7[%add3A_163], %add3A_160 : memref<8192xf32, #tpu.memory_space<vmem>>[vector<16xi32>], vector<16xf32>,
    %get3A_164 = arith.constant 2 : i32
    %get3A_165 = arith.index_cast %get3A_164 : i32 to index
    %get3A_166 = arith.constant 0 : index
    %get3A_167 = tpu.vector_load %arg6[%get3A_165, %get3A_166] {strides = array<i32>} : memref<5x64xf32, #tpu.memory_space<vmem>>, vector<16xf32>,
    %get3A_168 = arith.constant 3 : i32
    %get3A_169 = arith.index_cast %get3A_168 : i32 to index
    %get3A_170 = arith.constant 0 : index
    %get3A_171 = tpu.vector_load %arg6[%get3A_169, %get3A_170] {strides = array<i32>} : memref<5x64xf32, #tpu.memory_space<vmem>>, vector<16xf32>,
    %add3A_172 = arith.addf %get3A_167, %get3A_171 : vector<16xf32>
    %add3A_173 = arith.constant 13 : i32
    %add3A_174 = vector.broadcast %add3A_173 : i32 to vector<16xi32>
    %add3A_175 = arith.addi %mul3A_8, %add3A_174 : vector<16xi32>
    tpu.vector_store_idx %arg7[%add3A_175], %add3A_172 : memref<8192xf32, #tpu.memory_space<vmem>>[vector<16xi32>], vector<16xf32>,
    %get3A_176 = arith.constant 2 : i32
    %get3A_177 = arith.index_cast %get3A_176 : i32 to index
    %get3A_178 = arith.constant 0 : index
    %get3A_179 = tpu.vector_load %arg6[%get3A_177, %get3A_178] {strides = array<i32>} : memref<5x64xf32, #tpu.memory_space<vmem>>, vector<16xf32>,
    %get3A_180 = arith.constant 4 : i32
    %get3A_181 = arith.index_cast %get3A_180 : i32 to index
    %get3A_182 = arith.constant 0 : index
    %get3A_183 = tpu.vector_load %arg6[%get3A_181, %get3A_182] {strides = array<i32>} : memref<5x64xf32, #tpu.memory_space<vmem>>, vector<16xf32>,
    %add3A_184 = arith.addf %get3A_179, %get3A_183 : vector<16xf32>
    %add3A_185 = arith.constant 14 : i32
    %add3A_186 = vector.broadcast %add3A_185 : i32 to vector<16xi32>
    %add3A_187 = arith.addi %mul3A_8, %add3A_186 : vector<16xi32>
    tpu.vector_store_idx %arg7[%add3A_187], %add3A_184 : memref<8192xf32, #tpu.memory_space<vmem>>[vector<16xi32>], vector<16xf32>,
    %get3A_188 = arith.constant 3 : i32
    %get3A_189 = arith.index_cast %get3A_188 : i32 to index
    %get3A_190 = arith.constant 0 : index
    %get3A_191 = tpu.vector_load %arg6[%get3A_189, %get3A_190] {strides = array<i32>} : memref<5x64xf32, #tpu.memory_space<vmem>>, vector<16xf32>,
    %get3A_192 = arith.constant 0 : i32
    %get3A_193 = arith.index_cast %get3A_192 : i32 to index
    %get3A_194 = arith.constant 0 : index
    %get3A_195 = tpu.vector_load %arg6[%get3A_193, %get3A_194] {strides = array<i32>} : memref<5x64xf32, #tpu.memory_space<vmem>>, vector<16xf32>,
    %add3A_196 = arith.addf %get3A_191, %get3A_195 : vector<16xf32>
    %add3A_197 = arith.constant 15 : i32
    %add3A_198 = vector.broadcast %add3A_197 : i32 to vector<16xi32>
    %add3A_199 = arith.addi %mul3A_8, %add3A_198 : vector<16xi32>
    tpu.vector_store_idx %arg7[%add3A_199], %add3A_196 : memref<8192xf32, #tpu.memory_space<vmem>>[vector<16xi32>], vector<16xf32>,
    %get3A_200 = arith.constant 3 : i32
    %get3A_201 = arith.index_cast %get3A_200 : i32 to index
    %get3A_202 = arith.constant 0 : index
    %get3A_203 = tpu.vector_load %arg6[%get3A_201, %get3A_202] {strides = array<i32>} : memref<5x64xf32, #tpu.memory_space<vmem>>, vector<16xf32>,
    %get3A_204 = arith.constant 1 : i32
    %get3A_205 = arith.index_cast %get3A_204 : i32 to index
    %get3A_206 = arith.constant 0 : index
    %get3A_207 = tpu.vector_load %arg6[%get3A_205, %get3A_206] {strides = array<i32>} : memref<5x64xf32, #tpu.memory_space<vmem>>, vector<16xf32>,
    %add3A_208 = arith.addf %get3A_203, %get3A_207 : vector<16xf32>
    %add3A_209 = arith.constant 16 : i32
    %add3A_210 = vector.broadcast %add3A_209 : i32 to vector<16xi32>
    %add3A_211 = arith.addi %mul3A_8, %add3A_210 : vector<16xi32>
    tpu.vector_store_idx %arg7[%add3A_211], %add3A_208 : memref<8192xf32, #tpu.memory_space<vmem>>[vector<16xi32>], vector<16xf32>,
    %get3A_212 = arith.constant 3 : i32
    %get3A_213 = arith.index_cast %get3A_212 : i32 to index
    %get3A_214 = arith.constant 0 : index
    %get3A_215 = tpu.vector_load %arg6[%get3A_213, %get3A_214] {strides = array<i32>} : memref<5x64xf32, #tpu.memory_space<vmem>>, vector<16xf32>,
    %get3A_216 = arith.constant 2 : i32
    %get3A_217 = arith.index_cast %get3A_216 : i32 to index
    %get3A_218 = arith.constant 0 : index
    %get3A_219 = tpu.vector_load %arg6[%get3A_217, %get3A_218] {strides = array<i32>} : memref<5x64xf32, #tpu.memory_space<vmem>>, vector<16xf32>,
    %add3A_220 = arith.addf %get3A_215, %get3A_219 : vector<16xf32>
    %add3A_221 = arith.constant 17 : i32
    %add3A_222 = vector.broadcast %add3A_221 : i32 to vector<16xi32>
    %add3A_223 = arith.addi %mul3A_8, %add3A_222 : vector<16xi32>
    tpu.vector_store_idx %arg7[%add3A_223], %add3A_220 : memref<8192xf32, #tpu.memory_space<vmem>>[vector<16xi32>], vector<16xf32>,
    %get3A_224 = arith.constant 3 : i32
    %get3A_225 = arith.index_cast %get3A_224 : i32 to index
    %get3A_226 = arith.constant 0 : index
    %get3A_227 = tpu.vector_load %arg6[%get3A_225, %get3A_226] {strides = array<i32>} : memref<5x64xf32, #tpu.memory_space<vmem>>, vector<16xf32>,
    %get3A_228 = arith.constant 3 : i32
    %get3A_229 = arith.index_cast %get3A_228 : i32 to index
    %get3A_230 = arith.constant 0 : index
    %get3A_231 = tpu.vector_load %arg6[%get3A_229, %get3A_230] {strides = array<i32>} : memref<5x64xf32, #tpu.memory_space<vmem>>, vector<16xf32>,
    %add3A_232 = arith.addf %get3A_227, %get3A_231 : vector<16xf32>
    %add3A_233 = arith.constant 18 : i32
    %add3A_234 = vector.broadcast %add3A_233 : i32 to vector<16xi32>
    %add3A_235 = arith.addi %mul3A_8, %add3A_234 : vector<16xi32>
    tpu.vector_store_idx %arg7[%add3A_235], %add3A_232 : memref<8192xf32, #tpu.memory_space<vmem>>[vector<16xi32>], vector<16xf32>,
    %get3A_236 = arith.constant 3 : i32
    %get3A_237 = arith.index_cast %get3A_236 : i32 to index
    %get3A_238 = arith.constant 0 : index
    %get3A_239 = tpu.vector_load %arg6[%get3A_237, %get3A_238] {strides = array<i32>} : memref<5x64xf32, #tpu.memory_space<vmem>>, vector<16xf32>,
    %get3A_240 = arith.constant 4 : i32
    %get3A_241 = arith.index_cast %get3A_240 : i32 to index
    %get3A_242 = arith.constant 0 : index
    %get3A_243 = tpu.vector_load %arg6[%get3A_241, %get3A_242] {strides = array<i32>} : memref<5x64xf32, #tpu.memory_space<vmem>>, vector<16xf32>,
    %add3A_244 = arith.addf %get3A_239, %get3A_243 : vector<16xf32>
    %add3A_245 = arith.constant 19 : i32
    %add3A_246 = vector.broadcast %add3A_245 : i32 to vector<16xi32>
    %add3A_247 = arith.addi %mul3A_8, %add3A_246 : vector<16xi32>
    tpu.vector_store_idx %arg7[%add3A_247], %add3A_244 : memref<8192xf32, #tpu.memory_space<vmem>>[vector<16xi32>], vector<16xf32>,
    %get3A_248 = arith.constant 4 : i32
    %get3A_249 = arith.index_cast %get3A_248 : i32 to index
    %get3A_250 = arith.constant 0 : index
    %get3A_251 = tpu.vector_load %arg6[%get3A_249, %get3A_250] {strides = array<i32>} : memref<5x64xf32, #tpu.memory_space<vmem>>, vector<16xf32>,
    %get3A_252 = arith.constant 0 : i32
    %get3A_253 = arith.index_cast %get3A_252 : i32 to index
    %get3A_254 = arith.constant 0 : index
    %get3A_255 = tpu.vector_load %arg6[%get3A_253, %get3A_254] {strides = array<i32>} : memref<5x64xf32, #tpu.memory_space<vmem>>, vector<16xf32>,
    %add3A_256 = arith.addf %get3A_251, %get3A_255 : vector<16xf32>
    %add3A_257 = arith.constant 20 : i32
    %add3A_258 = vector.broadcast %add3A_257 : i32 to vector<16xi32>
    %add3A_259 = arith.addi %mul3A_8, %add3A_258 : vector<16xi32>
    tpu.vector_store_idx %arg7[%add3A_259], %add3A_256 : memref<8192xf32, #tpu.memory_space<vmem>>[vector<16xi32>], vector<16xf32>,
    %get3A_260 = arith.constant 4 : i32
    %get3A_261 = arith.index_cast %get3A_260 : i32 to index
    %get3A_262 = arith.constant 0 : index
    %get3A_263 = tpu.vector_load %arg6[%get3A_261, %get3A_262] {strides = array<i32>} : memref<5x64xf32, #tpu.memory_space<vmem>>, vector<16xf32>,
    %get3A_264 = arith.constant 1 : i32
    %get3A_265 = arith.index_cast %get3A_264 : i32 to index
    %get3A_266 = arith.constant 0 : index
    %get3A_267 = tpu.vector_load %arg6[%get3A_265, %get3A_266] {strides = array<i32>} : memref<5x64xf32, #tpu.memory_space<vmem>>, vector<16xf32>,
    %add3A_268 = arith.addf %get3A_263, %get3A_267 : vector<16xf32>
    %add3A_269 = arith.constant 21 : i32
    %add3A_270 = vector.broadcast %add3A_269 : i32 to vector<16xi32>
    %add3A_271 = arith.addi %mul3A_8, %add3A_270 : vector<16xi32>
    tpu.vector_store_idx %arg7[%add3A_271], %add3A_268 : memref<8192xf32, #tpu.memory_space<vmem>>[vector<16xi32>], vector<16xf32>,
    %get3A_272 = arith.constant 4 : i32
    %get3A_273 = arith.index_cast %get3A_272 : i32 to index
    %get3A_274 = arith.constant 0 : index
    %get3A_275 = tpu.vector_load %arg6[%get3A_273, %get3A_274] {strides = array<i32>} : memref<5x64xf32, #tpu.memory_space<vmem>>, vector<16xf32>,
    %get3A_276 = arith.constant 2 : i32
    %get3A_277 = arith.index_cast %get3A_276 : i32 to index
    %get3A_278 = arith.constant 0 : index
    %get3A_279 = tpu.vector_load %arg6[%get3A_277, %get3A_278] {strides = array<i32>} : memref<5x64xf32, #tpu.memory_space<vmem>>, vector<16xf32>,
    %add3A_280 = arith.addf %get3A_275, %get3A_279 : vector<16xf32>
    %add3A_281 = arith.constant 22 : i32
    %add3A_282 = vector.broadcast %add3A_281 : i32 to vector<16xi32>
    %add3A_283 = arith.addi %mul3A_8, %add3A_282 : vector<16xi32>
    tpu.vector_store_idx %arg7[%add3A_283], %add3A_280 : memref<8192xf32, #tpu.memory_space<vmem>>[vector<16xi32>], vector<16xf32>,
    %get3A_284 = arith.constant 4 : i32
    %get3A_285 = arith.index_cast %get3A_284 : i32 to index
    %get3A_286 = arith.constant 0 : index
    %get3A_287 = tpu.vector_load %arg6[%get3A_285, %get3A_286] {strides = array<i32>} : memref<5x64xf32, #tpu.memory_space<vmem>>, vector<16xf32>,
    %get3A_288 = arith.constant 3 : i32
    %get3A_289 = arith.index_cast %get3A_288 : i32 to index
    %get3A_290 = arith.constant 0 : index
    %get3A_291 = tpu.vector_load %arg6[%get3A_289, %get3A_290] {strides = array<i32>} : memref<5x64xf32, #tpu.memory_space<vmem>>, vector<16xf32>,
    %add3A_292 = arith.addf %get3A_287, %get3A_291 : vector<16xf32>
    %add3A_293 = arith.constant 23 : i32
    %add3A_294 = vector.broadcast %add3A_293 : i32 to vector<16xi32>
    %add3A_295 = arith.addi %mul3A_8, %add3A_294 : vector<16xi32>
    tpu.vector_store_idx %arg7[%add3A_295], %add3A_292 : memref<8192xf32, #tpu.memory_space<vmem>>[vector<16xi32>], vector<16xf32>,
    %get3A_296 = arith.constant 4 : i32
    %get3A_297 = arith.index_cast %get3A_296 : i32 to index
    %get3A_298 = arith.constant 0 : index
    %get3A_299 = tpu.vector_load %arg6[%get3A_297, %get3A_298] {strides = array<i32>} : memref<5x64xf32, #tpu.memory_space<vmem>>, vector<16xf32>,
    %get3A_300 = arith.constant 4 : i32
    %get3A_301 = arith.index_cast %get3A_300 : i32 to index
    %get3A_302 = arith.constant 0 : index
    %get3A_303 = tpu.vector_load %arg6[%get3A_301, %get3A_302] {strides = array<i32>} : memref<5x64xf32, #tpu.memory_space<vmem>>, vector<16xf32>,
    %add3A_304 = arith.addf %get3A_299, %get3A_303 : vector<16xf32>
    %add3A_305 = arith.constant 24 : i32
    %add3A_306 = vector.broadcast %add3A_305 : i32 to vector<16xi32>
    %add3A_307 = arith.addi %mul3A_8, %add3A_306 : vector<16xi32>
    tpu.vector_store_idx %arg7[%add3A_307], %add3A_304 : memref<8192xf32, #tpu.memory_space<vmem>>[vector<16xi32>], vector<16xf32>,
    %add3A_308 = arith.constant 16 : i32
    %add3A_309 = vector.broadcast %add3A_308 : i32 to vector<16xi32>
    %add3A_310 = arith.addi %iota3A, %add3A_309 : vector<16xi32>
    %mul3A_311 = arith.constant 128 : i32
    %mul3A_312 = vector.broadcast %mul3A_311 : i32 to vector<16xi32>
    %mul3A_313 = arith.muli %add3A_310, %mul3A_312 : vector<16xi32>
    %get3A_314 = arith.constant 0 : i32
    %get3A_315 = arith.index_cast %get3A_314 : i32 to index
    %get3A_316 = arith.constant 16 : index
    %get3A_317 = tpu.vector_load %arg6[%get3A_315, %get3A_316] {strides = array<i32>} : memref<5x64xf32, #tpu.memory_space<vmem>>, vector<16xf32>,
    %get3A_318 = arith.constant 0 : i32
    %get3A_319 = arith.index_cast %get3A_318 : i32 to index
    %get3A_320 = arith.constant 16 : index
    %get3A_321 = tpu.vector_load %arg6[%get3A_319, %get3A_320] {strides = array<i32>} : memref<5x64xf32, #tpu.memory_space<vmem>>, vector<16xf32>,
    %add3A_322 = arith.addf %get3A_317, %get3A_321 : vector<16xf32>
    %add3A_323 = arith.constant 0 : i32
    %add3A_324 = vector.broadcast %add3A_323 : i32 to vector<16xi32>
    %add3A_325 = arith.addi %mul3A_313, %add3A_324 : vector<16xi32>
    tpu.vector_store_idx %arg7[%add3A_325], %add3A_322 : memref<8192xf32, #tpu.memory_space<vmem>>[vector<16xi32>], vector<16xf32>,
    %get3A_326 = arith.constant 0 : i32
    %get3A_327 = arith.index_cast %get3A_326 : i32 to index
    %get3A_328 = arith.constant 16 : index
    %get3A_329 = tpu.vector_load %arg6[%get3A_327, %get3A_328] {strides = array<i32>} : memref<5x64xf32, #tpu.memory_space<vmem>>, vector<16xf32>,
    %get3A_330 = arith.constant 1 : i32
    %get3A_331 = arith.index_cast %get3A_330 : i32 to index
    %get3A_332 = arith.constant 16 : index
    %get3A_333 = tpu.vector_load %arg6[%get3A_331, %get3A_332] {strides = array<i32>} : memref<5x64xf32, #tpu.memory_space<vmem>>, vector<16xf32>,
    %add3A_334 = arith.addf %get3A_329, %get3A_333 : vector<16xf32>
    %add3A_335 = arith.constant 1 : i32
    %add3A_336 = vector.broadcast %add3A_335 : i32 to vector<16xi32>
    %add3A_337 = arith.addi %mul3A_313, %add3A_336 : vector<16xi32>
    tpu.vector_store_idx %arg7[%add3A_337], %add3A_334 : memref<8192xf32, #tpu.memory_space<vmem>>[vector<16xi32>], vector<16xf32>,
    %get3A_338 = arith.constant 0 : i32
    %get3A_339 = arith.index_cast %get3A_338 : i32 to index
    %get3A_340 = arith.constant 16 : index
    %get3A_341 = tpu.vector_load %arg6[%get3A_339, %get3A_340] {strides = array<i32>} : memref<5x64xf32, #tpu.memory_space<vmem>>, vector<16xf32>,
    %get3A_342 = arith.constant 2 : i32
    %get3A_343 = arith.index_cast %get3A_342 : i32 to index
    %get3A_344 = arith.constant 16 : index
    %get3A_345 = tpu.vector_load %arg6[%get3A_343, %get3A_344] {strides = array<i32>} : memref<5x64xf32, #tpu.memory_space<vmem>>, vector<16xf32>,
    %add3A_346 = arith.addf %get3A_341, %get3A_345 : vector<16xf32>
    %add3A_347 = arith.constant 2 : i32
    %add3A_348 = vector.broadcast %add3A_347 : i32 to vector<16xi32>
    %add3A_349 = arith.addi %mul3A_313, %add3A_348 : vector<16xi32>
    tpu.vector_store_idx %arg7[%add3A_349], %add3A_346 : memref<8192xf32, #tpu.memory_space<vmem>>[vector<16xi32>], vector<16xf32>,
    %get3A_350 = arith.constant 0 : i32
    %get3A_351 = arith.index_cast %get3A_350 : i32 to index
    %get3A_352 = arith.constant 16 : index
    %get3A_353 = tpu.vector_load %arg6[%get3A_351, %get3A_352] {strides = array<i32>} : memref<5x64xf32, #tpu.memory_space<vmem>>, vector<16xf32>,
    %get3A_354 = arith.constant 3 : i32
    %get3A_355 = arith.index_cast %get3A_354 : i32 to index
    %get3A_356 = arith.constant 16 : index
    %get3A_357 = tpu.vector_load %arg6[%get3A_355, %get3A_356] {strides = array<i32>} : memref<5x64xf32, #tpu.memory_space<vmem>>, vector<16xf32>,
    %add3A_358 = arith.addf %get3A_353, %get3A_357 : vector<16xf32>
    %add3A_359 = arith.constant 3 : i32
    %add3A_360 = vector.broadcast %add3A_359 : i32 to vector<16xi32>
    %add3A_361 = arith.addi %mul3A_313, %add3A_360 : vector<16xi32>
    tpu.vector_store_idx %arg7[%add3A_361], %add3A_358 : memref<8192xf32, #tpu.memory_space<vmem>>[vector<16xi32>], vector<16xf32>,
    %get3A_362 = arith.constant 0 : i32
    %get3A_363 = arith.index_cast %get3A_362 : i32 to index
    %get3A_364 = arith.constant 16 : index
    %get3A_365 = tpu.vector_load %arg6[%get3A_363, %get3A_364] {strides = array<i32>} : memref<5x64xf32, #tpu.memory_space<vmem>>, vector<16xf32>,
    %get3A_366 = arith.constant 4 : i32
    %get3A_367 = arith.index_cast %get3A_366 : i32 to index
    %get3A_368 = arith.constant 16 : index
    %get3A_369 = tpu.vector_load %arg6[%get3A_367, %get3A_368] {strides = array<i32>} : memref<5x64xf32, #tpu.memory_space<vmem>>, vector<16xf32>,
    %add3A_370 = arith.addf %get3A_365, %get3A_369 : vector<16xf32>
    %add3A_371 = arith.constant 4 : i32
    %add3A_372 = vector.broadcast %add3A_371 : i32 to vector<16xi32>
    %add3A_373 = arith.addi %mul3A_313, %add3A_372 : vector<16xi32>
    tpu.vector_store_idx %arg7[%add3A_373], %add3A_370 : memref<8192xf32, #tpu.memory_space<vmem>>[vector<16xi32>], vector<16xf32>,
    %get3A_374 = arith.constant 1 : i32
    %get3A_375 = arith.index_cast %get3A_374 : i32 to index
    %get3A_376 = arith.constant 16 : index
    %get3A_377 = tpu.vector_load %arg6[%get3A_375, %get3A_376] {strides = array<i32>} : memref<5x64xf32, #tpu.memory_space<vmem>>, vector<16xf32>,
    %get3A_378 = arith.constant 0 : i32
    %get3A_379 = arith.index_cast %get3A_378 : i32 to index
    %get3A_380 = arith.constant 16 : index
    %get3A_381 = tpu.vector_load %arg6[%get3A_379, %get3A_380] {strides = array<i32>} : memref<5x64xf32, #tpu.memory_space<vmem>>, vector<16xf32>,
    %add3A_382 = arith.addf %get3A_377, %get3A_381 : vector<16xf32>
    %add3A_383 = arith.constant 5 : i32
    %add3A_384 = vector.broadcast %add3A_383 : i32 to vector<16xi32>
    %add3A_385 = arith.addi %mul3A_313, %add3A_384 : vector<16xi32>
    tpu.vector_store_idx %arg7[%add3A_385], %add3A_382 : memref<8192xf32, #tpu.memory_space<vmem>>[vector<16xi32>], vector<16xf32>,
    %get3A_386 = arith.constant 1 : i32
    %get3A_387 = arith.index_cast %get3A_386 : i32 to index
    %get3A_388 = arith.constant 16 : index
    %get3A_389 = tpu.vector_load %arg6[%get3A_387, %get3A_388] {strides = array<i32>} : memref<5x64xf32, #tpu.memory_space<vmem>>, vector<16xf32>,
    %get3A_390 = arith.constant 1 : i32
    %get3A_391 = arith.index_cast %get3A_390 : i32 to index
    %get3A_392 = arith.constant 16 : index
    %get3A_393 = tpu.vector_load %arg6[%get3A_391, %get3A_392] {strides = array<i32>} : memref<5x64xf32, #tpu.memory_space<vmem>>, vector<16xf32>,
    %add3A_394 = arith.addf %get3A_389, %get3A_393 : vector<16xf32>
    %add3A_395 = arith.constant 6 : i32
    %add3A_396 = vector.broadcast %add3A_395 : i32 to vector<16xi32>
    %add3A_397 = arith.addi %mul3A_313, %add3A_396 : vector<16xi32>
    tpu.vector_store_idx %arg7[%add3A_397], %add3A_394 : memref<8192xf32, #tpu.memory_space<vmem>>[vector<16xi32>], vector<16xf32>,
    %get3A_398 = arith.constant 1 : i32
    %get3A_399 = arith.index_cast %get3A_398 : i32 to index
    %get3A_400 = arith.constant 16 : index
    %get3A_401 = tpu.vector_load %arg6[%get3A_399, %get3A_400] {strides = array<i32>} : memref<5x64xf32, #tpu.memory_space<vmem>>, vector<16xf32>,
    %get3A_402 = arith.constant 2 : i32
    %get3A_403 = arith.index_cast %get3A_402 : i32 to index
    %get3A_404 = arith.constant 16 : index
    %get3A_405 = tpu.vector_load %arg6[%get3A_403, %get3A_404] {strides = array<i32>} : memref<5x64xf32, #tpu.memory_space<vmem>>, vector<16xf32>,
    %add3A_406 = arith.addf %get3A_401, %get3A_405 : vector<16xf32>
    %add3A_407 = arith.constant 7 : i32
    %add3A_408 = vector.broadcast %add3A_407 : i32 to vector<16xi32>
    %add3A_409 = arith.addi %mul3A_313, %add3A_408 : vector<16xi32>
    tpu.vector_store_idx %arg7[%add3A_409], %add3A_406 : memref<8192xf32, #tpu.memory_space<vmem>>[vector<16xi32>], vector<16xf32>,
    %get3A_410 = arith.constant 1 : i32
    %get3A_411 = arith.index_cast %get3A_410 : i32 to index
    %get3A_412 = arith.constant 16 : index
    %get3A_413 = tpu.vector_load %arg6[%get3A_411, %get3A_412] {strides = array<i32>} : memref<5x64xf32, #tpu.memory_space<vmem>>, vector<16xf32>,
    %get3A_414 = arith.constant 3 : i32
    %get3A_415 = arith.index_cast %get3A_414 : i32 to index
    %get3A_416 = arith.constant 16 : index
    %get3A_417 = tpu.vector_load %arg6[%get3A_415, %get3A_416] {strides = array<i32>} : memref<5x64xf32, #tpu.memory_space<vmem>>, vector<16xf32>,
    %add3A_418 = arith.addf %get3A_413, %get3A_417 : vector<16xf32>
    %add3A_419 = arith.constant 8 : i32
    %add3A_420 = vector.broadcast %add3A_419 : i32 to vector<16xi32>
    %add3A_421 = arith.addi %mul3A_313, %add3A_420 : vector<16xi32>
    tpu.vector_store_idx %arg7[%add3A_421], %add3A_418 : memref<8192xf32, #tpu.memory_space<vmem>>[vector<16xi32>], vector<16xf32>,
    %get3A_422 = arith.constant 1 : i32
    %get3A_423 = arith.index_cast %get3A_422 : i32 to index
    %get3A_424 = arith.constant 16 : index
    %get3A_425 = tpu.vector_load %arg6[%get3A_423, %get3A_424] {strides = array<i32>} : memref<5x64xf32, #tpu.memory_space<vmem>>, vector<16xf32>,
    %get3A_426 = arith.constant 4 : i32
    %get3A_427 = arith.index_cast %get3A_426 : i32 to index
    %get3A_428 = arith.constant 16 : index
    %get3A_429 = tpu.vector_load %arg6[%get3A_427, %get3A_428] {strides = array<i32>} : memref<5x64xf32, #tpu.memory_space<vmem>>, vector<16xf32>,
    %add3A_430 = arith.addf %get3A_425, %get3A_429 : vector<16xf32>
    %add3A_431 = arith.constant 9 : i32
    %add3A_432 = vector.broadcast %add3A_431 : i32 to vector<16xi32>
    %add3A_433 = arith.addi %mul3A_313, %add3A_432 : vector<16xi32>
    tpu.vector_store_idx %arg7[%add3A_433], %add3A_430 : memref<8192xf32, #tpu.memory_space<vmem>>[vector<16xi32>], vector<16xf32>,
    %get3A_434 = arith.constant 2 : i32
    %get3A_435 = arith.index_cast %get3A_434 : i32 to index
    %get3A_436 = arith.constant 16 : index
    %get3A_437 = tpu.vector_load %arg6[%get3A_435, %get3A_436] {strides = array<i32>} : memref<5x64xf32, #tpu.memory_space<vmem>>, vector<16xf32>,
    %get3A_438 = arith.constant 0 : i32
    %get3A_439 = arith.index_cast %get3A_438 : i32 to index
    %get3A_440 = arith.constant 16 : index
    %get3A_441 = tpu.vector_load %arg6[%get3A_439, %get3A_440] {strides = array<i32>} : memref<5x64xf32, #tpu.memory_space<vmem>>, vector<16xf32>,
    %add3A_442 = arith.addf %get3A_437, %get3A_441 : vector<16xf32>
    %add3A_443 = arith.constant 10 : i32
    %add3A_444 = vector.broadcast %add3A_443 : i32 to vector<16xi32>
    %add3A_445 = arith.addi %mul3A_313, %add3A_444 : vector<16xi32>
    tpu.vector_store_idx %arg7[%add3A_445], %add3A_442 : memref<8192xf32, #tpu.memory_space<vmem>>[vector<16xi32>], vector<16xf32>,
    %get3A_446 = arith.constant 2 : i32
    %get3A_447 = arith.index_cast %get3A_446 : i32 to index
    %get3A_448 = arith.constant 16 : index
    %get3A_449 = tpu.vector_load %arg6[%get3A_447, %get3A_448] {strides = array<i32>} : memref<5x64xf32, #tpu.memory_space<vmem>>, vector<16xf32>,
    %get3A_450 = arith.constant 1 : i32
    %get3A_451 = arith.index_cast %get3A_450 : i32 to index
    %get3A_452 = arith.constant 16 : index
    %get3A_453 = tpu.vector_load %arg6[%get3A_451, %get3A_452] {strides = array<i32>} : memref<5x64xf32, #tpu.memory_space<vmem>>, vector<16xf32>,
    %add3A_454 = arith.addf %get3A_449, %get3A_453 : vector<16xf32>
    %add3A_455 = arith.constant 11 : i32
    %add3A_456 = vector.broadcast %add3A_455 : i32 to vector<16xi32>
    %add3A_457 = arith.addi %mul3A_313, %add3A_456 : vector<16xi32>
    tpu.vector_store_idx %arg7[%add3A_457], %add3A_454 : memref<8192xf32, #tpu.memory_space<vmem>>[vector<16xi32>], vector<16xf32>,
    %get3A_458 = arith.constant 2 : i32
    %get3A_459 = arith.index_cast %get3A_458 : i32 to index
    %get3A_460 = arith.constant 16 : index
    %get3A_461 = tpu.vector_load %arg6[%get3A_459, %get3A_460] {strides = array<i32>} : memref<5x64xf32, #tpu.memory_space<vmem>>, vector<16xf32>,
    %get3A_462 = arith.constant 2 : i32
    %get3A_463 = arith.index_cast %get3A_462 : i32 to index
    %get3A_464 = arith.constant 16 : index
    %get3A_465 = tpu.vector_load %arg6[%get3A_463, %get3A_464] {strides = array<i32>} : memref<5x64xf32, #tpu.memory_space<vmem>>, vector<16xf32>,
    %add3A_466 = arith.addf %get3A_461, %get3A_465 : vector<16xf32>
    %add3A_467 = arith.constant 12 : i32
    %add3A_468 = vector.broadcast %add3A_467 : i32 to vector<16xi32>
    %add3A_469 = arith.addi %mul3A_313, %add3A_468 : vector<16xi32>
    tpu.vector_store_idx %arg7[%add3A_469], %add3A_466 : memref<8192xf32, #tpu.memory_space<vmem>>[vector<16xi32>], vector<16xf32>,
    %get3A_470 = arith.constant 2 : i32
    %get3A_471 = arith.index_cast %get3A_470 : i32 to index
    %get3A_472 = arith.constant 16 : index
    %get3A_473 = tpu.vector_load %arg6[%get3A_471, %get3A_472] {strides = array<i32>} : memref<5x64xf32, #tpu.memory_space<vmem>>, vector<16xf32>,
    %get3A_474 = arith.constant 3 : i32
    %get3A_475 = arith.index_cast %get3A_474 : i32 to index
    %get3A_476 = arith.constant 16 : index
    %get3A_477 = tpu.vector_load %arg6[%get3A_475, %get3A_476] {strides = array<i32>} : memref<5x64xf32, #tpu.memory_space<vmem>>, vector<16xf32>,
    %add3A_478 = arith.addf %get3A_473, %get3A_477 : vector<16xf32>
    %add3A_479 = arith.constant 13 : i32
    %add3A_480 = vector.broadcast %add3A_479 : i32 to vector<16xi32>
    %add3A_481 = arith.addi %mul3A_313, %add3A_480 : vector<16xi32>
    tpu.vector_store_idx %arg7[%add3A_481], %add3A_478 : memref<8192xf32, #tpu.memory_space<vmem>>[vector<16xi32>], vector<16xf32>,
    %get3A_482 = arith.constant 2 : i32
    %get3A_483 = arith.index_cast %get3A_482 : i32 to index
    %get3A_484 = arith.constant 16 : index
    %get3A_485 = tpu.vector_load %arg6[%get3A_483, %get3A_484] {strides = array<i32>} : memref<5x64xf32, #tpu.memory_space<vmem>>, vector<16xf32>,
    %get3A_486 = arith.constant 4 : i32
    %get3A_487 = arith.index_cast %get3A_486 : i32 to index
    %get3A_488 = arith.constant 16 : index
    %get3A_489 = tpu.vector_load %arg6[%get3A_487, %get3A_488] {strides = array<i32>} : memref<5x64xf32, #tpu.memory_space<vmem>>, vector<16xf32>,
    %add3A_490 = arith.addf %get3A_485, %get3A_489 : vector<16xf32>
    %add3A_491 = arith.constant 14 : i32
    %add3A_492 = vector.broadcast %add3A_491 : i32 to vector<16xi32>
    %add3A_493 = arith.addi %mul3A_313, %add3A_492 : vector<16xi32>
    tpu.vector_store_idx %arg7[%add3A_493], %add3A_490 : memref<8192xf32, #tpu.memory_space<vmem>>[vector<16xi32>], vector<16xf32>,
    %get3A_494 = arith.constant 3 : i32
    %get3A_495 = arith.index_cast %get3A_494 : i32 to index
    %get3A_496 = arith.constant 16 : index
    %get3A_497 = tpu.vector_load %arg6[%get3A_495, %get3A_496] {strides = array<i32>} : memref<5x64xf32, #tpu.memory_space<vmem>>, vector<16xf32>,
    %get3A_498 = arith.constant 0 : i32
    %get3A_499 = arith.index_cast %get3A_498 : i32 to index
    %get3A_500 = arith.constant 16 : index
    %get3A_501 = tpu.vector_load %arg6[%get3A_499, %get3A_500] {strides = array<i32>} : memref<5x64xf32, #tpu.memory_space<vmem>>, vector<16xf32>,
    %add3A_502 = arith.addf %get3A_497, %get3A_501 : vector<16xf32>
    %add3A_503 = arith.constant 15 : i32
    %add3A_504 = vector.broadcast %add3A_503 : i32 to vector<16xi32>
    %add3A_505 = arith.addi %mul3A_313, %add3A_504 : vector<16xi32>
    tpu.vector_store_idx %arg7[%add3A_505], %add3A_502 : memref<8192xf32, #tpu.memory_space<vmem>>[vector<16xi32>], vector<16xf32>,
    %get3A_506 = arith.constant 3 : i32
    %get3A_507 = arith.index_cast %get3A_506 : i32 to index
    %get3A_508 = arith.constant 16 : index
    %get3A_509 = tpu.vector_load %arg6[%get3A_507, %get3A_508] {strides = array<i32>} : memref<5x64xf32, #tpu.memory_space<vmem>>, vector<16xf32>,
    %get3A_510 = arith.constant 1 : i32
    %get3A_511 = arith.index_cast %get3A_510 : i32 to index
    %get3A_512 = arith.constant 16 : index
    %get3A_513 = tpu.vector_load %arg6[%get3A_511, %get3A_512] {strides = array<i32>} : memref<5x64xf32, #tpu.memory_space<vmem>>, vector<16xf32>,
    %add3A_514 = arith.addf %get3A_509, %get3A_513 : vector<16xf32>
    %add3A_515 = arith.constant 16 : i32
    %add3A_516 = vector.broadcast %add3A_515 : i32 to vector<16xi32>
    %add3A_517 = arith.addi %mul3A_313, %add3A_516 : vector<16xi32>
    tpu.vector_store_idx %arg7[%add3A_517], %add3A_514 : memref<8192xf32, #tpu.memory_space<vmem>>[vector<16xi32>], vector<16xf32>,
    %get3A_518 = arith.constant 3 : i32
    %get3A_519 = arith.index_cast %get3A_518 : i32 to index
    %get3A_520 = arith.constant 16 : index
    %get3A_521 = tpu.vector_load %arg6[%get3A_519, %get3A_520] {strides = array<i32>} : memref<5x64xf32, #tpu.memory_space<vmem>>, vector<16xf32>,
    %get3A_522 = arith.constant 2 : i32
    %get3A_523 = arith.index_cast %get3A_522 : i32 to index
    %get3A_524 = arith.constant 16 : index
    %get3A_525 = tpu.vector_load %arg6[%get3A_523, %get3A_524] {strides = array<i32>} : memref<5x64xf32, #tpu.memory_space<vmem>>, vector<16xf32>,
    %add3A_526 = arith.addf %get3A_521, %get3A_525 : vector<16xf32>
    %add3A_527 = arith.constant 17 : i32
    %add3A_528 = vector.broadcast %add3A_527 : i32 to vector<16xi32>
    %add3A_529 = arith.addi %mul3A_313, %add3A_528 : vector<16xi32>
    tpu.vector_store_idx %arg7[%add3A_529], %add3A_526 : memref<8192xf32, #tpu.memory_space<vmem>>[vector<16xi32>], vector<16xf32>,
    %get3A_530 = arith.constant 3 : i32
    %get3A_531 = arith.index_cast %get3A_530 : i32 to index
    %get3A_532 = arith.constant 16 : index
    %get3A_533 = tpu.vector_load %arg6[%get3A_531, %get3A_532] {strides = array<i32>} : memref<5x64xf32, #tpu.memory_space<vmem>>, vector<16xf32>,
    %get3A_534 = arith.constant 3 : i32
    %get3A_535 = arith.index_cast %get3A_534 : i32 to index
    %get3A_536 = arith.constant 16 : index
    %get3A_537 = tpu.vector_load %arg6[%get3A_535, %get3A_536] {strides = array<i32>} : memref<5x64xf32, #tpu.memory_space<vmem>>, vector<16xf32>,
    %add3A_538 = arith.addf %get3A_533, %get3A_537 : vector<16xf32>
    %add3A_539 = arith.constant 18 : i32
    %add3A_540 = vector.broadcast %add3A_539 : i32 to vector<16xi32>
    %add3A_541 = arith.addi %mul3A_313, %add3A_540 : vector<16xi32>
    tpu.vector_store_idx %arg7[%add3A_541], %add3A_538 : memref<8192xf32, #tpu.memory_space<vmem>>[vector<16xi32>], vector<16xf32>,
    %get3A_542 = arith.constant 3 : i32
    %get3A_543 = arith.index_cast %get3A_542 : i32 to index
    %get3A_544 = arith.constant 16 : index
    %get3A_545 = tpu.vector_load %arg6[%get3A_543, %get3A_544] {strides = array<i32>} : memref<5x64xf32, #tpu.memory_space<vmem>>, vector<16xf32>,
    %get3A_546 = arith.constant 4 : i32
    %get3A_547 = arith.index_cast %get3A_546 : i32 to index
    %get3A_548 = arith.constant 16 : index
    %get3A_549 = tpu.vector_load %arg6[%get3A_547, %get3A_548] {strides = array<i32>} : memref<5x64xf32, #tpu.memory_space<vmem>>, vector<16xf32>,
    %add3A_550 = arith.addf %get3A_545, %get3A_549 : vector<16xf32>
    %add3A_551 = arith.constant 19 : i32
    %add3A_552 = vector.broadcast %add3A_551 : i32 to vector<16xi32>
    %add3A_553 = arith.addi %mul3A_313, %add3A_552 : vector<16xi32>
    tpu.vector_store_idx %arg7[%add3A_553], %add3A_550 : memref<8192xf32, #tpu.memory_space<vmem>>[vector<16xi32>], vector<16xf32>,
    %get3A_554 = arith.constant 4 : i32
    %get3A_555 = arith.index_cast %get3A_554 : i32 to index
    %get3A_556 = arith.constant 16 : index
    %get3A_557 = tpu.vector_load %arg6[%get3A_555, %get3A_556] {strides = array<i32>} : memref<5x64xf32, #tpu.memory_space<vmem>>, vector<16xf32>,
    %get3A_558 = arith.constant 0 : i32
    %get3A_559 = arith.index_cast %get3A_558 : i32 to index
    %get3A_560 = arith.constant 16 : index
    %get3A_561 = tpu.vector_load %arg6[%get3A_559, %get3A_560] {strides = array<i32>} : memref<5x64xf32, #tpu.memory_space<vmem>>, vector<16xf32>,
    %add3A_562 = arith.addf %get3A_557, %get3A_561 : vector<16xf32>
    %add3A_563 = arith.constant 20 : i32
    %add3A_564 = vector.broadcast %add3A_563 : i32 to vector<16xi32>
    %add3A_565 = arith.addi %mul3A_313, %add3A_564 : vector<16xi32>
    tpu.vector_store_idx %arg7[%add3A_565], %add3A_562 : memref<8192xf32, #tpu.memory_space<vmem>>[vector<16xi32>], vector<16xf32>,
    %get3A_566 = arith.constant 4 : i32
    %get3A_567 = arith.index_cast %get3A_566 : i32 to index
    %get3A_568 = arith.constant 16 : index
    %get3A_569 = tpu.vector_load %arg6[%get3A_567, %get3A_568] {strides = array<i32>} : memref<5x64xf32, #tpu.memory_space<vmem>>, vector<16xf32>,
    %get3A_570 = arith.constant 1 : i32
    %get3A_571 = arith.index_cast %get3A_570 : i32 to index
    %get3A_572 = arith.constant 16 : index
    %get3A_573 = tpu.vector_load %arg6[%get3A_571, %get3A_572] {strides = array<i32>} : memref<5x64xf32, #tpu.memory_space<vmem>>, vector<16xf32>,
    %add3A_574 = arith.addf %get3A_569, %get3A_573 : vector<16xf32>
    %add3A_575 = arith.constant 21 : i32
    %add3A_576 = vector.broadcast %add3A_575 : i32 to vector<16xi32>
    %add3A_577 = arith.addi %mul3A_313, %add3A_576 : vector<16xi32>
    tpu.vector_store_idx %arg7[%add3A_577], %add3A_574 : memref<8192xf32, #tpu.memory_space<vmem>>[vector<16xi32>], vector<16xf32>,
    %get3A_578 = arith.constant 4 : i32
    %get3A_579 = arith.index_cast %get3A_578 : i32 to index
    %get3A_580 = arith.constant 16 : index
    %get3A_581 = tpu.vector_load %arg6[%get3A_579, %get3A_580] {strides = array<i32>} : memref<5x64xf32, #tpu.memory_space<vmem>>, vector<16xf32>,
    %get3A_582 = arith.constant 2 : i32
    %get3A_583 = arith.index_cast %get3A_582 : i32 to index
    %get3A_584 = arith.constant 16 : index
    %get3A_585 = tpu.vector_load %arg6[%get3A_583, %get3A_584] {strides = array<i32>} : memref<5x64xf32, #tpu.memory_space<vmem>>, vector<16xf32>,
    %add3A_586 = arith.addf %get3A_581, %get3A_585 : vector<16xf32>
    %add3A_587 = arith.constant 22 : i32
    %add3A_588 = vector.broadcast %add3A_587 : i32 to vector<16xi32>
    %add3A_589 = arith.addi %mul3A_313, %add3A_588 : vector<16xi32>
    tpu.vector_store_idx %arg7[%add3A_589], %add3A_586 : memref<8192xf32, #tpu.memory_space<vmem>>[vector<16xi32>], vector<16xf32>,
    %get3A_590 = arith.constant 4 : i32
    %get3A_591 = arith.index_cast %get3A_590 : i32 to index
    %get3A_592 = arith.constant 16 : index
    %get3A_593 = tpu.vector_load %arg6[%get3A_591, %get3A_592] {strides = array<i32>} : memref<5x64xf32, #tpu.memory_space<vmem>>, vector<16xf32>,
    %get3A_594 = arith.constant 3 : i32
    %get3A_595 = arith.index_cast %get3A_594 : i32 to index
    %get3A_596 = arith.constant 16 : index
    %get3A_597 = tpu.vector_load %arg6[%get3A_595, %get3A_596] {strides = array<i32>} : memref<5x64xf32, #tpu.memory_space<vmem>>, vector<16xf32>,
    %add3A_598 = arith.addf %get3A_593, %get3A_597 : vector<16xf32>
    %add3A_599 = arith.constant 23 : i32
    %add3A_600 = vector.broadcast %add3A_599 : i32 to vector<16xi32>
    %add3A_601 = arith.addi %mul3A_313, %add3A_600 : vector<16xi32>
    tpu.vector_store_idx %arg7[%add3A_601], %add3A_598 : memref<8192xf32, #tpu.memory_space<vmem>>[vector<16xi32>], vector<16xf32>,
    %get3A_602 = arith.constant 4 : i32
    %get3A_603 = arith.index_cast %get3A_602 : i32 to index
    %get3A_604 = arith.constant 16 : index
    %get3A_605 = tpu.vector_load %arg6[%get3A_603, %get3A_604] {strides = array<i32>} : memref<5x64xf32, #tpu.memory_space<vmem>>, vector<16xf32>,
    %get3A_606 = arith.constant 4 : i32
    %get3A_607 = arith.index_cast %get3A_606 : i32 to index
    %get3A_608 = arith.constant 16 : index
    %get3A_609 = tpu.vector_load %arg6[%get3A_607, %get3A_608] {strides = array<i32>} : memref<5x64xf32, #tpu.memory_space<vmem>>, vector<16xf32>,
    %add3A_610 = arith.addf %get3A_605, %get3A_609 : vector<16xf32>
    %add3A_611 = arith.constant 24 : i32
    %add3A_612 = vector.broadcast %add3A_611 : i32 to vector<16xi32>
    %add3A_613 = arith.addi %mul3A_313, %add3A_612 : vector<16xi32>
    tpu.vector_store_idx %arg7[%add3A_613], %add3A_610 : memref<8192xf32, #tpu.memory_space<vmem>>[vector<16xi32>], vector<16xf32>,
    %add3A_614 = arith.constant 32 : i32
    %add3A_615 = vector.broadcast %add3A_614 : i32 to vector<16xi32>
    %add3A_616 = arith.addi %iota3A, %add3A_615 : vector<16xi32>
    %mul3A_617 = arith.constant 128 : i32
    %mul3A_618 = vector.broadcast %mul3A_617 : i32 to vector<16xi32>
    %mul3A_619 = arith.muli %add3A_616, %mul3A_618 : vector<16xi32>
    %get3A_620 = arith.constant 0 : i32
    %get3A_621 = arith.index_cast %get3A_620 : i32 to index
    %get3A_622 = arith.constant 32 : index
    %get3A_623 = tpu.vector_load %arg6[%get3A_621, %get3A_622] {strides = array<i32>} : memref<5x64xf32, #tpu.memory_space<vmem>>, vector<16xf32>,
    %get3A_624 = arith.constant 0 : i32
    %get3A_625 = arith.index_cast %get3A_624 : i32 to index
    %get3A_626 = arith.constant 32 : index
    %get3A_627 = tpu.vector_load %arg6[%get3A_625, %get3A_626] {strides = array<i32>} : memref<5x64xf32, #tpu.memory_space<vmem>>, vector<16xf32>,
    %add3A_628 = arith.addf %get3A_623, %get3A_627 : vector<16xf32>
    %add3A_629 = arith.constant 0 : i32
    %add3A_630 = vector.broadcast %add3A_629 : i32 to vector<16xi32>
    %add3A_631 = arith.addi %mul3A_619, %add3A_630 : vector<16xi32>
    tpu.vector_store_idx %arg7[%add3A_631], %add3A_628 : memref<8192xf32, #tpu.memory_space<vmem>>[vector<16xi32>], vector<16xf32>,
    %get3A_632 = arith.constant 0 : i32
    %get3A_633 = arith.index_cast %get3A_632 : i32 to index
    %get3A_634 = arith.constant 32 : index
    %get3A_635 = tpu.vector_load %arg6[%get3A_633, %get3A_634] {strides = array<i32>} : memref<5x64xf32, #tpu.memory_space<vmem>>, vector<16xf32>,
    %get3A_636 = arith.constant 1 : i32
    %get3A_637 = arith.index_cast %get3A_636 : i32 to index
    %get3A_638 = arith.constant 32 : index
    %get3A_639 = tpu.vector_load %arg6[%get3A_637, %get3A_638] {strides = array<i32>} : memref<5x64xf32, #tpu.memory_space<vmem>>, vector<16xf32>,
    %add3A_640 = arith.addf %get3A_635, %get3A_639 : vector<16xf32>
    %add3A_641 = arith.constant 1 : i32
    %add3A_642 = vector.broadcast %add3A_641 : i32 to vector<16xi32>
    %add3A_643 = arith.addi %mul3A_619, %add3A_642 : vector<16xi32>
    tpu.vector_store_idx %arg7[%add3A_643], %add3A_640 : memref<8192xf32, #tpu.memory_space<vmem>>[vector<16xi32>], vector<16xf32>,
    %get3A_644 = arith.constant 0 : i32
    %get3A_645 = arith.index_cast %get3A_644 : i32 to index
    %get3A_646 = arith.constant 32 : index
    %get3A_647 = tpu.vector_load %arg6[%get3A_645, %get3A_646] {strides = array<i32>} : memref<5x64xf32, #tpu.memory_space<vmem>>, vector<16xf32>,
    %get3A_648 = arith.constant 2 : i32
    %get3A_649 = arith.index_cast %get3A_648 : i32 to index
    %get3A_650 = arith.constant 32 : index
    %get3A_651 = tpu.vector_load %arg6[%get3A_649, %get3A_650] {strides = array<i32>} : memref<5x64xf32, #tpu.memory_space<vmem>>, vector<16xf32>,
    %add3A_652 = arith.addf %get3A_647, %get3A_651 : vector<16xf32>
    %add3A_653 = arith.constant 2 : i32
    %add3A_654 = vector.broadcast %add3A_653 : i32 to vector<16xi32>
    %add3A_655 = arith.addi %mul3A_619, %add3A_654 : vector<16xi32>
    tpu.vector_store_idx %arg7[%add3A_655], %add3A_652 : memref<8192xf32, #tpu.memory_space<vmem>>[vector<16xi32>], vector<16xf32>,
    %get3A_656 = arith.constant 0 : i32
    %get3A_657 = arith.index_cast %get3A_656 : i32 to index
    %get3A_658 = arith.constant 32 : index
    %get3A_659 = tpu.vector_load %arg6[%get3A_657, %get3A_658] {strides = array<i32>} : memref<5x64xf32, #tpu.memory_space<vmem>>, vector<16xf32>,
    %get3A_660 = arith.constant 3 : i32
    %get3A_661 = arith.index_cast %get3A_660 : i32 to index
    %get3A_662 = arith.constant 32 : index
    %get3A_663 = tpu.vector_load %arg6[%get3A_661, %get3A_662] {strides = array<i32>} : memref<5x64xf32, #tpu.memory_space<vmem>>, vector<16xf32>,
    %add3A_664 = arith.addf %get3A_659, %get3A_663 : vector<16xf32>
    %add3A_665 = arith.constant 3 : i32
    %add3A_666 = vector.broadcast %add3A_665 : i32 to vector<16xi32>
    %add3A_667 = arith.addi %mul3A_619, %add3A_666 : vector<16xi32>
    tpu.vector_store_idx %arg7[%add3A_667], %add3A_664 : memref<8192xf32, #tpu.memory_space<vmem>>[vector<16xi32>], vector<16xf32>,
    %get3A_668 = arith.constant 0 : i32
    %get3A_669 = arith.index_cast %get3A_668 : i32 to index
    %get3A_670 = arith.constant 32 : index
    %get3A_671 = tpu.vector_load %arg6[%get3A_669, %get3A_670] {strides = array<i32>} : memref<5x64xf32, #tpu.memory_space<vmem>>, vector<16xf32>,
    %get3A_672 = arith.constant 4 : i32
    %get3A_673 = arith.index_cast %get3A_672 : i32 to index
    %get3A_674 = arith.constant 32 : index
    %get3A_675 = tpu.vector_load %arg6[%get3A_673, %get3A_674] {strides = array<i32>} : memref<5x64xf32, #tpu.memory_space<vmem>>, vector<16xf32>,
    %add3A_676 = arith.addf %get3A_671, %get3A_675 : vector<16xf32>
    %add3A_677 = arith.constant 4 : i32
    %add3A_678 = vector.broadcast %add3A_677 : i32 to vector<16xi32>
    %add3A_679 = arith.addi %mul3A_619, %add3A_678 : vector<16xi32>
    tpu.vector_store_idx %arg7[%add3A_679], %add3A_676 : memref<8192xf32, #tpu.memory_space<vmem>>[vector<16xi32>], vector<16xf32>,
    %get3A_680 = arith.constant 1 : i32
    %get3A_681 = arith.index_cast %get3A_680 : i32 to index
    %get3A_682 = arith.constant 32 : index
    %get3A_683 = tpu.vector_load %arg6[%get3A_681, %get3A_682] {strides = array<i32>} : memref<5x64xf32, #tpu.memory_space<vmem>>, vector<16xf32>,
    %get3A_684 = arith.constant 0 : i32
    %get3A_685 = arith.index_cast %get3A_684 : i32 to index
    %get3A_686 = arith.constant 32 : index
    %get3A_687 = tpu.vector_load %arg6[%get3A_685, %get3A_686] {strides = array<i32>} : memref<5x64xf32, #tpu.memory_space<vmem>>, vector<16xf32>,
    %add3A_688 = arith.addf %get3A_683, %get3A_687 : vector<16xf32>
    %add3A_689 = arith.constant 5 : i32
    %add3A_690 = vector.broadcast %add3A_689 : i32 to vector<16xi32>
    %add3A_691 = arith.addi %mul3A_619, %add3A_690 : vector<16xi32>
    tpu.vector_store_idx %arg7[%add3A_691], %add3A_688 : memref<8192xf32, #tpu.memory_space<vmem>>[vector<16xi32>], vector<16xf32>,
    %get3A_692 = arith.constant 1 : i32
    %get3A_693 = arith.index_cast %get3A_692 : i32 to index
    %get3A_694 = arith.constant 32 : index
    %get3A_695 = tpu.vector_load %arg6[%get3A_693, %get3A_694] {strides = array<i32>} : memref<5x64xf32, #tpu.memory_space<vmem>>, vector<16xf32>,
    %get3A_696 = arith.constant 1 : i32
    %get3A_697 = arith.index_cast %get3A_696 : i32 to index
    %get3A_698 = arith.constant 32 : index
    %get3A_699 = tpu.vector_load %arg6[%get3A_697, %get3A_698] {strides = array<i32>} : memref<5x64xf32, #tpu.memory_space<vmem>>, vector<16xf32>,
    %add3A_700 = arith.addf %get3A_695, %get3A_699 : vector<16xf32>
    %add3A_701 = arith.constant 6 : i32
    %add3A_702 = vector.broadcast %add3A_701 : i32 to vector<16xi32>
    %add3A_703 = arith.addi %mul3A_619, %add3A_702 : vector<16xi32>
    tpu.vector_store_idx %arg7[%add3A_703], %add3A_700 : memref<8192xf32, #tpu.memory_space<vmem>>[vector<16xi32>], vector<16xf32>,
    %get3A_704 = arith.constant 1 : i32
    %get3A_705 = arith.index_cast %get3A_704 : i32 to index
    %get3A_706 = arith.constant 32 : index
    %get3A_707 = tpu.vector_load %arg6[%get3A_705, %get3A_706] {strides = array<i32>} : memref<5x64xf32, #tpu.memory_space<vmem>>, vector<16xf32>,
    %get3A_708 = arith.constant 2 : i32
    %get3A_709 = arith.index_cast %get3A_708 : i32 to index
    %get3A_710 = arith.constant 32 : index
    %get3A_711 = tpu.vector_load %arg6[%get3A_709, %get3A_710] {strides = array<i32>} : memref<5x64xf32, #tpu.memory_space<vmem>>, vector<16xf32>,
    %add3A_712 = arith.addf %get3A_707, %get3A_711 : vector<16xf32>
    %add3A_713 = arith.constant 7 : i32
    %add3A_714 = vector.broadcast %add3A_713 : i32 to vector<16xi32>
    %add3A_715 = arith.addi %mul3A_619, %add3A_714 : vector<16xi32>
    tpu.vector_store_idx %arg7[%add3A_715], %add3A_712 : memref<8192xf32, #tpu.memory_space<vmem>>[vector<16xi32>], vector<16xf32>,
    %get3A_716 = arith.constant 1 : i32
    %get3A_717 = arith.index_cast %get3A_716 : i32 to index
    %get3A_718 = arith.constant 32 : index
    %get3A_719 = tpu.vector_load %arg6[%get3A_717, %get3A_718] {strides = array<i32>} : memref<5x64xf32, #tpu.memory_space<vmem>>, vector<16xf32>,
    %get3A_720 = arith.constant 3 : i32
    %get3A_721 = arith.index_cast %get3A_720 : i32 to index
    %get3A_722 = arith.constant 32 : index
    %get3A_723 = tpu.vector_load %arg6[%get3A_721, %get3A_722] {strides = array<i32>} : memref<5x64xf32, #tpu.memory_space<vmem>>, vector<16xf32>,
    %add3A_724 = arith.addf %get3A_719, %get3A_723 : vector<16xf32>
    %add3A_725 = arith.constant 8 : i32
    %add3A_726 = vector.broadcast %add3A_725 : i32 to vector<16xi32>
    %add3A_727 = arith.addi %mul3A_619, %add3A_726 : vector<16xi32>
    tpu.vector_store_idx %arg7[%add3A_727], %add3A_724 : memref<8192xf32, #tpu.memory_space<vmem>>[vector<16xi32>], vector<16xf32>,
    %get3A_728 = arith.constant 1 : i32
    %get3A_729 = arith.index_cast %get3A_728 : i32 to index
    %get3A_730 = arith.constant 32 : index
    %get3A_731 = tpu.vector_load %arg6[%get3A_729, %get3A_730] {strides = array<i32>} : memref<5x64xf32, #tpu.memory_space<vmem>>, vector<16xf32>,
    %get3A_732 = arith.constant 4 : i32
    %get3A_733 = arith.index_cast %get3A_732 : i32 to index
    %get3A_734 = arith.constant 32 : index
    %get3A_735 = tpu.vector_load %arg6[%get3A_733, %get3A_734] {strides = array<i32>} : memref<5x64xf32, #tpu.memory_space<vmem>>, vector<16xf32>,
    %add3A_736 = arith.addf %get3A_731, %get3A_735 : vector<16xf32>
    %add3A_737 = arith.constant 9 : i32
    %add3A_738 = vector.broadcast %add3A_737 : i32 to vector<16xi32>
    %add3A_739 = arith.addi %mul3A_619, %add3A_738 : vector<16xi32>
    tpu.vector_store_idx %arg7[%add3A_739], %add3A_736 : memref<8192xf32, #tpu.memory_space<vmem>>[vector<16xi32>], vector<16xf32>,
    %get3A_740 = arith.constant 2 : i32
    %get3A_741 = arith.index_cast %get3A_740 : i32 to index
    %get3A_742 = arith.constant 32 : index
    %get3A_743 = tpu.vector_load %arg6[%get3A_741, %get3A_742] {strides = array<i32>} : memref<5x64xf32, #tpu.memory_space<vmem>>, vector<16xf32>,
    %get3A_744 = arith.constant 0 : i32
    %get3A_745 = arith.index_cast %get3A_744 : i32 to index
    %get3A_746 = arith.constant 32 : index
    %get3A_747 = tpu.vector_load %arg6[%get3A_745, %get3A_746] {strides = array<i32>} : memref<5x64xf32, #tpu.memory_space<vmem>>, vector<16xf32>,
    %add3A_748 = arith.addf %get3A_743, %get3A_747 : vector<16xf32>
    %add3A_749 = arith.constant 10 : i32
    %add3A_750 = vector.broadcast %add3A_749 : i32 to vector<16xi32>
    %add3A_751 = arith.addi %mul3A_619, %add3A_750 : vector<16xi32>
    tpu.vector_store_idx %arg7[%add3A_751], %add3A_748 : memref<8192xf32, #tpu.memory_space<vmem>>[vector<16xi32>], vector<16xf32>,
    %get3A_752 = arith.constant 2 : i32
    %get3A_753 = arith.index_cast %get3A_752 : i32 to index
    %get3A_754 = arith.constant 32 : index
    %get3A_755 = tpu.vector_load %arg6[%get3A_753, %get3A_754] {strides = array<i32>} : memref<5x64xf32, #tpu.memory_space<vmem>>, vector<16xf32>,
    %get3A_756 = arith.constant 1 : i32
    %get3A_757 = arith.index_cast %get3A_756 : i32 to index
    %get3A_758 = arith.constant 32 : index
    %get3A_759 = tpu.vector_load %arg6[%get3A_757, %get3A_758] {strides = array<i32>} : memref<5x64xf32, #tpu.memory_space<vmem>>, vector<16xf32>,
    %add3A_760 = arith.addf %get3A_755, %get3A_759 : vector<16xf32>
    %add3A_761 = arith.constant 11 : i32
    %add3A_762 = vector.broadcast %add3A_761 : i32 to vector<16xi32>
    %add3A_763 = arith.addi %mul3A_619, %add3A_762 : vector<16xi32>
    tpu.vector_store_idx %arg7[%add3A_763], %add3A_760 : memref<8192xf32, #tpu.memory_space<vmem>>[vector<16xi32>], vector<16xf32>,
    %get3A_764 = arith.constant 2 : i32
    %get3A_765 = arith.index_cast %get3A_764 : i32 to index
    %get3A_766 = arith.constant 32 : index
    %get3A_767 = tpu.vector_load %arg6[%get3A_765, %get3A_766] {strides = array<i32>} : memref<5x64xf32, #tpu.memory_space<vmem>>, vector<16xf32>,
    %get3A_768 = arith.constant 2 : i32
    %get3A_769 = arith.index_cast %get3A_768 : i32 to index
    %get3A_770 = arith.constant 32 : index
    %get3A_771 = tpu.vector_load %arg6[%get3A_769, %get3A_770] {strides = array<i32>} : memref<5x64xf32, #tpu.memory_space<vmem>>, vector<16xf32>,
    %add3A_772 = arith.addf %get3A_767, %get3A_771 : vector<16xf32>
    %add3A_773 = arith.constant 12 : i32
    %add3A_774 = vector.broadcast %add3A_773 : i32 to vector<16xi32>
    %add3A_775 = arith.addi %mul3A_619, %add3A_774 : vector<16xi32>
    tpu.vector_store_idx %arg7[%add3A_775], %add3A_772 : memref<8192xf32, #tpu.memory_space<vmem>>[vector<16xi32>], vector<16xf32>,
    %get3A_776 = arith.constant 2 : i32
    %get3A_777 = arith.index_cast %get3A_776 : i32 to index
    %get3A_778 = arith.constant 32 : index
    %get3A_779 = tpu.vector_load %arg6[%get3A_777, %get3A_778] {strides = array<i32>} : memref<5x64xf32, #tpu.memory_space<vmem>>, vector<16xf32>,
    %get3A_780 = arith.constant 3 : i32
    %get3A_781 = arith.index_cast %get3A_780 : i32 to index
    %get3A_782 = arith.constant 32 : index
    %get3A_783 = tpu.vector_load %arg6[%get3A_781, %get3A_782] {strides = array<i32>} : memref<5x64xf32, #tpu.memory_space<vmem>>, vector<16xf32>,
    %add3A_784 = arith.addf %get3A_779, %get3A_783 : vector<16xf32>
    %add3A_785 = arith.constant 13 : i32
    %add3A_786 = vector.broadcast %add3A_785 : i32 to vector<16xi32>
    %add3A_787 = arith.addi %mul3A_619, %add3A_786 : vector<16xi32>
    tpu.vector_store_idx %arg7[%add3A_787], %add3A_784 : memref<8192xf32, #tpu.memory_space<vmem>>[vector<16xi32>], vector<16xf32>,
    %get3A_788 = arith.constant 2 : i32
    %get3A_789 = arith.index_cast %get3A_788 : i32 to index
    %get3A_790 = arith.constant 32 : index
    %get3A_791 = tpu.vector_load %arg6[%get3A_789, %get3A_790] {strides = array<i32>} : memref<5x64xf32, #tpu.memory_space<vmem>>, vector<16xf32>,
    %get3A_792 = arith.constant 4 : i32
    %get3A_793 = arith.index_cast %get3A_792 : i32 to index
    %get3A_794 = arith.constant 32 : index
    %get3A_795 = tpu.vector_load %arg6[%get3A_793, %get3A_794] {strides = array<i32>} : memref<5x64xf32, #tpu.memory_space<vmem>>, vector<16xf32>,
    %add3A_796 = arith.addf %get3A_791, %get3A_795 : vector<16xf32>
    %add3A_797 = arith.constant 14 : i32
    %add3A_798 = vector.broadcast %add3A_797 : i32 to vector<16xi32>
    %add3A_799 = arith.addi %mul3A_619, %add3A_798 : vector<16xi32>
    tpu.vector_store_idx %arg7[%add3A_799], %add3A_796 : memref<8192xf32, #tpu.memory_space<vmem>>[vector<16xi32>], vector<16xf32>,
    %get3A_800 = arith.constant 3 : i32
    %get3A_801 = arith.index_cast %get3A_800 : i32 to index
    %get3A_802 = arith.constant 32 : index
    %get3A_803 = tpu.vector_load %arg6[%get3A_801, %get3A_802] {strides = array<i32>} : memref<5x64xf32, #tpu.memory_space<vmem>>, vector<16xf32>,
    %get3A_804 = arith.constant 0 : i32
    %get3A_805 = arith.index_cast %get3A_804 : i32 to index
    %get3A_806 = arith.constant 32 : index
    %get3A_807 = tpu.vector_load %arg6[%get3A_805, %get3A_806] {strides = array<i32>} : memref<5x64xf32, #tpu.memory_space<vmem>>, vector<16xf32>,
    %add3A_808 = arith.addf %get3A_803, %get3A_807 : vector<16xf32>
    %add3A_809 = arith.constant 15 : i32
    %add3A_810 = vector.broadcast %add3A_809 : i32 to vector<16xi32>
    %add3A_811 = arith.addi %mul3A_619, %add3A_810 : vector<16xi32>
    tpu.vector_store_idx %arg7[%add3A_811], %add3A_808 : memref<8192xf32, #tpu.memory_space<vmem>>[vector<16xi32>], vector<16xf32>,
    %get3A_812 = arith.constant 3 : i32
    %get3A_813 = arith.index_cast %get3A_812 : i32 to index
    %get3A_814 = arith.constant 32 : index
    %get3A_815 = tpu.vector_load %arg6[%get3A_813, %get3A_814] {strides = array<i32>} : memref<5x64xf32, #tpu.memory_space<vmem>>, vector<16xf32>,
    %get3A_816 = arith.constant 1 : i32
    %get3A_817 = arith.index_cast %get3A_816 : i32 to index
    %get3A_818 = arith.constant 32 : index
    %get3A_819 = tpu.vector_load %arg6[%get3A_817, %get3A_818] {strides = array<i32>} : memref<5x64xf32, #tpu.memory_space<vmem>>, vector<16xf32>,
    %add3A_820 = arith.addf %get3A_815, %get3A_819 : vector<16xf32>
    %add3A_821 = arith.constant 16 : i32
    %add3A_822 = vector.broadcast %add3A_821 : i32 to vector<16xi32>
    %add3A_823 = arith.addi %mul3A_619, %add3A_822 : vector<16xi32>
    tpu.vector_store_idx %arg7[%add3A_823], %add3A_820 : memref<8192xf32, #tpu.memory_space<vmem>>[vector<16xi32>], vector<16xf32>,
    %get3A_824 = arith.constant 3 : i32
    %get3A_825 = arith.index_cast %get3A_824 : i32 to index
    %get3A_826 = arith.constant 32 : index
    %get3A_827 = tpu.vector_load %arg6[%get3A_825, %get3A_826] {strides = array<i32>} : memref<5x64xf32, #tpu.memory_space<vmem>>, vector<16xf32>,
    %get3A_828 = arith.constant 2 : i32
    %get3A_829 = arith.index_cast %get3A_828 : i32 to index
    %get3A_830 = arith.constant 32 : index
    %get3A_831 = tpu.vector_load %arg6[%get3A_829, %get3A_830] {strides = array<i32>} : memref<5x64xf32, #tpu.memory_space<vmem>>, vector<16xf32>,
    %add3A_832 = arith.addf %get3A_827, %get3A_831 : vector<16xf32>
    %add3A_833 = arith.constant 17 : i32
    %add3A_834 = vector.broadcast %add3A_833 : i32 to vector<16xi32>
    %add3A_835 = arith.addi %mul3A_619, %add3A_834 : vector<16xi32>
    tpu.vector_store_idx %arg7[%add3A_835], %add3A_832 : memref<8192xf32, #tpu.memory_space<vmem>>[vector<16xi32>], vector<16xf32>,
    %get3A_836 = arith.constant 3 : i32
    %get3A_837 = arith.index_cast %get3A_836 : i32 to index
    %get3A_838 = arith.constant 32 : index
    %get3A_839 = tpu.vector_load %arg6[%get3A_837, %get3A_838] {strides = array<i32>} : memref<5x64xf32, #tpu.memory_space<vmem>>, vector<16xf32>,
    %get3A_840 = arith.constant 3 : i32
    %get3A_841 = arith.index_cast %get3A_840 : i32 to index
    %get3A_842 = arith.constant 32 : index
    %get3A_843 = tpu.vector_load %arg6[%get3A_841, %get3A_842] {strides = array<i32>} : memref<5x64xf32, #tpu.memory_space<vmem>>, vector<16xf32>,
    %add3A_844 = arith.addf %get3A_839, %get3A_843 : vector<16xf32>
    %add3A_845 = arith.constant 18 : i32
    %add3A_846 = vector.broadcast %add3A_845 : i32 to vector<16xi32>
    %add3A_847 = arith.addi %mul3A_619, %add3A_846 : vector<16xi32>
    tpu.vector_store_idx %arg7[%add3A_847], %add3A_844 : memref<8192xf32, #tpu.memory_space<vmem>>[vector<16xi32>], vector<16xf32>,
    %get3A_848 = arith.constant 3 : i32
    %get3A_849 = arith.index_cast %get3A_848 : i32 to index
    %get3A_850 = arith.constant 32 : index
    %get3A_851 = tpu.vector_load %arg6[%get3A_849, %get3A_850] {strides = array<i32>} : memref<5x64xf32, #tpu.memory_space<vmem>>, vector<16xf32>,
    %get3A_852 = arith.constant 4 : i32
    %get3A_853 = arith.index_cast %get3A_852 : i32 to index
    %get3A_854 = arith.constant 32 : index
    %get3A_855 = tpu.vector_load %arg6[%get3A_853, %get3A_854] {strides = array<i32>} : memref<5x64xf32, #tpu.memory_space<vmem>>, vector<16xf32>,
    %add3A_856 = arith.addf %get3A_851, %get3A_855 : vector<16xf32>
    %add3A_857 = arith.constant 19 : i32
    %add3A_858 = vector.broadcast %add3A_857 : i32 to vector<16xi32>
    %add3A_859 = arith.addi %mul3A_619, %add3A_858 : vector<16xi32>
    tpu.vector_store_idx %arg7[%add3A_859], %add3A_856 : memref<8192xf32, #tpu.memory_space<vmem>>[vector<16xi32>], vector<16xf32>,
    %get3A_860 = arith.constant 4 : i32
    %get3A_861 = arith.index_cast %get3A_860 : i32 to index
    %get3A_862 = arith.constant 32 : index
    %get3A_863 = tpu.vector_load %arg6[%get3A_861, %get3A_862] {strides = array<i32>} : memref<5x64xf32, #tpu.memory_space<vmem>>, vector<16xf32>,
    %get3A_864 = arith.constant 0 : i32
    %get3A_865 = arith.index_cast %get3A_864 : i32 to index
    %get3A_866 = arith.constant 32 : index
    %get3A_867 = tpu.vector_load %arg6[%get3A_865, %get3A_866] {strides = array<i32>} : memref<5x64xf32, #tpu.memory_space<vmem>>, vector<16xf32>,
    %add3A_868 = arith.addf %get3A_863, %get3A_867 : vector<16xf32>
    %add3A_869 = arith.constant 20 : i32
    %add3A_870 = vector.broadcast %add3A_869 : i32 to vector<16xi32>
    %add3A_871 = arith.addi %mul3A_619, %add3A_870 : vector<16xi32>
    tpu.vector_store_idx %arg7[%add3A_871], %add3A_868 : memref<8192xf32, #tpu.memory_space<vmem>>[vector<16xi32>], vector<16xf32>,
    %get3A_872 = arith.constant 4 : i32
    %get3A_873 = arith.index_cast %get3A_872 : i32 to index
    %get3A_874 = arith.constant 32 : index
    %get3A_875 = tpu.vector_load %arg6[%get3A_873, %get3A_874] {strides = array<i32>} : memref<5x64xf32, #tpu.memory_space<vmem>>, vector<16xf32>,
    %get3A_876 = arith.constant 1 : i32
    %get3A_877 = arith.index_cast %get3A_876 : i32 to index
    %get3A_878 = arith.constant 32 : index
    %get3A_879 = tpu.vector_load %arg6[%get3A_877, %get3A_878] {strides = array<i32>} : memref<5x64xf32, #tpu.memory_space<vmem>>, vector<16xf32>,
    %add3A_880 = arith.addf %get3A_875, %get3A_879 : vector<16xf32>
    %add3A_881 = arith.constant 21 : i32
    %add3A_882 = vector.broadcast %add3A_881 : i32 to vector<16xi32>
    %add3A_883 = arith.addi %mul3A_619, %add3A_882 : vector<16xi32>
    tpu.vector_store_idx %arg7[%add3A_883], %add3A_880 : memref<8192xf32, #tpu.memory_space<vmem>>[vector<16xi32>], vector<16xf32>,
    %get3A_884 = arith.constant 4 : i32
    %get3A_885 = arith.index_cast %get3A_884 : i32 to index
    %get3A_886 = arith.constant 32 : index
    %get3A_887 = tpu.vector_load %arg6[%get3A_885, %get3A_886] {strides = array<i32>} : memref<5x64xf32, #tpu.memory_space<vmem>>, vector<16xf32>,
    %get3A_888 = arith.constant 2 : i32
    %get3A_889 = arith.index_cast %get3A_888 : i32 to index
    %get3A_890 = arith.constant 32 : index
    %get3A_891 = tpu.vector_load %arg6[%get3A_889, %get3A_890] {strides = array<i32>} : memref<5x64xf32, #tpu.memory_space<vmem>>, vector<16xf32>,
    %add3A_892 = arith.addf %get3A_887, %get3A_891 : vector<16xf32>
    %add3A_893 = arith.constant 22 : i32
    %add3A_894 = vector.broadcast %add3A_893 : i32 to vector<16xi32>
    %add3A_895 = arith.addi %mul3A_619, %add3A_894 : vector<16xi32>
    tpu.vector_store_idx %arg7[%add3A_895], %add3A_892 : memref<8192xf32, #tpu.memory_space<vmem>>[vector<16xi32>], vector<16xf32>,
    %get3A_896 = arith.constant 4 : i32
    %get3A_897 = arith.index_cast %get3A_896 : i32 to index
    %get3A_898 = arith.constant 32 : index
    %get3A_899 = tpu.vector_load %arg6[%get3A_897, %get3A_898] {strides = array<i32>} : memref<5x64xf32, #tpu.memory_space<vmem>>, vector<16xf32>,
    %get3A_900 = arith.constant 3 : i32
    %get3A_901 = arith.index_cast %get3A_900 : i32 to index
    %get3A_902 = arith.constant 32 : index
    %get3A_903 = tpu.vector_load %arg6[%get3A_901, %get3A_902] {strides = array<i32>} : memref<5x64xf32, #tpu.memory_space<vmem>>, vector<16xf32>,
    %add3A_904 = arith.addf %get3A_899, %get3A_903 : vector<16xf32>
    %add3A_905 = arith.constant 23 : i32
    %add3A_906 = vector.broadcast %add3A_905 : i32 to vector<16xi32>
    %add3A_907 = arith.addi %mul3A_619, %add3A_906 : vector<16xi32>
    tpu.vector_store_idx %arg7[%add3A_907], %add3A_904 : memref<8192xf32, #tpu.memory_space<vmem>>[vector<16xi32>], vector<16xf32>,
    %get3A_908 = arith.constant 4 : i32
    %get3A_909 = arith.index_cast %get3A_908 : i32 to index
    %get3A_910 = arith.constant 32 : index
    %get3A_911 = tpu.vector_load %arg6[%get3A_909, %get3A_910] {strides = array<i32>} : memref<5x64xf32, #tpu.memory_space<vmem>>, vector<16xf32>,
    %get3A_912 = arith.constant 4 : i32
    %get3A_913 = arith.index_cast %get3A_912 : i32 to index
    %get3A_914 = arith.constant 32 : index
    %get3A_915 = tpu.vector_load %arg6[%get3A_913, %get3A_914] {strides = array<i32>} : memref<5x64xf32, #tpu.memory_space<vmem>>, vector<16xf32>,
    %add3A_916 = arith.addf %get3A_911, %get3A_915 : vector<16xf32>
    %add3A_917 = arith.constant 24 : i32
    %add3A_918 = vector.broadcast %add3A_917 : i32 to vector<16xi32>
    %add3A_919 = arith.addi %mul3A_619, %add3A_918 : vector<16xi32>
    tpu.vector_store_idx %arg7[%add3A_919], %add3A_916 : memref<8192xf32, #tpu.memory_space<vmem>>[vector<16xi32>], vector<16xf32>,
    %add3A_920 = arith.constant 48 : i32
    %add3A_921 = vector.broadcast %add3A_920 : i32 to vector<16xi32>
    %add3A_922 = arith.addi %iota3A, %add3A_921 : vector<16xi32>
    %mul3A_923 = arith.constant 128 : i32
    %mul3A_924 = vector.broadcast %mul3A_923 : i32 to vector<16xi32>
    %mul3A_925 = arith.muli %add3A_922, %mul3A_924 : vector<16xi32>
    %get3A_926 = arith.constant 0 : i32
    %get3A_927 = arith.index_cast %get3A_926 : i32 to index
    %get3A_928 = arith.constant 48 : index
    %get3A_929 = tpu.vector_load %arg6[%get3A_927, %get3A_928] {strides = array<i32>} : memref<5x64xf32, #tpu.memory_space<vmem>>, vector<16xf32>,
    %get3A_930 = arith.constant 0 : i32
    %get3A_931 = arith.index_cast %get3A_930 : i32 to index
    %get3A_932 = arith.constant 48 : index
    %get3A_933 = tpu.vector_load %arg6[%get3A_931, %get3A_932] {strides = array<i32>} : memref<5x64xf32, #tpu.memory_space<vmem>>, vector<16xf32>,
    %add3A_934 = arith.addf %get3A_929, %get3A_933 : vector<16xf32>
    %add3A_935 = arith.constant 0 : i32
    %add3A_936 = vector.broadcast %add3A_935 : i32 to vector<16xi32>
    %add3A_937 = arith.addi %mul3A_925, %add3A_936 : vector<16xi32>
    tpu.vector_store_idx %arg7[%add3A_937], %add3A_934 : memref<8192xf32, #tpu.memory_space<vmem>>[vector<16xi32>], vector<16xf32>,
    %get3A_938 = arith.constant 0 : i32
    %get3A_939 = arith.index_cast %get3A_938 : i32 to index
    %get3A_940 = arith.constant 48 : index
    %get3A_941 = tpu.vector_load %arg6[%get3A_939, %get3A_940] {strides = array<i32>} : memref<5x64xf32, #tpu.memory_space<vmem>>, vector<16xf32>,
    %get3A_942 = arith.constant 1 : i32
    %get3A_943 = arith.index_cast %get3A_942 : i32 to index
    %get3A_944 = arith.constant 48 : index
    %get3A_945 = tpu.vector_load %arg6[%get3A_943, %get3A_944] {strides = array<i32>} : memref<5x64xf32, #tpu.memory_space<vmem>>, vector<16xf32>,
    %add3A_946 = arith.addf %get3A_941, %get3A_945 : vector<16xf32>
    %add3A_947 = arith.constant 1 : i32
    %add3A_948 = vector.broadcast %add3A_947 : i32 to vector<16xi32>
    %add3A_949 = arith.addi %mul3A_925, %add3A_948 : vector<16xi32>
    tpu.vector_store_idx %arg7[%add3A_949], %add3A_946 : memref<8192xf32, #tpu.memory_space<vmem>>[vector<16xi32>], vector<16xf32>,
    %get3A_950 = arith.constant 0 : i32
    %get3A_951 = arith.index_cast %get3A_950 : i32 to index
    %get3A_952 = arith.constant 48 : index
    %get3A_953 = tpu.vector_load %arg6[%get3A_951, %get3A_952] {strides = array<i32>} : memref<5x64xf32, #tpu.memory_space<vmem>>, vector<16xf32>,
    %get3A_954 = arith.constant 2 : i32
    %get3A_955 = arith.index_cast %get3A_954 : i32 to index
    %get3A_956 = arith.constant 48 : index
    %get3A_957 = tpu.vector_load %arg6[%get3A_955, %get3A_956] {strides = array<i32>} : memref<5x64xf32, #tpu.memory_space<vmem>>, vector<16xf32>,
    %add3A_958 = arith.addf %get3A_953, %get3A_957 : vector<16xf32>
    %add3A_959 = arith.constant 2 : i32
    %add3A_960 = vector.broadcast %add3A_959 : i32 to vector<16xi32>
    %add3A_961 = arith.addi %mul3A_925, %add3A_960 : vector<16xi32>
    tpu.vector_store_idx %arg7[%add3A_961], %add3A_958 : memref<8192xf32, #tpu.memory_space<vmem>>[vector<16xi32>], vector<16xf32>,
    %get3A_962 = arith.constant 0 : i32
    %get3A_963 = arith.index_cast %get3A_962 : i32 to index
    %get3A_964 = arith.constant 48 : index
    %get3A_965 = tpu.vector_load %arg6[%get3A_963, %get3A_964] {strides = array<i32>} : memref<5x64xf32, #tpu.memory_space<vmem>>, vector<16xf32>,
    %get3A_966 = arith.constant 3 : i32
    %get3A_967 = arith.index_cast %get3A_966 : i32 to index
    %get3A_968 = arith.constant 48 : index
    %get3A_969 = tpu.vector_load %arg6[%get3A_967, %get3A_968] {strides = array<i32>} : memref<5x64xf32, #tpu.memory_space<vmem>>, vector<16xf32>,
    %add3A_970 = arith.addf %get3A_965, %get3A_969 : vector<16xf32>
    %add3A_971 = arith.constant 3 : i32
    %add3A_972 = vector.broadcast %add3A_971 : i32 to vector<16xi32>
    %add3A_973 = arith.addi %mul3A_925, %add3A_972 : vector<16xi32>
    tpu.vector_store_idx %arg7[%add3A_973], %add3A_970 : memref<8192xf32, #tpu.memory_space<vmem>>[vector<16xi32>], vector<16xf32>,
    %get3A_974 = arith.constant 0 : i32
    %get3A_975 = arith.index_cast %get3A_974 : i32 to index
    %get3A_976 = arith.constant 48 : index
    %get3A_977 = tpu.vector_load %arg6[%get3A_975, %get3A_976] {strides = array<i32>} : memref<5x64xf32, #tpu.memory_space<vmem>>, vector<16xf32>,
    %get3A_978 = arith.constant 4 : i32
    %get3A_979 = arith.index_cast %get3A_978 : i32 to index
    %get3A_980 = arith.constant 48 : index
    %get3A_981 = tpu.vector_load %arg6[%get3A_979, %get3A_980] {strides = array<i32>} : memref<5x64xf32, #tpu.memory_space<vmem>>, vector<16xf32>,
    %add3A_982 = arith.addf %get3A_977, %get3A_981 : vector<16xf32>
    %add3A_983 = arith.constant 4 : i32
    %add3A_984 = vector.broadcast %add3A_983 : i32 to vector<16xi32>
    %add3A_985 = arith.addi %mul3A_925, %add3A_984 : vector<16xi32>
    tpu.vector_store_idx %arg7[%add3A_985], %add3A_982 : memref<8192xf32, #tpu.memory_space<vmem>>[vector<16xi32>], vector<16xf32>,
    %get3A_986 = arith.constant 1 : i32
    %get3A_987 = arith.index_cast %get3A_986 : i32 to index
    %get3A_988 = arith.constant 48 : index
    %get3A_989 = tpu.vector_load %arg6[%get3A_987, %get3A_988] {strides = array<i32>} : memref<5x64xf32, #tpu.memory_space<vmem>>, vector<16xf32>,
    %get3A_990 = arith.constant 0 : i32
    %get3A_991 = arith.index_cast %get3A_990 : i32 to index
    %get3A_992 = arith.constant 48 : index
    %get3A_993 = tpu.vector_load %arg6[%get3A_991, %get3A_992] {strides = array<i32>} : memref<5x64xf32, #tpu.memory_space<vmem>>, vector<16xf32>,
    %add3A_994 = arith.addf %get3A_989, %get3A_993 : vector<16xf32>
    %add3A_995 = arith.constant 5 : i32
    %add3A_996 = vector.broadcast %add3A_995 : i32 to vector<16xi32>
    %add3A_997 = arith.addi %mul3A_925, %add3A_996 : vector<16xi32>
    tpu.vector_store_idx %arg7[%add3A_997], %add3A_994 : memref<8192xf32, #tpu.memory_space<vmem>>[vector<16xi32>], vector<16xf32>,
    %get3A_998 = arith.constant 1 : i32
    %get3A_999 = arith.index_cast %get3A_998 : i32 to index
    %get3A_1000 = arith.constant 48 : index
    %get3A_1001 = tpu.vector_load %arg6[%get3A_999, %get3A_1000] {strides = array<i32>} : memref<5x64xf32, #tpu.memory_space<vmem>>, vector<16xf32>,
    %get3A_1002 = arith.constant 1 : i32
    %get3A_1003 = arith.index_cast %get3A_1002 : i32 to index
    %get3A_1004 = arith.constant 48 : index
    %get3A_1005 = tpu.vector_load %arg6[%get3A_1003, %get3A_1004] {strides = array<i32>} : memref<5x64xf32, #tpu.memory_space<vmem>>, vector<16xf32>,
    %add3A_1006 = arith.addf %get3A_1001, %get3A_1005 : vector<16xf32>
    %add3A_1007 = arith.constant 6 : i32
    %add3A_1008 = vector.broadcast %add3A_1007 : i32 to vector<16xi32>
    %add3A_1009 = arith.addi %mul3A_925, %add3A_1008 : vector<16xi32>
    tpu.vector_store_idx %arg7[%add3A_1009], %add3A_1006 : memref<8192xf32, #tpu.memory_space<vmem>>[vector<16xi32>], vector<16xf32>,
    %get3A_1010 = arith.constant 1 : i32
    %get3A_1011 = arith.index_cast %get3A_1010 : i32 to index
    %get3A_1012 = arith.constant 48 : index
    %get3A_1013 = tpu.vector_load %arg6[%get3A_1011, %get3A_1012] {strides = array<i32>} : memref<5x64xf32, #tpu.memory_space<vmem>>, vector<16xf32>,
    %get3A_1014 = arith.constant 2 : i32
    %get3A_1015 = arith.index_cast %get3A_1014 : i32 to index
    %get3A_1016 = arith.constant 48 : index
    %get3A_1017 = tpu.vector_load %arg6[%get3A_1015, %get3A_1016] {strides = array<i32>} : memref<5x64xf32, #tpu.memory_space<vmem>>, vector<16xf32>,
    %add3A_1018 = arith.addf %get3A_1013, %get3A_1017 : vector<16xf32>
    %add3A_1019 = arith.constant 7 : i32
    %add3A_1020 = vector.broadcast %add3A_1019 : i32 to vector<16xi32>
    %add3A_1021 = arith.addi %mul3A_925, %add3A_1020 : vector<16xi32>
    tpu.vector_store_idx %arg7[%add3A_1021], %add3A_1018 : memref<8192xf32, #tpu.memory_space<vmem>>[vector<16xi32>], vector<16xf32>,
    %get3A_1022 = arith.constant 1 : i32
    %get3A_1023 = arith.index_cast %get3A_1022 : i32 to index
    %get3A_1024 = arith.constant 48 : index
    %get3A_1025 = tpu.vector_load %arg6[%get3A_1023, %get3A_1024] {strides = array<i32>} : memref<5x64xf32, #tpu.memory_space<vmem>>, vector<16xf32>,
    %get3A_1026 = arith.constant 3 : i32
    %get3A_1027 = arith.index_cast %get3A_1026 : i32 to index
    %get3A_1028 = arith.constant 48 : index
    %get3A_1029 = tpu.vector_load %arg6[%get3A_1027, %get3A_1028] {strides = array<i32>} : memref<5x64xf32, #tpu.memory_space<vmem>>, vector<16xf32>,
    %add3A_1030 = arith.addf %get3A_1025, %get3A_1029 : vector<16xf32>
    %add3A_1031 = arith.constant 8 : i32
    %add3A_1032 = vector.broadcast %add3A_1031 : i32 to vector<16xi32>
    %add3A_1033 = arith.addi %mul3A_925, %add3A_1032 : vector<16xi32>
    tpu.vector_store_idx %arg7[%add3A_1033], %add3A_1030 : memref<8192xf32, #tpu.memory_space<vmem>>[vector<16xi32>], vector<16xf32>,
    %get3A_1034 = arith.constant 1 : i32
    %get3A_1035 = arith.index_cast %get3A_1034 : i32 to index
    %get3A_1036 = arith.constant 48 : index
    %get3A_1037 = tpu.vector_load %arg6[%get3A_1035, %get3A_1036] {strides = array<i32>} : memref<5x64xf32, #tpu.memory_space<vmem>>, vector<16xf32>,
    %get3A_1038 = arith.constant 4 : i32
    %get3A_1039 = arith.index_cast %get3A_1038 : i32 to index
    %get3A_1040 = arith.constant 48 : index
    %get3A_1041 = tpu.vector_load %arg6[%get3A_1039, %get3A_1040] {strides = array<i32>} : memref<5x64xf32, #tpu.memory_space<vmem>>, vector<16xf32>,
    %add3A_1042 = arith.addf %get3A_1037, %get3A_1041 : vector<16xf32>
    %add3A_1043 = arith.constant 9 : i32
    %add3A_1044 = vector.broadcast %add3A_1043 : i32 to vector<16xi32>
    %add3A_1045 = arith.addi %mul3A_925, %add3A_1044 : vector<16xi32>
    tpu.vector_store_idx %arg7[%add3A_1045], %add3A_1042 : memref<8192xf32, #tpu.memory_space<vmem>>[vector<16xi32>], vector<16xf32>,
    %get3A_1046 = arith.constant 2 : i32
    %get3A_1047 = arith.index_cast %get3A_1046 : i32 to index
    %get3A_1048 = arith.constant 48 : index
    %get3A_1049 = tpu.vector_load %arg6[%get3A_1047, %get3A_1048] {strides = array<i32>} : memref<5x64xf32, #tpu.memory_space<vmem>>, vector<16xf32>,
    %get3A_1050 = arith.constant 0 : i32
    %get3A_1051 = arith.index_cast %get3A_1050 : i32 to index
    %get3A_1052 = arith.constant 48 : index
    %get3A_1053 = tpu.vector_load %arg6[%get3A_1051, %get3A_1052] {strides = array<i32>} : memref<5x64xf32, #tpu.memory_space<vmem>>, vector<16xf32>,
    %add3A_1054 = arith.addf %get3A_1049, %get3A_1053 : vector<16xf32>
    %add3A_1055 = arith.constant 10 : i32
    %add3A_1056 = vector.broadcast %add3A_1055 : i32 to vector<16xi32>
    %add3A_1057 = arith.addi %mul3A_925, %add3A_1056 : vector<16xi32>
    tpu.vector_store_idx %arg7[%add3A_1057], %add3A_1054 : memref<8192xf32, #tpu.memory_space<vmem>>[vector<16xi32>], vector<16xf32>,
    %get3A_1058 = arith.constant 2 : i32
    %get3A_1059 = arith.index_cast %get3A_1058 : i32 to index
    %get3A_1060 = arith.constant 48 : index
    %get3A_1061 = tpu.vector_load %arg6[%get3A_1059, %get3A_1060] {strides = array<i32>} : memref<5x64xf32, #tpu.memory_space<vmem>>, vector<16xf32>,
    %get3A_1062 = arith.constant 1 : i32
    %get3A_1063 = arith.index_cast %get3A_1062 : i32 to index
    %get3A_1064 = arith.constant 48 : index
    %get3A_1065 = tpu.vector_load %arg6[%get3A_1063, %get3A_1064] {strides = array<i32>} : memref<5x64xf32, #tpu.memory_space<vmem>>, vector<16xf32>,
    %add3A_1066 = arith.addf %get3A_1061, %get3A_1065 : vector<16xf32>
    %add3A_1067 = arith.constant 11 : i32
    %add3A_1068 = vector.broadcast %add3A_1067 : i32 to vector<16xi32>
    %add3A_1069 = arith.addi %mul3A_925, %add3A_1068 : vector<16xi32>
    tpu.vector_store_idx %arg7[%add3A_1069], %add3A_1066 : memref<8192xf32, #tpu.memory_space<vmem>>[vector<16xi32>], vector<16xf32>,
    %get3A_1070 = arith.constant 2 : i32
    %get3A_1071 = arith.index_cast %get3A_1070 : i32 to index
    %get3A_1072 = arith.constant 48 : index
    %get3A_1073 = tpu.vector_load %arg6[%get3A_1071, %get3A_1072] {strides = array<i32>} : memref<5x64xf32, #tpu.memory_space<vmem>>, vector<16xf32>,
    %get3A_1074 = arith.constant 2 : i32
    %get3A_1075 = arith.index_cast %get3A_1074 : i32 to index
    %get3A_1076 = arith.constant 48 : index
    %get3A_1077 = tpu.vector_load %arg6[%get3A_1075, %get3A_1076] {strides = array<i32>} : memref<5x64xf32, #tpu.memory_space<vmem>>, vector<16xf32>,
    %add3A_1078 = arith.addf %get3A_1073, %get3A_1077 : vector<16xf32>
    %add3A_1079 = arith.constant 12 : i32
    %add3A_1080 = vector.broadcast %add3A_1079 : i32 to vector<16xi32>
    %add3A_1081 = arith.addi %mul3A_925, %add3A_1080 : vector<16xi32>
    tpu.vector_store_idx %arg7[%add3A_1081], %add3A_1078 : memref<8192xf32, #tpu.memory_space<vmem>>[vector<16xi32>], vector<16xf32>,
    %get3A_1082 = arith.constant 2 : i32
    %get3A_1083 = arith.index_cast %get3A_1082 : i32 to index
    %get3A_1084 = arith.constant 48 : index
    %get3A_1085 = tpu.vector_load %arg6[%get3A_1083, %get3A_1084] {strides = array<i32>} : memref<5x64xf32, #tpu.memory_space<vmem>>, vector<16xf32>,
    %get3A_1086 = arith.constant 3 : i32
    %get3A_1087 = arith.index_cast %get3A_1086 : i32 to index
    %get3A_1088 = arith.constant 48 : index
    %get3A_1089 = tpu.vector_load %arg6[%get3A_1087, %get3A_1088] {strides = array<i32>} : memref<5x64xf32, #tpu.memory_space<vmem>>, vector<16xf32>,
    %add3A_1090 = arith.addf %get3A_1085, %get3A_1089 : vector<16xf32>
    %add3A_1091 = arith.constant 13 : i32
    %add3A_1092 = vector.broadcast %add3A_1091 : i32 to vector<16xi32>
    %add3A_1093 = arith.addi %mul3A_925, %add3A_1092 : vector<16xi32>
    tpu.vector_store_idx %arg7[%add3A_1093], %add3A_1090 : memref<8192xf32, #tpu.memory_space<vmem>>[vector<16xi32>], vector<16xf32>,
    %get3A_1094 = arith.constant 2 : i32
    %get3A_1095 = arith.index_cast %get3A_1094 : i32 to index
    %get3A_1096 = arith.constant 48 : index
    %get3A_1097 = tpu.vector_load %arg6[%get3A_1095, %get3A_1096] {strides = array<i32>} : memref<5x64xf32, #tpu.memory_space<vmem>>, vector<16xf32>,
    %get3A_1098 = arith.constant 4 : i32
    %get3A_1099 = arith.index_cast %get3A_1098 : i32 to index
    %get3A_1100 = arith.constant 48 : index
    %get3A_1101 = tpu.vector_load %arg6[%get3A_1099, %get3A_1100] {strides = array<i32>} : memref<5x64xf32, #tpu.memory_space<vmem>>, vector<16xf32>,
    %add3A_1102 = arith.addf %get3A_1097, %get3A_1101 : vector<16xf32>
    %add3A_1103 = arith.constant 14 : i32
    %add3A_1104 = vector.broadcast %add3A_1103 : i32 to vector<16xi32>
    %add3A_1105 = arith.addi %mul3A_925, %add3A_1104 : vector<16xi32>
    tpu.vector_store_idx %arg7[%add3A_1105], %add3A_1102 : memref<8192xf32, #tpu.memory_space<vmem>>[vector<16xi32>], vector<16xf32>,
    %get3A_1106 = arith.constant 3 : i32
    %get3A_1107 = arith.index_cast %get3A_1106 : i32 to index
    %get3A_1108 = arith.constant 48 : index
    %get3A_1109 = tpu.vector_load %arg6[%get3A_1107, %get3A_1108] {strides = array<i32>} : memref<5x64xf32, #tpu.memory_space<vmem>>, vector<16xf32>,
    %get3A_1110 = arith.constant 0 : i32
    %get3A_1111 = arith.index_cast %get3A_1110 : i32 to index
    %get3A_1112 = arith.constant 48 : index
    %get3A_1113 = tpu.vector_load %arg6[%get3A_1111, %get3A_1112] {strides = array<i32>} : memref<5x64xf32, #tpu.memory_space<vmem>>, vector<16xf32>,
    %add3A_1114 = arith.addf %get3A_1109, %get3A_1113 : vector<16xf32>
    %add3A_1115 = arith.constant 15 : i32
    %add3A_1116 = vector.broadcast %add3A_1115 : i32 to vector<16xi32>
    %add3A_1117 = arith.addi %mul3A_925, %add3A_1116 : vector<16xi32>
    tpu.vector_store_idx %arg7[%add3A_1117], %add3A_1114 : memref<8192xf32, #tpu.memory_space<vmem>>[vector<16xi32>], vector<16xf32>,
    %get3A_1118 = arith.constant 3 : i32
    %get3A_1119 = arith.index_cast %get3A_1118 : i32 to index
    %get3A_1120 = arith.constant 48 : index
    %get3A_1121 = tpu.vector_load %arg6[%get3A_1119, %get3A_1120] {strides = array<i32>} : memref<5x64xf32, #tpu.memory_space<vmem>>, vector<16xf32>,
    %get3A_1122 = arith.constant 1 : i32
    %get3A_1123 = arith.index_cast %get3A_1122 : i32 to index
    %get3A_1124 = arith.constant 48 : index
    %get3A_1125 = tpu.vector_load %arg6[%get3A_1123, %get3A_1124] {strides = array<i32>} : memref<5x64xf32, #tpu.memory_space<vmem>>, vector<16xf32>,
    %add3A_1126 = arith.addf %get3A_1121, %get3A_1125 : vector<16xf32>
    %add3A_1127 = arith.constant 16 : i32
    %add3A_1128 = vector.broadcast %add3A_1127 : i32 to vector<16xi32>
    %add3A_1129 = arith.addi %mul3A_925, %add3A_1128 : vector<16xi32>
    tpu.vector_store_idx %arg7[%add3A_1129], %add3A_1126 : memref<8192xf32, #tpu.memory_space<vmem>>[vector<16xi32>], vector<16xf32>,
    %get3A_1130 = arith.constant 3 : i32
    %get3A_1131 = arith.index_cast %get3A_1130 : i32 to index
    %get3A_1132 = arith.constant 48 : index
    %get3A_1133 = tpu.vector_load %arg6[%get3A_1131, %get3A_1132] {strides = array<i32>} : memref<5x64xf32, #tpu.memory_space<vmem>>, vector<16xf32>,
    %get3A_1134 = arith.constant 2 : i32
    %get3A_1135 = arith.index_cast %get3A_1134 : i32 to index
    %get3A_1136 = arith.constant 48 : index
    %get3A_1137 = tpu.vector_load %arg6[%get3A_1135, %get3A_1136] {strides = array<i32>} : memref<5x64xf32, #tpu.memory_space<vmem>>, vector<16xf32>,
    %add3A_1138 = arith.addf %get3A_1133, %get3A_1137 : vector<16xf32>
    %add3A_1139 = arith.constant 17 : i32
    %add3A_1140 = vector.broadcast %add3A_1139 : i32 to vector<16xi32>
    %add3A_1141 = arith.addi %mul3A_925, %add3A_1140 : vector<16xi32>
    tpu.vector_store_idx %arg7[%add3A_1141], %add3A_1138 : memref<8192xf32, #tpu.memory_space<vmem>>[vector<16xi32>], vector<16xf32>,
    %get3A_1142 = arith.constant 3 : i32
    %get3A_1143 = arith.index_cast %get3A_1142 : i32 to index
    %get3A_1144 = arith.constant 48 : index
    %get3A_1145 = tpu.vector_load %arg6[%get3A_1143, %get3A_1144] {strides = array<i32>} : memref<5x64xf32, #tpu.memory_space<vmem>>, vector<16xf32>,
    %get3A_1146 = arith.constant 3 : i32
    %get3A_1147 = arith.index_cast %get3A_1146 : i32 to index
    %get3A_1148 = arith.constant 48 : index
    %get3A_1149 = tpu.vector_load %arg6[%get3A_1147, %get3A_1148] {strides = array<i32>} : memref<5x64xf32, #tpu.memory_space<vmem>>, vector<16xf32>,
    %add3A_1150 = arith.addf %get3A_1145, %get3A_1149 : vector<16xf32>
    %add3A_1151 = arith.constant 18 : i32
    %add3A_1152 = vector.broadcast %add3A_1151 : i32 to vector<16xi32>
    %add3A_1153 = arith.addi %mul3A_925, %add3A_1152 : vector<16xi32>
    tpu.vector_store_idx %arg7[%add3A_1153], %add3A_1150 : memref<8192xf32, #tpu.memory_space<vmem>>[vector<16xi32>], vector<16xf32>,
    %get3A_1154 = arith.constant 3 : i32
    %get3A_1155 = arith.index_cast %get3A_1154 : i32 to index
    %get3A_1156 = arith.constant 48 : index
    %get3A_1157 = tpu.vector_load %arg6[%get3A_1155, %get3A_1156] {strides = array<i32>} : memref<5x64xf32, #tpu.memory_space<vmem>>, vector<16xf32>,
    %get3A_1158 = arith.constant 4 : i32
    %get3A_1159 = arith.index_cast %get3A_1158 : i32 to index
    %get3A_1160 = arith.constant 48 : index
    %get3A_1161 = tpu.vector_load %arg6[%get3A_1159, %get3A_1160] {strides = array<i32>} : memref<5x64xf32, #tpu.memory_space<vmem>>, vector<16xf32>,
    %add3A_1162 = arith.addf %get3A_1157, %get3A_1161 : vector<16xf32>
    %add3A_1163 = arith.constant 19 : i32
    %add3A_1164 = vector.broadcast %add3A_1163 : i32 to vector<16xi32>
    %add3A_1165 = arith.addi %mul3A_925, %add3A_1164 : vector<16xi32>
    tpu.vector_store_idx %arg7[%add3A_1165], %add3A_1162 : memref<8192xf32, #tpu.memory_space<vmem>>[vector<16xi32>], vector<16xf32>,
    %get3A_1166 = arith.constant 4 : i32
    %get3A_1167 = arith.index_cast %get3A_1166 : i32 to index
    %get3A_1168 = arith.constant 48 : index
    %get3A_1169 = tpu.vector_load %arg6[%get3A_1167, %get3A_1168] {strides = array<i32>} : memref<5x64xf32, #tpu.memory_space<vmem>>, vector<16xf32>,
    %get3A_1170 = arith.constant 0 : i32
    %get3A_1171 = arith.index_cast %get3A_1170 : i32 to index
    %get3A_1172 = arith.constant 48 : index
    %get3A_1173 = tpu.vector_load %arg6[%get3A_1171, %get3A_1172] {strides = array<i32>} : memref<5x64xf32, #tpu.memory_space<vmem>>, vector<16xf32>,
    %add3A_1174 = arith.addf %get3A_1169, %get3A_1173 : vector<16xf32>
    %add3A_1175 = arith.constant 20 : i32
    %add3A_1176 = vector.broadcast %add3A_1175 : i32 to vector<16xi32>
    %add3A_1177 = arith.addi %mul3A_925, %add3A_1176 : vector<16xi32>
    tpu.vector_store_idx %arg7[%add3A_1177], %add3A_1174 : memref<8192xf32, #tpu.memory_space<vmem>>[vector<16xi32>], vector<16xf32>,
    %get3A_1178 = arith.constant 4 : i32
    %get3A_1179 = arith.index_cast %get3A_1178 : i32 to index
    %get3A_1180 = arith.constant 48 : index
    %get3A_1181 = tpu.vector_load %arg6[%get3A_1179, %get3A_1180] {strides = array<i32>} : memref<5x64xf32, #tpu.memory_space<vmem>>, vector<16xf32>,
    %get3A_1182 = arith.constant 1 : i32
    %get3A_1183 = arith.index_cast %get3A_1182 : i32 to index
    %get3A_1184 = arith.constant 48 : index
    %get3A_1185 = tpu.vector_load %arg6[%get3A_1183, %get3A_1184] {strides = array<i32>} : memref<5x64xf32, #tpu.memory_space<vmem>>, vector<16xf32>,
    %add3A_1186 = arith.addf %get3A_1181, %get3A_1185 : vector<16xf32>
    %add3A_1187 = arith.constant 21 : i32
    %add3A_1188 = vector.broadcast %add3A_1187 : i32 to vector<16xi32>
    %add3A_1189 = arith.addi %mul3A_925, %add3A_1188 : vector<16xi32>
    tpu.vector_store_idx %arg7[%add3A_1189], %add3A_1186 : memref<8192xf32, #tpu.memory_space<vmem>>[vector<16xi32>], vector<16xf32>,
    %get3A_1190 = arith.constant 4 : i32
    %get3A_1191 = arith.index_cast %get3A_1190 : i32 to index
    %get3A_1192 = arith.constant 48 : index
    %get3A_1193 = tpu.vector_load %arg6[%get3A_1191, %get3A_1192] {strides = array<i32>} : memref<5x64xf32, #tpu.memory_space<vmem>>, vector<16xf32>,
    %get3A_1194 = arith.constant 2 : i32
    %get3A_1195 = arith.index_cast %get3A_1194 : i32 to index
    %get3A_1196 = arith.constant 48 : index
    %get3A_1197 = tpu.vector_load %arg6[%get3A_1195, %get3A_1196] {strides = array<i32>} : memref<5x64xf32, #tpu.memory_space<vmem>>, vector<16xf32>,
    %add3A_1198 = arith.addf %get3A_1193, %get3A_1197 : vector<16xf32>
    %add3A_1199 = arith.constant 22 : i32
    %add3A_1200 = vector.broadcast %add3A_1199 : i32 to vector<16xi32>
    %add3A_1201 = arith.addi %mul3A_925, %add3A_1200 : vector<16xi32>
    tpu.vector_store_idx %arg7[%add3A_1201], %add3A_1198 : memref<8192xf32, #tpu.memory_space<vmem>>[vector<16xi32>], vector<16xf32>,
    %get3A_1202 = arith.constant 4 : i32
    %get3A_1203 = arith.index_cast %get3A_1202 : i32 to index
    %get3A_1204 = arith.constant 48 : index
    %get3A_1205 = tpu.vector_load %arg6[%get3A_1203, %get3A_1204] {strides = array<i32>} : memref<5x64xf32, #tpu.memory_space<vmem>>, vector<16xf32>,
    %get3A_1206 = arith.constant 3 : i32
    %get3A_1207 = arith.index_cast %get3A_1206 : i32 to index
    %get3A_1208 = arith.constant 48 : index
    %get3A_1209 = tpu.vector_load %arg6[%get3A_1207, %get3A_1208] {strides = array<i32>} : memref<5x64xf32, #tpu.memory_space<vmem>>, vector<16xf32>,
    %add3A_1210 = arith.addf %get3A_1205, %get3A_1209 : vector<16xf32>
    %add3A_1211 = arith.constant 23 : i32
    %add3A_1212 = vector.broadcast %add3A_1211 : i32 to vector<16xi32>
    %add3A_1213 = arith.addi %mul3A_925, %add3A_1212 : vector<16xi32>
    tpu.vector_store_idx %arg7[%add3A_1213], %add3A_1210 : memref<8192xf32, #tpu.memory_space<vmem>>[vector<16xi32>], vector<16xf32>,
    %get3A_1214 = arith.constant 4 : i32
    %get3A_1215 = arith.index_cast %get3A_1214 : i32 to index
    %get3A_1216 = arith.constant 48 : index
    %get3A_1217 = tpu.vector_load %arg6[%get3A_1215, %get3A_1216] {strides = array<i32>} : memref<5x64xf32, #tpu.memory_space<vmem>>, vector<16xf32>,
    %get3A_1218 = arith.constant 4 : i32
    %get3A_1219 = arith.index_cast %get3A_1218 : i32 to index
    %get3A_1220 = arith.constant 48 : index
    %get3A_1221 = tpu.vector_load %arg6[%get3A_1219, %get3A_1220] {strides = array<i32>} : memref<5x64xf32, #tpu.memory_space<vmem>>, vector<16xf32>,
    %add3A_1222 = arith.addf %get3A_1217, %get3A_1221 : vector<16xf32>
    %add3A_1223 = arith.constant 24 : i32
    %add3A_1224 = vector.broadcast %add3A_1223 : i32 to vector<16xi32>
    %add3A_1225 = arith.addi %mul3A_925, %add3A_1224 : vector<16xi32>
    tpu.vector_store_idx %arg7[%add3A_1225], %add3A_1222 : memref<8192xf32, #tpu.memory_space<vmem>>[vector<16xi32>], vector<16xf32>,
    "tpu.region"() ({
      %run_scoped3A = tpu.sem_alloc : memref<!tpu.dma_semaphore, #tpu.memory_space<semaphore_mem>>
      %dma_start3A = arith.constant 0 : i32
      %dma_start3A_1262 = tpu.memref_slice %arg2[%dma_start3A, %multiple_of3A] : memref<50x4096xi32, #tpu.memory_space<hbm>> -> memref<50x128xi32, #tpu.memory_space<hbm>>
      %dma_start3A_1263 = arith.constant 0 : i32
      %dma_start3A_1264 = tpu.memref_slice %arg2[%dma_start3A_1263, %multiple_of3A] : memref<50x4096xi32, #tpu.memory_space<hbm>> -> memref<50x128xi32, #tpu.memory_space<hbm>>
      tpu.enqueue_dma source(%dma_start3A_1264 : memref<50x128xi32, #tpu.memory_space<hbm>>) target(%arg8 : memref<50x128xi32, #tpu.memory_space<vmem>>) target_semaphore(%run_scoped3A : memref<!tpu.dma_semaphore, #tpu.memory_space<semaphore_mem>>)
      %dma_wait3A_1265 = arith.constant 0 : i32
      %dma_wait3A_1266 = tpu.memref_slice %arg2[%dma_wait3A_1265, %multiple_of3A] : memref<50x4096xi32, #tpu.memory_space<hbm>> -> memref<50x128xi32, #tpu.memory_space<hbm>>
      %dma_wait3A_1267 = arith.constant 0 : i32
      %dma_wait3A_1268 = tpu.memref_slice %arg2[%dma_wait3A_1267, %multiple_of3A] : memref<50x4096xi32, #tpu.memory_space<hbm>> -> memref<50x128xi32, #tpu.memory_space<hbm>>
      tpu.wait_dma2 semaphore(%run_scoped3A : memref<!tpu.dma_semaphore, #tpu.memory_space<semaphore_mem>>) src(%dma_wait3A_1268 : memref<50x128xi32, #tpu.memory_space<hbm>>) dst(%arg8 : memref<50x128xi32, #tpu.memory_space<vmem>>)
      tpu.yield
    }) : () -> ()
    "tpu.region"() ({
      %run_scoped3A = tpu.sem_alloc : memref<!tpu.dma_semaphore, #tpu.memory_space<semaphore_mem>>
      %dma_start3A = arith.constant 0 : i32
      %dma_start3A_1262 = tpu.memref_slice %arg3[%dma_start3A, %multiple_of3A] : memref<50x4096xf32, #tpu.memory_space<hbm>> -> memref<50x128xf32, #tpu.memory_space<hbm>>
      %dma_start3A_1263 = arith.constant 0 : i32
      %dma_start3A_1264 = tpu.memref_slice %arg3[%dma_start3A_1263, %multiple_of3A] : memref<50x4096xf32, #tpu.memory_space<hbm>> -> memref<50x128xf32, #tpu.memory_space<hbm>>
      tpu.enqueue_dma source(%dma_start3A_1264 : memref<50x128xf32, #tpu.memory_space<hbm>>) target(%arg9 : memref<50x128xf32, #tpu.memory_space<vmem>>) target_semaphore(%run_scoped3A : memref<!tpu.dma_semaphore, #tpu.memory_space<semaphore_mem>>)
      %dma_wait3A_1265 = arith.constant 0 : i32
      %dma_wait3A_1266 = tpu.memref_slice %arg3[%dma_wait3A_1265, %multiple_of3A] : memref<50x4096xf32, #tpu.memory_space<hbm>> -> memref<50x128xf32, #tpu.memory_space<hbm>>
      %dma_wait3A_1267 = arith.constant 0 : i32
      %dma_wait3A_1268 = tpu.memref_slice %arg3[%dma_wait3A_1267, %multiple_of3A] : memref<50x4096xf32, #tpu.memory_space<hbm>> -> memref<50x128xf32, #tpu.memory_space<hbm>>
      tpu.wait_dma2 semaphore(%run_scoped3A : memref<!tpu.dma_semaphore, #tpu.memory_space<semaphore_mem>>) src(%dma_wait3A_1268 : memref<50x128xf32, #tpu.memory_space<hbm>>) dst(%arg9 : memref<50x128xf32, #tpu.memory_space<vmem>>)
      tpu.yield
    }) : () -> ()
    %scan3A = arith.constant 0 : i32
    %scan3A_1226 = arith.constant 0 : i32
    %scan3A_1227 = arith.constant 25 : i32
    %scan3A_1228 = arith.addi %scan3A_1226, %scan3A_1227 : i32
    %scan3A_1229 = arith.constant 1 : i32
    scf.for %scan3A_1262 = %scan3A_1226 to %scan3A_1228 step %scan3A_1229  : i32 {
      %ge3A = arith.constant 1 : i32
      %ge3A_1263 = arith.cmpi sge, %scan3A_1262, %ge3A : i32
      %convert_element_type3A = arith.extui %ge3A_1263 : i1 to i32
      %cond3A = arith.constant 0 : i32
      %cond3A_1264 = arith.cmpi ne, %convert_element_type3A, %cond3A : i32
      scf.if %cond3A_1264 {
        %dma_wait3A_1962 = arith.constant 0 : i32
        %dma_wait3A_1963 = arith.constant 0 : i32
        %dma_wait3A_1964 = arith.constant 0 : i32
        %dma_wait3A_1965 = arith.constant 0 : i32
        %dma_wait3A_1966 = tpu.memref_slice %arg10[%dma_wait3A_1962, %dma_wait3A_1964, %dma_wait3A_1965] : memref<2x64x128xf32, #tpu.memory_space<vmem>> -> memref<1x64x128xf32, #tpu.memory_space<vmem>>
        %dma_wait3A_1967 = tpu.memref_squeeze %dma_wait3A_1966 : memref<1x64x128xf32, #tpu.memory_space<vmem>> -> memref<64x128xf32, #tpu.memory_space<vmem>>
        %dma_wait3A_1968 = arith.constant 0 : i32
        %dma_wait3A_1969 = tpu.memref_slice %arg5[%dma_wait3A_1963, %dma_wait3A_1968, %multiple_of3A] : memref<50x64x4096xf32, #tpu.memory_space<hbm>> -> memref<1x64x128xf32, #tpu.memory_space<hbm>>
        %dma_wait3A_1970 = tpu.memref_squeeze %dma_wait3A_1969 : memref<1x64x128xf32, #tpu.memory_space<hbm>> -> memref<64x128xf32, #tpu.memory_space<hbm>>
        %dma_wait3A_1971 = arith.constant 0 : i32
        %dma_wait3A_1972 = tpu.memref_slice %arg5[%dma_wait3A_1963, %dma_wait3A_1971, %multiple_of3A] : memref<50x64x4096xf32, #tpu.memory_space<hbm>> -> memref<1x64x128xf32, #tpu.memory_space<hbm>>
        %dma_wait3A_1973 = tpu.memref_squeeze %dma_wait3A_1972 : memref<1x64x128xf32, #tpu.memory_space<hbm>> -> memref<64x128xf32, #tpu.memory_space<hbm>>
        %dma_wait3A_1974 = arith.constant 0 : i32
        %dma_wait3A_1975 = arith.constant 0 : i32
        %dma_wait3A_1976 = tpu.memref_slice %arg10[%dma_wait3A_1962, %dma_wait3A_1974, %dma_wait3A_1975] : memref<2x64x128xf32, #tpu.memory_space<vmem>> -> memref<1x64x128xf32, #tpu.memory_space<vmem>>
        %dma_wait3A_1977 = tpu.memref_squeeze %dma_wait3A_1976 : memref<1x64x128xf32, #tpu.memory_space<vmem>> -> memref<64x128xf32, #tpu.memory_space<vmem>>
        tpu.wait_dma2 semaphore(%arg11 : memref<!tpu.dma_semaphore, #tpu.memory_space<semaphore_mem>>) src(%dma_wait3A_1977 : memref<64x128xf32, #tpu.memory_space<vmem>>) dst(%dma_wait3A_1973 : memref<64x128xf32, #tpu.memory_space<hbm>>)
      } else {
      }
      %mul3A_1265 = arith.constant 2 : i32
      %mul3A_1266 = arith.muli %mul3A_1265, %scan3A_1262 : i32
      %add3A_1267 = arith.constant 0 : i32
      %add3A_1268 = arith.addi %mul3A_1266, %add3A_1267 : i32
      %get3A_1269 = arith.index_cast %add3A_1268 : i32 to index
      %get3A_1270 = arith.constant 0 : index
      %get3A_1271 = tpu.vector_load %arg8[%get3A_1269, %get3A_1270] {strides = array<i32>} : memref<50x128xi32, #tpu.memory_space<vmem>>, vector<16xi32>,
      %get3A_1272 = arith.index_cast %add3A_1268 : i32 to index
      %get3A_1273 = arith.constant 0 : index
      %get3A_1274 = tpu.vector_load %arg9[%get3A_1272, %get3A_1273] {strides = array<i32>} : memref<50x128xf32, #tpu.memory_space<vmem>>, vector<16xf32>,
      %mul3A_1275 = arith.constant 1.000000e+03 : f32
      %mul3A_1276 = vector.broadcast %mul3A_1275 : f32 to vector<16xf32>
      %mul3A_1277 = arith.mulf %get3A_1274, %mul3A_1276 : vector<16xf32>
      %convert_element_type3A_1278 = arith.fptosi %mul3A_1277 : vector<16xf32> to vector<16xi32>
      %add3A_1279 = arith.addi %get3A_1271, %convert_element_type3A_1278 : vector<16xi32>
      %mul3A_1280 = arith.constant 26215 : i32
      %mul3A_1281 = vector.broadcast %mul3A_1280 : i32 to vector<16xi32>
      %mul3A_1282 = arith.muli %get3A_1271, %mul3A_1281 : vector<16xi32>
      %shift_right_arithmetic3A = arith.constant 17 : i32
      %shift_right_arithmetic3A_1283 = vector.broadcast %shift_right_arithmetic3A : i32 to vector<16xi32>
      %shift_right_arithmetic3A_1284 = arith.shrsi %mul3A_1282, %shift_right_arithmetic3A_1283 : vector<16xi32>
      %mul3A_1285 = arith.constant 5 : i32
      %mul3A_1286 = vector.broadcast %mul3A_1285 : i32 to vector<16xi32>
      %mul3A_1287 = arith.muli %mul3A_1286, %shift_right_arithmetic3A_1284 : vector<16xi32>
      %sub3A = arith.subi %get3A_1271, %mul3A_1287 : vector<16xi32>
      %mul3A_1288 = arith.constant 26215 : i32
      %mul3A_1289 = vector.broadcast %mul3A_1288 : i32 to vector<16xi32>
      %mul3A_1290 = arith.muli %add3A_1279, %mul3A_1289 : vector<16xi32>
      %shift_right_arithmetic3A_1291 = arith.constant 17 : i32
      %shift_right_arithmetic3A_1292 = vector.broadcast %shift_right_arithmetic3A_1291 : i32 to vector<16xi32>
      %shift_right_arithmetic3A_1293 = arith.shrsi %mul3A_1290, %shift_right_arithmetic3A_1292 : vector<16xi32>
      %mul3A_1294 = arith.constant 5 : i32
      %mul3A_1295 = vector.broadcast %mul3A_1294 : i32 to vector<16xi32>
      %mul3A_1296 = arith.muli %mul3A_1295, %shift_right_arithmetic3A_1293 : vector<16xi32>
      %sub3A_1297 = arith.subi %add3A_1279, %mul3A_1296 : vector<16xi32>
      %eq3A = arith.constant 0 : i32
      %eq3A_1298 = vector.broadcast %eq3A : i32 to vector<16xi32>
      %eq3A_1299 = arith.cmpi eq, %get3A_1271, %eq3A_1298 : vector<16xi32>
      %mul3A_1300 = arith.constant 5 : i32
      %mul3A_1301 = vector.broadcast %mul3A_1300 : i32 to vector<16xi32>
      %mul3A_1302 = arith.muli %sub3A, %mul3A_1301 : vector<16xi32>
      %add3A_1303 = arith.addi %mul3A_1302, %sub3A_1297 : vector<16xi32>
      %jit3A = arith.constant 24 : i32
      %broadcast_in_dim3A = vector.broadcast %jit3A : i32 to vector<16xi32>
      %select_n3A = arith.select %eq3A_1299, %broadcast_in_dim3A, %add3A_1303 : vector<16xi1>, vector<16xi32>
      %get3A_1304 = arith.index_cast %add3A_1268 : i32 to index
      %get3A_1305 = arith.constant 16 : index
      %get3A_1306 = tpu.vector_load %arg8[%get3A_1304, %get3A_1305] {strides = array<i32>} : memref<50x128xi32, #tpu.memory_space<vmem>>, vector<16xi32>,
      %get3A_1307 = arith.index_cast %add3A_1268 : i32 to index
      %get3A_1308 = arith.constant 16 : index
      %get3A_1309 = tpu.vector_load %arg9[%get3A_1307, %get3A_1308] {strides = array<i32>} : memref<50x128xf32, #tpu.memory_space<vmem>>, vector<16xf32>,
      %mul3A_1310 = arith.constant 1.000000e+03 : f32
      %mul3A_1311 = vector.broadcast %mul3A_1310 : f32 to vector<16xf32>
      %mul3A_1312 = arith.mulf %get3A_1309, %mul3A_1311 : vector<16xf32>
      %convert_element_type3A_1313 = arith.fptosi %mul3A_1312 : vector<16xf32> to vector<16xi32>
      %add3A_1314 = arith.addi %get3A_1306, %convert_element_type3A_1313 : vector<16xi32>
      %mul3A_1315 = arith.constant 26215 : i32
      %mul3A_1316 = vector.broadcast %mul3A_1315 : i32 to vector<16xi32>
      %mul3A_1317 = arith.muli %get3A_1306, %mul3A_1316 : vector<16xi32>
      %shift_right_arithmetic3A_1318 = arith.constant 17 : i32
      %shift_right_arithmetic3A_1319 = vector.broadcast %shift_right_arithmetic3A_1318 : i32 to vector<16xi32>
      %shift_right_arithmetic3A_1320 = arith.shrsi %mul3A_1317, %shift_right_arithmetic3A_1319 : vector<16xi32>
      %mul3A_1321 = arith.constant 5 : i32
      %mul3A_1322 = vector.broadcast %mul3A_1321 : i32 to vector<16xi32>
      %mul3A_1323 = arith.muli %mul3A_1322, %shift_right_arithmetic3A_1320 : vector<16xi32>
      %sub3A_1324 = arith.subi %get3A_1306, %mul3A_1323 : vector<16xi32>
      %mul3A_1325 = arith.constant 26215 : i32
      %mul3A_1326 = vector.broadcast %mul3A_1325 : i32 to vector<16xi32>
      %mul3A_1327 = arith.muli %add3A_1314, %mul3A_1326 : vector<16xi32>
      %shift_right_arithmetic3A_1328 = arith.constant 17 : i32
      %shift_right_arithmetic3A_1329 = vector.broadcast %shift_right_arithmetic3A_1328 : i32 to vector<16xi32>
      %shift_right_arithmetic3A_1330 = arith.shrsi %mul3A_1327, %shift_right_arithmetic3A_1329 : vector<16xi32>
      %mul3A_1331 = arith.constant 5 : i32
      %mul3A_1332 = vector.broadcast %mul3A_1331 : i32 to vector<16xi32>
      %mul3A_1333 = arith.muli %mul3A_1332, %shift_right_arithmetic3A_1330 : vector<16xi32>
      %sub3A_1334 = arith.subi %add3A_1314, %mul3A_1333 : vector<16xi32>
      %eq3A_1335 = arith.constant 0 : i32
      %eq3A_1336 = vector.broadcast %eq3A_1335 : i32 to vector<16xi32>
      %eq3A_1337 = arith.cmpi eq, %get3A_1306, %eq3A_1336 : vector<16xi32>
      %mul3A_1338 = arith.constant 5 : i32
      %mul3A_1339 = vector.broadcast %mul3A_1338 : i32 to vector<16xi32>
      %mul3A_1340 = arith.muli %sub3A_1324, %mul3A_1339 : vector<16xi32>
      %add3A_1341 = arith.addi %mul3A_1340, %sub3A_1334 : vector<16xi32>
      %jit3A_1342 = arith.constant 24 : i32
      %broadcast_in_dim3A_1343 = vector.broadcast %jit3A_1342 : i32 to vector<16xi32>
      %select_n3A_1344 = arith.select %eq3A_1337, %broadcast_in_dim3A_1343, %add3A_1341 : vector<16xi1>, vector<16xi32>
      %get3A_1345 = arith.index_cast %add3A_1268 : i32 to index
      %get3A_1346 = arith.constant 32 : index
      %get3A_1347 = tpu.vector_load %arg8[%get3A_1345, %get3A_1346] {strides = array<i32>} : memref<50x128xi32, #tpu.memory_space<vmem>>, vector<16xi32>,
      %get3A_1348 = arith.index_cast %add3A_1268 : i32 to index
      %get3A_1349 = arith.constant 32 : index
      %get3A_1350 = tpu.vector_load %arg9[%get3A_1348, %get3A_1349] {strides = array<i32>} : memref<50x128xf32, #tpu.memory_space<vmem>>, vector<16xf32>,
      %mul3A_1351 = arith.constant 1.000000e+03 : f32
      %mul3A_1352 = vector.broadcast %mul3A_1351 : f32 to vector<16xf32>
      %mul3A_1353 = arith.mulf %get3A_1350, %mul3A_1352 : vector<16xf32>
      %convert_element_type3A_1354 = arith.fptosi %mul3A_1353 : vector<16xf32> to vector<16xi32>
      %add3A_1355 = arith.addi %get3A_1347, %convert_element_type3A_1354 : vector<16xi32>
      %mul3A_1356 = arith.constant 26215 : i32
      %mul3A_1357 = vector.broadcast %mul3A_1356 : i32 to vector<16xi32>
      %mul3A_1358 = arith.muli %get3A_1347, %mul3A_1357 : vector<16xi32>
      %shift_right_arithmetic3A_1359 = arith.constant 17 : i32
      %shift_right_arithmetic3A_1360 = vector.broadcast %shift_right_arithmetic3A_1359 : i32 to vector<16xi32>
      %shift_right_arithmetic3A_1361 = arith.shrsi %mul3A_1358, %shift_right_arithmetic3A_1360 : vector<16xi32>
      %mul3A_1362 = arith.constant 5 : i32
      %mul3A_1363 = vector.broadcast %mul3A_1362 : i32 to vector<16xi32>
      %mul3A_1364 = arith.muli %mul3A_1363, %shift_right_arithmetic3A_1361 : vector<16xi32>
      %sub3A_1365 = arith.subi %get3A_1347, %mul3A_1364 : vector<16xi32>
      %mul3A_1366 = arith.constant 26215 : i32
      %mul3A_1367 = vector.broadcast %mul3A_1366 : i32 to vector<16xi32>
      %mul3A_1368 = arith.muli %add3A_1355, %mul3A_1367 : vector<16xi32>
      %shift_right_arithmetic3A_1369 = arith.constant 17 : i32
      %shift_right_arithmetic3A_1370 = vector.broadcast %shift_right_arithmetic3A_1369 : i32 to vector<16xi32>
      %shift_right_arithmetic3A_1371 = arith.shrsi %mul3A_1368, %shift_right_arithmetic3A_1370 : vector<16xi32>
      %mul3A_1372 = arith.constant 5 : i32
      %mul3A_1373 = vector.broadcast %mul3A_1372 : i32 to vector<16xi32>
      %mul3A_1374 = arith.muli %mul3A_1373, %shift_right_arithmetic3A_1371 : vector<16xi32>
      %sub3A_1375 = arith.subi %add3A_1355, %mul3A_1374 : vector<16xi32>
      %eq3A_1376 = arith.constant 0 : i32
      %eq3A_1377 = vector.broadcast %eq3A_1376 : i32 to vector<16xi32>
      %eq3A_1378 = arith.cmpi eq, %get3A_1347, %eq3A_1377 : vector<16xi32>
      %mul3A_1379 = arith.constant 5 : i32
      %mul3A_1380 = vector.broadcast %mul3A_1379 : i32 to vector<16xi32>
      %mul3A_1381 = arith.muli %sub3A_1365, %mul3A_1380 : vector<16xi32>
      %add3A_1382 = arith.addi %mul3A_1381, %sub3A_1375 : vector<16xi32>
      %jit3A_1383 = arith.constant 24 : i32
      %broadcast_in_dim3A_1384 = vector.broadcast %jit3A_1383 : i32 to vector<16xi32>
      %select_n3A_1385 = arith.select %eq3A_1378, %broadcast_in_dim3A_1384, %add3A_1382 : vector<16xi1>, vector<16xi32>
      %get3A_1386 = arith.index_cast %add3A_1268 : i32 to index
      %get3A_1387 = arith.constant 48 : index
      %get3A_1388 = tpu.vector_load %arg8[%get3A_1386, %get3A_1387] {strides = array<i32>} : memref<50x128xi32, #tpu.memory_space<vmem>>, vector<16xi32>,
      %get3A_1389 = arith.index_cast %add3A_1268 : i32 to index
      %get3A_1390 = arith.constant 48 : index
      %get3A_1391 = tpu.vector_load %arg9[%get3A_1389, %get3A_1390] {strides = array<i32>} : memref<50x128xf32, #tpu.memory_space<vmem>>, vector<16xf32>,
      %mul3A_1392 = arith.constant 1.000000e+03 : f32
      %mul3A_1393 = vector.broadcast %mul3A_1392 : f32 to vector<16xf32>
      %mul3A_1394 = arith.mulf %get3A_1391, %mul3A_1393 : vector<16xf32>
      %convert_element_type3A_1395 = arith.fptosi %mul3A_1394 : vector<16xf32> to vector<16xi32>
      %add3A_1396 = arith.addi %get3A_1388, %convert_element_type3A_1395 : vector<16xi32>
      %mul3A_1397 = arith.constant 26215 : i32
      %mul3A_1398 = vector.broadcast %mul3A_1397 : i32 to vector<16xi32>
      %mul3A_1399 = arith.muli %get3A_1388, %mul3A_1398 : vector<16xi32>
      %shift_right_arithmetic3A_1400 = arith.constant 17 : i32
      %shift_right_arithmetic3A_1401 = vector.broadcast %shift_right_arithmetic3A_1400 : i32 to vector<16xi32>
      %shift_right_arithmetic3A_1402 = arith.shrsi %mul3A_1399, %shift_right_arithmetic3A_1401 : vector<16xi32>
      %mul3A_1403 = arith.constant 5 : i32
      %mul3A_1404 = vector.broadcast %mul3A_1403 : i32 to vector<16xi32>
      %mul3A_1405 = arith.muli %mul3A_1404, %shift_right_arithmetic3A_1402 : vector<16xi32>
      %sub3A_1406 = arith.subi %get3A_1388, %mul3A_1405 : vector<16xi32>
      %mul3A_1407 = arith.constant 26215 : i32
      %mul3A_1408 = vector.broadcast %mul3A_1407 : i32 to vector<16xi32>
      %mul3A_1409 = arith.muli %add3A_1396, %mul3A_1408 : vector<16xi32>
      %shift_right_arithmetic3A_1410 = arith.constant 17 : i32
      %shift_right_arithmetic3A_1411 = vector.broadcast %shift_right_arithmetic3A_1410 : i32 to vector<16xi32>
      %shift_right_arithmetic3A_1412 = arith.shrsi %mul3A_1409, %shift_right_arithmetic3A_1411 : vector<16xi32>
      %mul3A_1413 = arith.constant 5 : i32
      %mul3A_1414 = vector.broadcast %mul3A_1413 : i32 to vector<16xi32>
      %mul3A_1415 = arith.muli %mul3A_1414, %shift_right_arithmetic3A_1412 : vector<16xi32>
      %sub3A_1416 = arith.subi %add3A_1396, %mul3A_1415 : vector<16xi32>
      %eq3A_1417 = arith.constant 0 : i32
      %eq3A_1418 = vector.broadcast %eq3A_1417 : i32 to vector<16xi32>
      %eq3A_1419 = arith.cmpi eq, %get3A_1388, %eq3A_1418 : vector<16xi32>
      %mul3A_1420 = arith.constant 5 : i32
      %mul3A_1421 = vector.broadcast %mul3A_1420 : i32 to vector<16xi32>
      %mul3A_1422 = arith.muli %sub3A_1406, %mul3A_1421 : vector<16xi32>
      %add3A_1423 = arith.addi %mul3A_1422, %sub3A_1416 : vector<16xi32>
      %jit3A_1424 = arith.constant 24 : i32
      %broadcast_in_dim3A_1425 = vector.broadcast %jit3A_1424 : i32 to vector<16xi32>
      %select_n3A_1426 = arith.select %eq3A_1419, %broadcast_in_dim3A_1425, %add3A_1423 : vector<16xi1>, vector<16xi32>
      %get3A_1427 = arith.index_cast %add3A_1268 : i32 to index
      %get3A_1428 = arith.constant 64 : index
      %get3A_1429 = tpu.vector_load %arg8[%get3A_1427, %get3A_1428] {strides = array<i32>} : memref<50x128xi32, #tpu.memory_space<vmem>>, vector<16xi32>,
      %get3A_1430 = arith.index_cast %add3A_1268 : i32 to index
      %get3A_1431 = arith.constant 64 : index
      %get3A_1432 = tpu.vector_load %arg9[%get3A_1430, %get3A_1431] {strides = array<i32>} : memref<50x128xf32, #tpu.memory_space<vmem>>, vector<16xf32>,
      %mul3A_1433 = arith.constant 1.000000e+03 : f32
      %mul3A_1434 = vector.broadcast %mul3A_1433 : f32 to vector<16xf32>
      %mul3A_1435 = arith.mulf %get3A_1432, %mul3A_1434 : vector<16xf32>
      %convert_element_type3A_1436 = arith.fptosi %mul3A_1435 : vector<16xf32> to vector<16xi32>
      %add3A_1437 = arith.addi %get3A_1429, %convert_element_type3A_1436 : vector<16xi32>
      %mul3A_1438 = arith.constant 26215 : i32
      %mul3A_1439 = vector.broadcast %mul3A_1438 : i32 to vector<16xi32>
      %mul3A_1440 = arith.muli %get3A_1429, %mul3A_1439 : vector<16xi32>
      %shift_right_arithmetic3A_1441 = arith.constant 17 : i32
      %shift_right_arithmetic3A_1442 = vector.broadcast %shift_right_arithmetic3A_1441 : i32 to vector<16xi32>
      %shift_right_arithmetic3A_1443 = arith.shrsi %mul3A_1440, %shift_right_arithmetic3A_1442 : vector<16xi32>
      %mul3A_1444 = arith.constant 5 : i32
      %mul3A_1445 = vector.broadcast %mul3A_1444 : i32 to vector<16xi32>
      %mul3A_1446 = arith.muli %mul3A_1445, %shift_right_arithmetic3A_1443 : vector<16xi32>
      %sub3A_1447 = arith.subi %get3A_1429, %mul3A_1446 : vector<16xi32>
      %mul3A_1448 = arith.constant 26215 : i32
      %mul3A_1449 = vector.broadcast %mul3A_1448 : i32 to vector<16xi32>
      %mul3A_1450 = arith.muli %add3A_1437, %mul3A_1449 : vector<16xi32>
      %shift_right_arithmetic3A_1451 = arith.constant 17 : i32
      %shift_right_arithmetic3A_1452 = vector.broadcast %shift_right_arithmetic3A_1451 : i32 to vector<16xi32>
      %shift_right_arithmetic3A_1453 = arith.shrsi %mul3A_1450, %shift_right_arithmetic3A_1452 : vector<16xi32>
      %mul3A_1454 = arith.constant 5 : i32
      %mul3A_1455 = vector.broadcast %mul3A_1454 : i32 to vector<16xi32>
      %mul3A_1456 = arith.muli %mul3A_1455, %shift_right_arithmetic3A_1453 : vector<16xi32>
      %sub3A_1457 = arith.subi %add3A_1437, %mul3A_1456 : vector<16xi32>
      %eq3A_1458 = arith.constant 0 : i32
      %eq3A_1459 = vector.broadcast %eq3A_1458 : i32 to vector<16xi32>
      %eq3A_1460 = arith.cmpi eq, %get3A_1429, %eq3A_1459 : vector<16xi32>
      %mul3A_1461 = arith.constant 5 : i32
      %mul3A_1462 = vector.broadcast %mul3A_1461 : i32 to vector<16xi32>
      %mul3A_1463 = arith.muli %sub3A_1447, %mul3A_1462 : vector<16xi32>
      %add3A_1464 = arith.addi %mul3A_1463, %sub3A_1457 : vector<16xi32>
      %jit3A_1465 = arith.constant 24 : i32
      %broadcast_in_dim3A_1466 = vector.broadcast %jit3A_1465 : i32 to vector<16xi32>
      %select_n3A_1467 = arith.select %eq3A_1460, %broadcast_in_dim3A_1466, %add3A_1464 : vector<16xi1>, vector<16xi32>
      %get3A_1468 = arith.index_cast %add3A_1268 : i32 to index
      %get3A_1469 = arith.constant 80 : index
      %get3A_1470 = tpu.vector_load %arg8[%get3A_1468, %get3A_1469] {strides = array<i32>} : memref<50x128xi32, #tpu.memory_space<vmem>>, vector<16xi32>,
      %get3A_1471 = arith.index_cast %add3A_1268 : i32 to index
      %get3A_1472 = arith.constant 80 : index
      %get3A_1473 = tpu.vector_load %arg9[%get3A_1471, %get3A_1472] {strides = array<i32>} : memref<50x128xf32, #tpu.memory_space<vmem>>, vector<16xf32>,
      %mul3A_1474 = arith.constant 1.000000e+03 : f32
      %mul3A_1475 = vector.broadcast %mul3A_1474 : f32 to vector<16xf32>
      %mul3A_1476 = arith.mulf %get3A_1473, %mul3A_1475 : vector<16xf32>
      %convert_element_type3A_1477 = arith.fptosi %mul3A_1476 : vector<16xf32> to vector<16xi32>
      %add3A_1478 = arith.addi %get3A_1470, %convert_element_type3A_1477 : vector<16xi32>
      %mul3A_1479 = arith.constant 26215 : i32
      %mul3A_1480 = vector.broadcast %mul3A_1479 : i32 to vector<16xi32>
      %mul3A_1481 = arith.muli %get3A_1470, %mul3A_1480 : vector<16xi32>
      %shift_right_arithmetic3A_1482 = arith.constant 17 : i32
      %shift_right_arithmetic3A_1483 = vector.broadcast %shift_right_arithmetic3A_1482 : i32 to vector<16xi32>
      %shift_right_arithmetic3A_1484 = arith.shrsi %mul3A_1481, %shift_right_arithmetic3A_1483 : vector<16xi32>
      %mul3A_1485 = arith.constant 5 : i32
      %mul3A_1486 = vector.broadcast %mul3A_1485 : i32 to vector<16xi32>
      %mul3A_1487 = arith.muli %mul3A_1486, %shift_right_arithmetic3A_1484 : vector<16xi32>
      %sub3A_1488 = arith.subi %get3A_1470, %mul3A_1487 : vector<16xi32>
      %mul3A_1489 = arith.constant 26215 : i32
      %mul3A_1490 = vector.broadcast %mul3A_1489 : i32 to vector<16xi32>
      %mul3A_1491 = arith.muli %add3A_1478, %mul3A_1490 : vector<16xi32>
      %shift_right_arithmetic3A_1492 = arith.constant 17 : i32
      %shift_right_arithmetic3A_1493 = vector.broadcast %shift_right_arithmetic3A_1492 : i32 to vector<16xi32>
      %shift_right_arithmetic3A_1494 = arith.shrsi %mul3A_1491, %shift_right_arithmetic3A_1493 : vector<16xi32>
      %mul3A_1495 = arith.constant 5 : i32
      %mul3A_1496 = vector.broadcast %mul3A_1495 : i32 to vector<16xi32>
      %mul3A_1497 = arith.muli %mul3A_1496, %shift_right_arithmetic3A_1494 : vector<16xi32>
      %sub3A_1498 = arith.subi %add3A_1478, %mul3A_1497 : vector<16xi32>
      %eq3A_1499 = arith.constant 0 : i32
      %eq3A_1500 = vector.broadcast %eq3A_1499 : i32 to vector<16xi32>
      %eq3A_1501 = arith.cmpi eq, %get3A_1470, %eq3A_1500 : vector<16xi32>
      %mul3A_1502 = arith.constant 5 : i32
      %mul3A_1503 = vector.broadcast %mul3A_1502 : i32 to vector<16xi32>
      %mul3A_1504 = arith.muli %sub3A_1488, %mul3A_1503 : vector<16xi32>
      %add3A_1505 = arith.addi %mul3A_1504, %sub3A_1498 : vector<16xi32>
      %jit3A_1506 = arith.constant 24 : i32
      %broadcast_in_dim3A_1507 = vector.broadcast %jit3A_1506 : i32 to vector<16xi32>
      %select_n3A_1508 = arith.select %eq3A_1501, %broadcast_in_dim3A_1507, %add3A_1505 : vector<16xi1>, vector<16xi32>
      %get3A_1509 = arith.index_cast %add3A_1268 : i32 to index
      %get3A_1510 = arith.constant 96 : index
      %get3A_1511 = tpu.vector_load %arg8[%get3A_1509, %get3A_1510] {strides = array<i32>} : memref<50x128xi32, #tpu.memory_space<vmem>>, vector<16xi32>,
      %get3A_1512 = arith.index_cast %add3A_1268 : i32 to index
      %get3A_1513 = arith.constant 96 : index
      %get3A_1514 = tpu.vector_load %arg9[%get3A_1512, %get3A_1513] {strides = array<i32>} : memref<50x128xf32, #tpu.memory_space<vmem>>, vector<16xf32>,
      %mul3A_1515 = arith.constant 1.000000e+03 : f32
      %mul3A_1516 = vector.broadcast %mul3A_1515 : f32 to vector<16xf32>
      %mul3A_1517 = arith.mulf %get3A_1514, %mul3A_1516 : vector<16xf32>
      %convert_element_type3A_1518 = arith.fptosi %mul3A_1517 : vector<16xf32> to vector<16xi32>
      %add3A_1519 = arith.addi %get3A_1511, %convert_element_type3A_1518 : vector<16xi32>
      %mul3A_1520 = arith.constant 26215 : i32
      %mul3A_1521 = vector.broadcast %mul3A_1520 : i32 to vector<16xi32>
      %mul3A_1522 = arith.muli %get3A_1511, %mul3A_1521 : vector<16xi32>
      %shift_right_arithmetic3A_1523 = arith.constant 17 : i32
      %shift_right_arithmetic3A_1524 = vector.broadcast %shift_right_arithmetic3A_1523 : i32 to vector<16xi32>
      %shift_right_arithmetic3A_1525 = arith.shrsi %mul3A_1522, %shift_right_arithmetic3A_1524 : vector<16xi32>
      %mul3A_1526 = arith.constant 5 : i32
      %mul3A_1527 = vector.broadcast %mul3A_1526 : i32 to vector<16xi32>
      %mul3A_1528 = arith.muli %mul3A_1527, %shift_right_arithmetic3A_1525 : vector<16xi32>
      %sub3A_1529 = arith.subi %get3A_1511, %mul3A_1528 : vector<16xi32>
      %mul3A_1530 = arith.constant 26215 : i32
      %mul3A_1531 = vector.broadcast %mul3A_1530 : i32 to vector<16xi32>
      %mul3A_1532 = arith.muli %add3A_1519, %mul3A_1531 : vector<16xi32>
      %shift_right_arithmetic3A_1533 = arith.constant 17 : i32
      %shift_right_arithmetic3A_1534 = vector.broadcast %shift_right_arithmetic3A_1533 : i32 to vector<16xi32>
      %shift_right_arithmetic3A_1535 = arith.shrsi %mul3A_1532, %shift_right_arithmetic3A_1534 : vector<16xi32>
      %mul3A_1536 = arith.constant 5 : i32
      %mul3A_1537 = vector.broadcast %mul3A_1536 : i32 to vector<16xi32>
      %mul3A_1538 = arith.muli %mul3A_1537, %shift_right_arithmetic3A_1535 : vector<16xi32>
      %sub3A_1539 = arith.subi %add3A_1519, %mul3A_1538 : vector<16xi32>
      %eq3A_1540 = arith.constant 0 : i32
      %eq3A_1541 = vector.broadcast %eq3A_1540 : i32 to vector<16xi32>
      %eq3A_1542 = arith.cmpi eq, %get3A_1511, %eq3A_1541 : vector<16xi32>
      %mul3A_1543 = arith.constant 5 : i32
      %mul3A_1544 = vector.broadcast %mul3A_1543 : i32 to vector<16xi32>
      %mul3A_1545 = arith.muli %sub3A_1529, %mul3A_1544 : vector<16xi32>
      %add3A_1546 = arith.addi %mul3A_1545, %sub3A_1539 : vector<16xi32>
      %jit3A_1547 = arith.constant 24 : i32
      %broadcast_in_dim3A_1548 = vector.broadcast %jit3A_1547 : i32 to vector<16xi32>
      %select_n3A_1549 = arith.select %eq3A_1542, %broadcast_in_dim3A_1548, %add3A_1546 : vector<16xi1>, vector<16xi32>
      %get3A_1550 = arith.index_cast %add3A_1268 : i32 to index
      %get3A_1551 = arith.constant 112 : index
      %get3A_1552 = tpu.vector_load %arg8[%get3A_1550, %get3A_1551] {strides = array<i32>} : memref<50x128xi32, #tpu.memory_space<vmem>>, vector<16xi32>,
      %get3A_1553 = arith.index_cast %add3A_1268 : i32 to index
      %get3A_1554 = arith.constant 112 : index
      %get3A_1555 = tpu.vector_load %arg9[%get3A_1553, %get3A_1554] {strides = array<i32>} : memref<50x128xf32, #tpu.memory_space<vmem>>, vector<16xf32>,
      %mul3A_1556 = arith.constant 1.000000e+03 : f32
      %mul3A_1557 = vector.broadcast %mul3A_1556 : f32 to vector<16xf32>
      %mul3A_1558 = arith.mulf %get3A_1555, %mul3A_1557 : vector<16xf32>
      %convert_element_type3A_1559 = arith.fptosi %mul3A_1558 : vector<16xf32> to vector<16xi32>
      %add3A_1560 = arith.addi %get3A_1552, %convert_element_type3A_1559 : vector<16xi32>
      %mul3A_1561 = arith.constant 26215 : i32
      %mul3A_1562 = vector.broadcast %mul3A_1561 : i32 to vector<16xi32>
      %mul3A_1563 = arith.muli %get3A_1552, %mul3A_1562 : vector<16xi32>
      %shift_right_arithmetic3A_1564 = arith.constant 17 : i32
      %shift_right_arithmetic3A_1565 = vector.broadcast %shift_right_arithmetic3A_1564 : i32 to vector<16xi32>
      %shift_right_arithmetic3A_1566 = arith.shrsi %mul3A_1563, %shift_right_arithmetic3A_1565 : vector<16xi32>
      %mul3A_1567 = arith.constant 5 : i32
      %mul3A_1568 = vector.broadcast %mul3A_1567 : i32 to vector<16xi32>
      %mul3A_1569 = arith.muli %mul3A_1568, %shift_right_arithmetic3A_1566 : vector<16xi32>
      %sub3A_1570 = arith.subi %get3A_1552, %mul3A_1569 : vector<16xi32>
      %mul3A_1571 = arith.constant 26215 : i32
      %mul3A_1572 = vector.broadcast %mul3A_1571 : i32 to vector<16xi32>
      %mul3A_1573 = arith.muli %add3A_1560, %mul3A_1572 : vector<16xi32>
      %shift_right_arithmetic3A_1574 = arith.constant 17 : i32
      %shift_right_arithmetic3A_1575 = vector.broadcast %shift_right_arithmetic3A_1574 : i32 to vector<16xi32>
      %shift_right_arithmetic3A_1576 = arith.shrsi %mul3A_1573, %shift_right_arithmetic3A_1575 : vector<16xi32>
      %mul3A_1577 = arith.constant 5 : i32
      %mul3A_1578 = vector.broadcast %mul3A_1577 : i32 to vector<16xi32>
      %mul3A_1579 = arith.muli %mul3A_1578, %shift_right_arithmetic3A_1576 : vector<16xi32>
      %sub3A_1580 = arith.subi %add3A_1560, %mul3A_1579 : vector<16xi32>
      %eq3A_1581 = arith.constant 0 : i32
      %eq3A_1582 = vector.broadcast %eq3A_1581 : i32 to vector<16xi32>
      %eq3A_1583 = arith.cmpi eq, %get3A_1552, %eq3A_1582 : vector<16xi32>
      %mul3A_1584 = arith.constant 5 : i32
      %mul3A_1585 = vector.broadcast %mul3A_1584 : i32 to vector<16xi32>
      %mul3A_1586 = arith.muli %sub3A_1570, %mul3A_1585 : vector<16xi32>
      %add3A_1587 = arith.addi %mul3A_1586, %sub3A_1580 : vector<16xi32>
      %jit3A_1588 = arith.constant 24 : i32
      %broadcast_in_dim3A_1589 = vector.broadcast %jit3A_1588 : i32 to vector<16xi32>
      %select_n3A_1590 = arith.select %eq3A_1583, %broadcast_in_dim3A_1589, %add3A_1587 : vector<16xi1>, vector<16xi32>
      %parallel_loop3A = arith.constant 0 : i32
      %parallel_loop3A_1591 = arith.constant 64 : i32
      %parallel_loop3A_1592 = arith.constant 1 : i32
      scf.for %parallel_loop3A_1962 = %parallel_loop3A to %parallel_loop3A_1591 step %parallel_loop3A_1592  : i32 {
        %parallel_loop3A_1963 = arith.constant 128 : i32
        %parallel_loop3A_1964 = arith.muli %parallel_loop3A_1962, %parallel_loop3A_1963 : i32
        %parallel_loop3A_1965 = vector.broadcast %parallel_loop3A_1964 : i32 to vector<16xi32>
        %parallel_loop3A_1966 = arith.addi %select_n3A, %parallel_loop3A_1965 : vector<16xi32>
        %parallel_loop3A_1967 = tpu.vector_load_idx %arg7[%parallel_loop3A_1966] : memref<8192xf32, #tpu.memory_space<vmem>>[vector<16xi32>], vector<16xf32>,
        %parallel_loop3A_1968 = arith.constant 0 : i32
        %parallel_loop3A_1969 = arith.index_cast %parallel_loop3A_1968 : i32 to index
        %parallel_loop3A_1970 = arith.index_cast %parallel_loop3A_1962 : i32 to index
        %parallel_loop3A_1971 = arith.constant 0 : index
        %parallel_loop3A_1972 = tpu.vector_load %arg10[%parallel_loop3A_1969, %parallel_loop3A_1970, %parallel_loop3A_1971] {strides = array<i32>} : memref<2x64x128xf32, #tpu.memory_space<vmem>>, vector<16xf32>,
        tpu.vector_store %arg10[%parallel_loop3A_1969, %parallel_loop3A_1970, %parallel_loop3A_1971], %parallel_loop3A_1967 {strides = array<i32>} : memref<2x64x128xf32, #tpu.memory_space<vmem>>, vector<16xf32>,
        %parallel_loop3A_1973 = vector.broadcast %parallel_loop3A_1964 : i32 to vector<16xi32>
        %parallel_loop3A_1974 = arith.addi %select_n3A_1344, %parallel_loop3A_1973 : vector<16xi32>
        %parallel_loop3A_1975 = tpu.vector_load_idx %arg7[%parallel_loop3A_1974] : memref<8192xf32, #tpu.memory_space<vmem>>[vector<16xi32>], vector<16xf32>,
        %parallel_loop3A_1976 = arith.constant 0 : i32
        %parallel_loop3A_1977 = arith.index_cast %parallel_loop3A_1976 : i32 to index
        %parallel_loop3A_1978 = arith.index_cast %parallel_loop3A_1962 : i32 to index
        %parallel_loop3A_1979 = arith.constant 16 : index
        %parallel_loop3A_1980 = tpu.vector_load %arg10[%parallel_loop3A_1977, %parallel_loop3A_1978, %parallel_loop3A_1979] {strides = array<i32>} : memref<2x64x128xf32, #tpu.memory_space<vmem>>, vector<16xf32>,
        tpu.vector_store %arg10[%parallel_loop3A_1977, %parallel_loop3A_1978, %parallel_loop3A_1979], %parallel_loop3A_1975 {strides = array<i32>} : memref<2x64x128xf32, #tpu.memory_space<vmem>>, vector<16xf32>,
        %parallel_loop3A_1981 = vector.broadcast %parallel_loop3A_1964 : i32 to vector<16xi32>
        %parallel_loop3A_1982 = arith.addi %select_n3A_1385, %parallel_loop3A_1981 : vector<16xi32>
        %parallel_loop3A_1983 = tpu.vector_load_idx %arg7[%parallel_loop3A_1982] : memref<8192xf32, #tpu.memory_space<vmem>>[vector<16xi32>], vector<16xf32>,
        %parallel_loop3A_1984 = arith.constant 0 : i32
        %parallel_loop3A_1985 = arith.index_cast %parallel_loop3A_1984 : i32 to index
        %parallel_loop3A_1986 = arith.index_cast %parallel_loop3A_1962 : i32 to index
        %parallel_loop3A_1987 = arith.constant 32 : index
        %parallel_loop3A_1988 = tpu.vector_load %arg10[%parallel_loop3A_1985, %parallel_loop3A_1986, %parallel_loop3A_1987] {strides = array<i32>} : memref<2x64x128xf32, #tpu.memory_space<vmem>>, vector<16xf32>,
        tpu.vector_store %arg10[%parallel_loop3A_1985, %parallel_loop3A_1986, %parallel_loop3A_1987], %parallel_loop3A_1983 {strides = array<i32>} : memref<2x64x128xf32, #tpu.memory_space<vmem>>, vector<16xf32>,
        %parallel_loop3A_1989 = vector.broadcast %parallel_loop3A_1964 : i32 to vector<16xi32>
        %parallel_loop3A_1990 = arith.addi %select_n3A_1426, %parallel_loop3A_1989 : vector<16xi32>
        %parallel_loop3A_1991 = tpu.vector_load_idx %arg7[%parallel_loop3A_1990] : memref<8192xf32, #tpu.memory_space<vmem>>[vector<16xi32>], vector<16xf32>,
        %parallel_loop3A_1992 = arith.constant 0 : i32
        %parallel_loop3A_1993 = arith.index_cast %parallel_loop3A_1992 : i32 to index
        %parallel_loop3A_1994 = arith.index_cast %parallel_loop3A_1962 : i32 to index
        %parallel_loop3A_1995 = arith.constant 48 : index
        %parallel_loop3A_1996 = tpu.vector_load %arg10[%parallel_loop3A_1993, %parallel_loop3A_1994, %parallel_loop3A_1995] {strides = array<i32>} : memref<2x64x128xf32, #tpu.memory_space<vmem>>, vector<16xf32>,
        tpu.vector_store %arg10[%parallel_loop3A_1993, %parallel_loop3A_1994, %parallel_loop3A_1995], %parallel_loop3A_1991 {strides = array<i32>} : memref<2x64x128xf32, #tpu.memory_space<vmem>>, vector<16xf32>,
        %parallel_loop3A_1997 = vector.broadcast %parallel_loop3A_1964 : i32 to vector<16xi32>
        %parallel_loop3A_1998 = arith.addi %select_n3A_1467, %parallel_loop3A_1997 : vector<16xi32>
        %parallel_loop3A_1999 = tpu.vector_load_idx %arg7[%parallel_loop3A_1998] : memref<8192xf32, #tpu.memory_space<vmem>>[vector<16xi32>], vector<16xf32>,
        %parallel_loop3A_2000 = arith.constant 0 : i32
        %parallel_loop3A_2001 = arith.index_cast %parallel_loop3A_2000 : i32 to index
        %parallel_loop3A_2002 = arith.index_cast %parallel_loop3A_1962 : i32 to index
        %parallel_loop3A_2003 = arith.constant 64 : index
        %parallel_loop3A_2004 = tpu.vector_load %arg10[%parallel_loop3A_2001, %parallel_loop3A_2002, %parallel_loop3A_2003] {strides = array<i32>} : memref<2x64x128xf32, #tpu.memory_space<vmem>>, vector<16xf32>,
        tpu.vector_store %arg10[%parallel_loop3A_2001, %parallel_loop3A_2002, %parallel_loop3A_2003], %parallel_loop3A_1999 {strides = array<i32>} : memref<2x64x128xf32, #tpu.memory_space<vmem>>, vector<16xf32>,
        %parallel_loop3A_2005 = vector.broadcast %parallel_loop3A_1964 : i32 to vector<16xi32>
        %parallel_loop3A_2006 = arith.addi %select_n3A_1508, %parallel_loop3A_2005 : vector<16xi32>
        %parallel_loop3A_2007 = tpu.vector_load_idx %arg7[%parallel_loop3A_2006] : memref<8192xf32, #tpu.memory_space<vmem>>[vector<16xi32>], vector<16xf32>,
        %parallel_loop3A_2008 = arith.constant 0 : i32
        %parallel_loop3A_2009 = arith.index_cast %parallel_loop3A_2008 : i32 to index
        %parallel_loop3A_2010 = arith.index_cast %parallel_loop3A_1962 : i32 to index
        %parallel_loop3A_2011 = arith.constant 80 : index
        %parallel_loop3A_2012 = tpu.vector_load %arg10[%parallel_loop3A_2009, %parallel_loop3A_2010, %parallel_loop3A_2011] {strides = array<i32>} : memref<2x64x128xf32, #tpu.memory_space<vmem>>, vector<16xf32>,
        tpu.vector_store %arg10[%parallel_loop3A_2009, %parallel_loop3A_2010, %parallel_loop3A_2011], %parallel_loop3A_2007 {strides = array<i32>} : memref<2x64x128xf32, #tpu.memory_space<vmem>>, vector<16xf32>,
        %parallel_loop3A_2013 = vector.broadcast %parallel_loop3A_1964 : i32 to vector<16xi32>
        %parallel_loop3A_2014 = arith.addi %select_n3A_1549, %parallel_loop3A_2013 : vector<16xi32>
        %parallel_loop3A_2015 = tpu.vector_load_idx %arg7[%parallel_loop3A_2014] : memref<8192xf32, #tpu.memory_space<vmem>>[vector<16xi32>], vector<16xf32>,
        %parallel_loop3A_2016 = arith.constant 0 : i32
        %parallel_loop3A_2017 = arith.index_cast %parallel_loop3A_2016 : i32 to index
        %parallel_loop3A_2018 = arith.index_cast %parallel_loop3A_1962 : i32 to index
        %parallel_loop3A_2019 = arith.constant 96 : index
        %parallel_loop3A_2020 = tpu.vector_load %arg10[%parallel_loop3A_2017, %parallel_loop3A_2018, %parallel_loop3A_2019] {strides = array<i32>} : memref<2x64x128xf32, #tpu.memory_space<vmem>>, vector<16xf32>,
        tpu.vector_store %arg10[%parallel_loop3A_2017, %parallel_loop3A_2018, %parallel_loop3A_2019], %parallel_loop3A_2015 {strides = array<i32>} : memref<2x64x128xf32, #tpu.memory_space<vmem>>, vector<16xf32>,
        %parallel_loop3A_2021 = vector.broadcast %parallel_loop3A_1964 : i32 to vector<16xi32>
        %parallel_loop3A_2022 = arith.addi %select_n3A_1590, %parallel_loop3A_2021 : vector<16xi32>
        %parallel_loop3A_2023 = tpu.vector_load_idx %arg7[%parallel_loop3A_2022] : memref<8192xf32, #tpu.memory_space<vmem>>[vector<16xi32>], vector<16xf32>,
        %parallel_loop3A_2024 = arith.constant 0 : i32
        %parallel_loop3A_2025 = arith.index_cast %parallel_loop3A_2024 : i32 to index
        %parallel_loop3A_2026 = arith.index_cast %parallel_loop3A_1962 : i32 to index
        %parallel_loop3A_2027 = arith.constant 112 : index
        %parallel_loop3A_2028 = tpu.vector_load %arg10[%parallel_loop3A_2025, %parallel_loop3A_2026, %parallel_loop3A_2027] {strides = array<i32>} : memref<2x64x128xf32, #tpu.memory_space<vmem>>, vector<16xf32>,
        tpu.vector_store %arg10[%parallel_loop3A_2025, %parallel_loop3A_2026, %parallel_loop3A_2027], %parallel_loop3A_2023 {strides = array<i32>} : memref<2x64x128xf32, #tpu.memory_space<vmem>>, vector<16xf32>,
      } {sc.loop_unroll_factor = 2 : i64, sc.parallel_access}
      %dma_start3A = arith.constant 0 : i32
      %dma_start3A_1593 = arith.constant 0 : i32
      %dma_start3A_1594 = arith.constant 0 : i32
      %dma_start3A_1595 = tpu.memref_slice %arg10[%dma_start3A, %dma_start3A_1593, %dma_start3A_1594] : memref<2x64x128xf32, #tpu.memory_space<vmem>> -> memref<1x64x128xf32, #tpu.memory_space<vmem>>
      %dma_start3A_1596 = tpu.memref_squeeze %dma_start3A_1595 : memref<1x64x128xf32, #tpu.memory_space<vmem>> -> memref<64x128xf32, #tpu.memory_space<vmem>>
      %dma_start3A_1597 = arith.constant 0 : i32
      %dma_start3A_1598 = tpu.memref_slice %arg5[%add3A_1268, %dma_start3A_1597, %multiple_of3A] : memref<50x64x4096xf32, #tpu.memory_space<hbm>> -> memref<1x64x128xf32, #tpu.memory_space<hbm>>
      %dma_start3A_1599 = tpu.memref_squeeze %dma_start3A_1598 : memref<1x64x128xf32, #tpu.memory_space<hbm>> -> memref<64x128xf32, #tpu.memory_space<hbm>>
      %dma_start3A_1600 = arith.constant 0 : i32
      %dma_start3A_1601 = tpu.memref_slice %arg5[%add3A_1268, %dma_start3A_1600, %multiple_of3A] : memref<50x64x4096xf32, #tpu.memory_space<hbm>> -> memref<1x64x128xf32, #tpu.memory_space<hbm>>
      %dma_start3A_1602 = tpu.memref_squeeze %dma_start3A_1601 : memref<1x64x128xf32, #tpu.memory_space<hbm>> -> memref<64x128xf32, #tpu.memory_space<hbm>>
      %dma_start3A_1603 = arith.constant 0 : i32
      %dma_start3A_1604 = arith.constant 0 : i32
      %dma_start3A_1605 = tpu.memref_slice %arg10[%dma_start3A, %dma_start3A_1603, %dma_start3A_1604] : memref<2x64x128xf32, #tpu.memory_space<vmem>> -> memref<1x64x128xf32, #tpu.memory_space<vmem>>
      %dma_start3A_1606 = tpu.memref_squeeze %dma_start3A_1605 : memref<1x64x128xf32, #tpu.memory_space<vmem>> -> memref<64x128xf32, #tpu.memory_space<vmem>>
      tpu.enqueue_dma source(%dma_start3A_1606 : memref<64x128xf32, #tpu.memory_space<vmem>>) target(%dma_start3A_1602 : memref<64x128xf32, #tpu.memory_space<hbm>>) target_semaphore(%arg11 : memref<!tpu.dma_semaphore, #tpu.memory_space<semaphore_mem>>)
      %ge3A_1607 = arith.constant 1 : i32
      %ge3A_1608 = arith.cmpi sge, %scan3A_1262, %ge3A_1607 : i32
      %convert_element_type3A_1609 = arith.extui %ge3A_1608 : i1 to i32
      %cond3A_1610 = arith.constant 0 : i32
      %cond3A_1611 = arith.cmpi ne, %convert_element_type3A_1609, %cond3A_1610 : i32
      scf.if %cond3A_1611 {
        %dma_wait3A_1962 = arith.constant 1 : i32
        %dma_wait3A_1963 = arith.constant 0 : i32
        %dma_wait3A_1964 = arith.constant 0 : i32
        %dma_wait3A_1965 = arith.constant 0 : i32
        %dma_wait3A_1966 = tpu.memref_slice %arg10[%dma_wait3A_1962, %dma_wait3A_1964, %dma_wait3A_1965] : memref<2x64x128xf32, #tpu.memory_space<vmem>> -> memref<1x64x128xf32, #tpu.memory_space<vmem>>
        %dma_wait3A_1967 = tpu.memref_squeeze %dma_wait3A_1966 : memref<1x64x128xf32, #tpu.memory_space<vmem>> -> memref<64x128xf32, #tpu.memory_space<vmem>>
        %dma_wait3A_1968 = arith.constant 0 : i32
        %dma_wait3A_1969 = tpu.memref_slice %arg5[%dma_wait3A_1963, %dma_wait3A_1968, %multiple_of3A] : memref<50x64x4096xf32, #tpu.memory_space<hbm>> -> memref<1x64x128xf32, #tpu.memory_space<hbm>>
        %dma_wait3A_1970 = tpu.memref_squeeze %dma_wait3A_1969 : memref<1x64x128xf32, #tpu.memory_space<hbm>> -> memref<64x128xf32, #tpu.memory_space<hbm>>
        %dma_wait3A_1971 = arith.constant 0 : i32
        %dma_wait3A_1972 = tpu.memref_slice %arg5[%dma_wait3A_1963, %dma_wait3A_1971, %multiple_of3A] : memref<50x64x4096xf32, #tpu.memory_space<hbm>> -> memref<1x64x128xf32, #tpu.memory_space<hbm>>
        %dma_wait3A_1973 = tpu.memref_squeeze %dma_wait3A_1972 : memref<1x64x128xf32, #tpu.memory_space<hbm>> -> memref<64x128xf32, #tpu.memory_space<hbm>>
        %dma_wait3A_1974 = arith.constant 0 : i32
        %dma_wait3A_1975 = arith.constant 0 : i32
        %dma_wait3A_1976 = tpu.memref_slice %arg10[%dma_wait3A_1962, %dma_wait3A_1974, %dma_wait3A_1975] : memref<2x64x128xf32, #tpu.memory_space<vmem>> -> memref<1x64x128xf32, #tpu.memory_space<vmem>>
        %dma_wait3A_1977 = tpu.memref_squeeze %dma_wait3A_1976 : memref<1x64x128xf32, #tpu.memory_space<vmem>> -> memref<64x128xf32, #tpu.memory_space<vmem>>
        tpu.wait_dma2 semaphore(%arg12 : memref<!tpu.dma_semaphore, #tpu.memory_space<semaphore_mem>>) src(%dma_wait3A_1977 : memref<64x128xf32, #tpu.memory_space<vmem>>) dst(%dma_wait3A_1973 : memref<64x128xf32, #tpu.memory_space<hbm>>)
      } else {
      }
      %mul3A_1612 = arith.constant 2 : i32
      %mul3A_1613 = arith.muli %mul3A_1612, %scan3A_1262 : i32
      %add3A_1614 = arith.constant 1 : i32
      %add3A_1615 = arith.addi %mul3A_1613, %add3A_1614 : i32
      %get3A_1616 = arith.index_cast %add3A_1615 : i32 to index
      %get3A_1617 = arith.constant 0 : index
      %get3A_1618 = tpu.vector_load %arg8[%get3A_1616, %get3A_1617] {strides = array<i32>} : memref<50x128xi32, #tpu.memory_space<vmem>>, vector<16xi32>,
      %get3A_1619 = arith.index_cast %add3A_1615 : i32 to index
      %get3A_1620 = arith.constant 0 : index
      %get3A_1621 = tpu.vector_load %arg9[%get3A_1619, %get3A_1620] {strides = array<i32>} : memref<50x128xf32, #tpu.memory_space<vmem>>, vector<16xf32>,
      %mul3A_1622 = arith.constant 1.000000e+03 : f32
      %mul3A_1623 = vector.broadcast %mul3A_1622 : f32 to vector<16xf32>
      %mul3A_1624 = arith.mulf %get3A_1621, %mul3A_1623 : vector<16xf32>
      %convert_element_type3A_1625 = arith.fptosi %mul3A_1624 : vector<16xf32> to vector<16xi32>
      %add3A_1626 = arith.addi %get3A_1618, %convert_element_type3A_1625 : vector<16xi32>
      %mul3A_1627 = arith.constant 26215 : i32
      %mul3A_1628 = vector.broadcast %mul3A_1627 : i32 to vector<16xi32>
      %mul3A_1629 = arith.muli %get3A_1618, %mul3A_1628 : vector<16xi32>
      %shift_right_arithmetic3A_1630 = arith.constant 17 : i32
      %shift_right_arithmetic3A_1631 = vector.broadcast %shift_right_arithmetic3A_1630 : i32 to vector<16xi32>
      %shift_right_arithmetic3A_1632 = arith.shrsi %mul3A_1629, %shift_right_arithmetic3A_1631 : vector<16xi32>
      %mul3A_1633 = arith.constant 5 : i32
      %mul3A_1634 = vector.broadcast %mul3A_1633 : i32 to vector<16xi32>
      %mul3A_1635 = arith.muli %mul3A_1634, %shift_right_arithmetic3A_1632 : vector<16xi32>
      %sub3A_1636 = arith.subi %get3A_1618, %mul3A_1635 : vector<16xi32>
      %mul3A_1637 = arith.constant 26215 : i32
      %mul3A_1638 = vector.broadcast %mul3A_1637 : i32 to vector<16xi32>
      %mul3A_1639 = arith.muli %add3A_1626, %mul3A_1638 : vector<16xi32>
      %shift_right_arithmetic3A_1640 = arith.constant 17 : i32
      %shift_right_arithmetic3A_1641 = vector.broadcast %shift_right_arithmetic3A_1640 : i32 to vector<16xi32>
      %shift_right_arithmetic3A_1642 = arith.shrsi %mul3A_1639, %shift_right_arithmetic3A_1641 : vector<16xi32>
      %mul3A_1643 = arith.constant 5 : i32
      %mul3A_1644 = vector.broadcast %mul3A_1643 : i32 to vector<16xi32>
      %mul3A_1645 = arith.muli %mul3A_1644, %shift_right_arithmetic3A_1642 : vector<16xi32>
      %sub3A_1646 = arith.subi %add3A_1626, %mul3A_1645 : vector<16xi32>
      %eq3A_1647 = arith.constant 0 : i32
      %eq3A_1648 = vector.broadcast %eq3A_1647 : i32 to vector<16xi32>
      %eq3A_1649 = arith.cmpi eq, %get3A_1618, %eq3A_1648 : vector<16xi32>
      %mul3A_1650 = arith.constant 5 : i32
      %mul3A_1651 = vector.broadcast %mul3A_1650 : i32 to vector<16xi32>
      %mul3A_1652 = arith.muli %sub3A_1636, %mul3A_1651 : vector<16xi32>
      %add3A_1653 = arith.addi %mul3A_1652, %sub3A_1646 : vector<16xi32>
      %jit3A_1654 = arith.constant 24 : i32
      %broadcast_in_dim3A_1655 = vector.broadcast %jit3A_1654 : i32 to vector<16xi32>
      %select_n3A_1656 = arith.select %eq3A_1649, %broadcast_in_dim3A_1655, %add3A_1653 : vector<16xi1>, vector<16xi32>
      %get3A_1657 = arith.index_cast %add3A_1615 : i32 to index
      %get3A_1658 = arith.constant 16 : index
      %get3A_1659 = tpu.vector_load %arg8[%get3A_1657, %get3A_1658] {strides = array<i32>} : memref<50x128xi32, #tpu.memory_space<vmem>>, vector<16xi32>,
      %get3A_1660 = arith.index_cast %add3A_1615 : i32 to index
      %get3A_1661 = arith.constant 16 : index
      %get3A_1662 = tpu.vector_load %arg9[%get3A_1660, %get3A_1661] {strides = array<i32>} : memref<50x128xf32, #tpu.memory_space<vmem>>, vector<16xf32>,
      %mul3A_1663 = arith.constant 1.000000e+03 : f32
      %mul3A_1664 = vector.broadcast %mul3A_1663 : f32 to vector<16xf32>
      %mul3A_1665 = arith.mulf %get3A_1662, %mul3A_1664 : vector<16xf32>
      %convert_element_type3A_1666 = arith.fptosi %mul3A_1665 : vector<16xf32> to vector<16xi32>
      %add3A_1667 = arith.addi %get3A_1659, %convert_element_type3A_1666 : vector<16xi32>
      %mul3A_1668 = arith.constant 26215 : i32
      %mul3A_1669 = vector.broadcast %mul3A_1668 : i32 to vector<16xi32>
      %mul3A_1670 = arith.muli %get3A_1659, %mul3A_1669 : vector<16xi32>
      %shift_right_arithmetic3A_1671 = arith.constant 17 : i32
      %shift_right_arithmetic3A_1672 = vector.broadcast %shift_right_arithmetic3A_1671 : i32 to vector<16xi32>
      %shift_right_arithmetic3A_1673 = arith.shrsi %mul3A_1670, %shift_right_arithmetic3A_1672 : vector<16xi32>
      %mul3A_1674 = arith.constant 5 : i32
      %mul3A_1675 = vector.broadcast %mul3A_1674 : i32 to vector<16xi32>
      %mul3A_1676 = arith.muli %mul3A_1675, %shift_right_arithmetic3A_1673 : vector<16xi32>
      %sub3A_1677 = arith.subi %get3A_1659, %mul3A_1676 : vector<16xi32>
      %mul3A_1678 = arith.constant 26215 : i32
      %mul3A_1679 = vector.broadcast %mul3A_1678 : i32 to vector<16xi32>
      %mul3A_1680 = arith.muli %add3A_1667, %mul3A_1679 : vector<16xi32>
      %shift_right_arithmetic3A_1681 = arith.constant 17 : i32
      %shift_right_arithmetic3A_1682 = vector.broadcast %shift_right_arithmetic3A_1681 : i32 to vector<16xi32>
      %shift_right_arithmetic3A_1683 = arith.shrsi %mul3A_1680, %shift_right_arithmetic3A_1682 : vector<16xi32>
      %mul3A_1684 = arith.constant 5 : i32
      %mul3A_1685 = vector.broadcast %mul3A_1684 : i32 to vector<16xi32>
      %mul3A_1686 = arith.muli %mul3A_1685, %shift_right_arithmetic3A_1683 : vector<16xi32>
      %sub3A_1687 = arith.subi %add3A_1667, %mul3A_1686 : vector<16xi32>
      %eq3A_1688 = arith.constant 0 : i32
      %eq3A_1689 = vector.broadcast %eq3A_1688 : i32 to vector<16xi32>
      %eq3A_1690 = arith.cmpi eq, %get3A_1659, %eq3A_1689 : vector<16xi32>
      %mul3A_1691 = arith.constant 5 : i32
      %mul3A_1692 = vector.broadcast %mul3A_1691 : i32 to vector<16xi32>
      %mul3A_1693 = arith.muli %sub3A_1677, %mul3A_1692 : vector<16xi32>
      %add3A_1694 = arith.addi %mul3A_1693, %sub3A_1687 : vector<16xi32>
      %jit3A_1695 = arith.constant 24 : i32
      %broadcast_in_dim3A_1696 = vector.broadcast %jit3A_1695 : i32 to vector<16xi32>
      %select_n3A_1697 = arith.select %eq3A_1690, %broadcast_in_dim3A_1696, %add3A_1694 : vector<16xi1>, vector<16xi32>
      %get3A_1698 = arith.index_cast %add3A_1615 : i32 to index
      %get3A_1699 = arith.constant 32 : index
      %get3A_1700 = tpu.vector_load %arg8[%get3A_1698, %get3A_1699] {strides = array<i32>} : memref<50x128xi32, #tpu.memory_space<vmem>>, vector<16xi32>,
      %get3A_1701 = arith.index_cast %add3A_1615 : i32 to index
      %get3A_1702 = arith.constant 32 : index
      %get3A_1703 = tpu.vector_load %arg9[%get3A_1701, %get3A_1702] {strides = array<i32>} : memref<50x128xf32, #tpu.memory_space<vmem>>, vector<16xf32>,
      %mul3A_1704 = arith.constant 1.000000e+03 : f32
      %mul3A_1705 = vector.broadcast %mul3A_1704 : f32 to vector<16xf32>
      %mul3A_1706 = arith.mulf %get3A_1703, %mul3A_1705 : vector<16xf32>
      %convert_element_type3A_1707 = arith.fptosi %mul3A_1706 : vector<16xf32> to vector<16xi32>
      %add3A_1708 = arith.addi %get3A_1700, %convert_element_type3A_1707 : vector<16xi32>
      %mul3A_1709 = arith.constant 26215 : i32
      %mul3A_1710 = vector.broadcast %mul3A_1709 : i32 to vector<16xi32>
      %mul3A_1711 = arith.muli %get3A_1700, %mul3A_1710 : vector<16xi32>
      %shift_right_arithmetic3A_1712 = arith.constant 17 : i32
      %shift_right_arithmetic3A_1713 = vector.broadcast %shift_right_arithmetic3A_1712 : i32 to vector<16xi32>
      %shift_right_arithmetic3A_1714 = arith.shrsi %mul3A_1711, %shift_right_arithmetic3A_1713 : vector<16xi32>
      %mul3A_1715 = arith.constant 5 : i32
      %mul3A_1716 = vector.broadcast %mul3A_1715 : i32 to vector<16xi32>
      %mul3A_1717 = arith.muli %mul3A_1716, %shift_right_arithmetic3A_1714 : vector<16xi32>
      %sub3A_1718 = arith.subi %get3A_1700, %mul3A_1717 : vector<16xi32>
      %mul3A_1719 = arith.constant 26215 : i32
      %mul3A_1720 = vector.broadcast %mul3A_1719 : i32 to vector<16xi32>
      %mul3A_1721 = arith.muli %add3A_1708, %mul3A_1720 : vector<16xi32>
      %shift_right_arithmetic3A_1722 = arith.constant 17 : i32
      %shift_right_arithmetic3A_1723 = vector.broadcast %shift_right_arithmetic3A_1722 : i32 to vector<16xi32>
      %shift_right_arithmetic3A_1724 = arith.shrsi %mul3A_1721, %shift_right_arithmetic3A_1723 : vector<16xi32>
      %mul3A_1725 = arith.constant 5 : i32
      %mul3A_1726 = vector.broadcast %mul3A_1725 : i32 to vector<16xi32>
      %mul3A_1727 = arith.muli %mul3A_1726, %shift_right_arithmetic3A_1724 : vector<16xi32>
      %sub3A_1728 = arith.subi %add3A_1708, %mul3A_1727 : vector<16xi32>
      %eq3A_1729 = arith.constant 0 : i32
      %eq3A_1730 = vector.broadcast %eq3A_1729 : i32 to vector<16xi32>
      %eq3A_1731 = arith.cmpi eq, %get3A_1700, %eq3A_1730 : vector<16xi32>
      %mul3A_1732 = arith.constant 5 : i32
      %mul3A_1733 = vector.broadcast %mul3A_1732 : i32 to vector<16xi32>
      %mul3A_1734 = arith.muli %sub3A_1718, %mul3A_1733 : vector<16xi32>
      %add3A_1735 = arith.addi %mul3A_1734, %sub3A_1728 : vector<16xi32>
      %jit3A_1736 = arith.constant 24 : i32
      %broadcast_in_dim3A_1737 = vector.broadcast %jit3A_1736 : i32 to vector<16xi32>
      %select_n3A_1738 = arith.select %eq3A_1731, %broadcast_in_dim3A_1737, %add3A_1735 : vector<16xi1>, vector<16xi32>
      %get3A_1739 = arith.index_cast %add3A_1615 : i32 to index
      %get3A_1740 = arith.constant 48 : index
      %get3A_1741 = tpu.vector_load %arg8[%get3A_1739, %get3A_1740] {strides = array<i32>} : memref<50x128xi32, #tpu.memory_space<vmem>>, vector<16xi32>,
      %get3A_1742 = arith.index_cast %add3A_1615 : i32 to index
      %get3A_1743 = arith.constant 48 : index
      %get3A_1744 = tpu.vector_load %arg9[%get3A_1742, %get3A_1743] {strides = array<i32>} : memref<50x128xf32, #tpu.memory_space<vmem>>, vector<16xf32>,
      %mul3A_1745 = arith.constant 1.000000e+03 : f32
      %mul3A_1746 = vector.broadcast %mul3A_1745 : f32 to vector<16xf32>
      %mul3A_1747 = arith.mulf %get3A_1744, %mul3A_1746 : vector<16xf32>
      %convert_element_type3A_1748 = arith.fptosi %mul3A_1747 : vector<16xf32> to vector<16xi32>
      %add3A_1749 = arith.addi %get3A_1741, %convert_element_type3A_1748 : vector<16xi32>
      %mul3A_1750 = arith.constant 26215 : i32
      %mul3A_1751 = vector.broadcast %mul3A_1750 : i32 to vector<16xi32>
      %mul3A_1752 = arith.muli %get3A_1741, %mul3A_1751 : vector<16xi32>
      %shift_right_arithmetic3A_1753 = arith.constant 17 : i32
      %shift_right_arithmetic3A_1754 = vector.broadcast %shift_right_arithmetic3A_1753 : i32 to vector<16xi32>
      %shift_right_arithmetic3A_1755 = arith.shrsi %mul3A_1752, %shift_right_arithmetic3A_1754 : vector<16xi32>
      %mul3A_1756 = arith.constant 5 : i32
      %mul3A_1757 = vector.broadcast %mul3A_1756 : i32 to vector<16xi32>
      %mul3A_1758 = arith.muli %mul3A_1757, %shift_right_arithmetic3A_1755 : vector<16xi32>
      %sub3A_1759 = arith.subi %get3A_1741, %mul3A_1758 : vector<16xi32>
      %mul3A_1760 = arith.constant 26215 : i32
      %mul3A_1761 = vector.broadcast %mul3A_1760 : i32 to vector<16xi32>
      %mul3A_1762 = arith.muli %add3A_1749, %mul3A_1761 : vector<16xi32>
      %shift_right_arithmetic3A_1763 = arith.constant 17 : i32
      %shift_right_arithmetic3A_1764 = vector.broadcast %shift_right_arithmetic3A_1763 : i32 to vector<16xi32>
      %shift_right_arithmetic3A_1765 = arith.shrsi %mul3A_1762, %shift_right_arithmetic3A_1764 : vector<16xi32>
      %mul3A_1766 = arith.constant 5 : i32
      %mul3A_1767 = vector.broadcast %mul3A_1766 : i32 to vector<16xi32>
      %mul3A_1768 = arith.muli %mul3A_1767, %shift_right_arithmetic3A_1765 : vector<16xi32>
      %sub3A_1769 = arith.subi %add3A_1749, %mul3A_1768 : vector<16xi32>
      %eq3A_1770 = arith.constant 0 : i32
      %eq3A_1771 = vector.broadcast %eq3A_1770 : i32 to vector<16xi32>
      %eq3A_1772 = arith.cmpi eq, %get3A_1741, %eq3A_1771 : vector<16xi32>
      %mul3A_1773 = arith.constant 5 : i32
      %mul3A_1774 = vector.broadcast %mul3A_1773 : i32 to vector<16xi32>
      %mul3A_1775 = arith.muli %sub3A_1759, %mul3A_1774 : vector<16xi32>
      %add3A_1776 = arith.addi %mul3A_1775, %sub3A_1769 : vector<16xi32>
      %jit3A_1777 = arith.constant 24 : i32
      %broadcast_in_dim3A_1778 = vector.broadcast %jit3A_1777 : i32 to vector<16xi32>
      %select_n3A_1779 = arith.select %eq3A_1772, %broadcast_in_dim3A_1778, %add3A_1776 : vector<16xi1>, vector<16xi32>
      %get3A_1780 = arith.index_cast %add3A_1615 : i32 to index
      %get3A_1781 = arith.constant 64 : index
      %get3A_1782 = tpu.vector_load %arg8[%get3A_1780, %get3A_1781] {strides = array<i32>} : memref<50x128xi32, #tpu.memory_space<vmem>>, vector<16xi32>,
      %get3A_1783 = arith.index_cast %add3A_1615 : i32 to index
      %get3A_1784 = arith.constant 64 : index
      %get3A_1785 = tpu.vector_load %arg9[%get3A_1783, %get3A_1784] {strides = array<i32>} : memref<50x128xf32, #tpu.memory_space<vmem>>, vector<16xf32>,
      %mul3A_1786 = arith.constant 1.000000e+03 : f32
      %mul3A_1787 = vector.broadcast %mul3A_1786 : f32 to vector<16xf32>
      %mul3A_1788 = arith.mulf %get3A_1785, %mul3A_1787 : vector<16xf32>
      %convert_element_type3A_1789 = arith.fptosi %mul3A_1788 : vector<16xf32> to vector<16xi32>
      %add3A_1790 = arith.addi %get3A_1782, %convert_element_type3A_1789 : vector<16xi32>
      %mul3A_1791 = arith.constant 26215 : i32
      %mul3A_1792 = vector.broadcast %mul3A_1791 : i32 to vector<16xi32>
      %mul3A_1793 = arith.muli %get3A_1782, %mul3A_1792 : vector<16xi32>
      %shift_right_arithmetic3A_1794 = arith.constant 17 : i32
      %shift_right_arithmetic3A_1795 = vector.broadcast %shift_right_arithmetic3A_1794 : i32 to vector<16xi32>
      %shift_right_arithmetic3A_1796 = arith.shrsi %mul3A_1793, %shift_right_arithmetic3A_1795 : vector<16xi32>
      %mul3A_1797 = arith.constant 5 : i32
      %mul3A_1798 = vector.broadcast %mul3A_1797 : i32 to vector<16xi32>
      %mul3A_1799 = arith.muli %mul3A_1798, %shift_right_arithmetic3A_1796 : vector<16xi32>
      %sub3A_1800 = arith.subi %get3A_1782, %mul3A_1799 : vector<16xi32>
      %mul3A_1801 = arith.constant 26215 : i32
      %mul3A_1802 = vector.broadcast %mul3A_1801 : i32 to vector<16xi32>
      %mul3A_1803 = arith.muli %add3A_1790, %mul3A_1802 : vector<16xi32>
      %shift_right_arithmetic3A_1804 = arith.constant 17 : i32
      %shift_right_arithmetic3A_1805 = vector.broadcast %shift_right_arithmetic3A_1804 : i32 to vector<16xi32>
      %shift_right_arithmetic3A_1806 = arith.shrsi %mul3A_1803, %shift_right_arithmetic3A_1805 : vector<16xi32>
      %mul3A_1807 = arith.constant 5 : i32
      %mul3A_1808 = vector.broadcast %mul3A_1807 : i32 to vector<16xi32>
      %mul3A_1809 = arith.muli %mul3A_1808, %shift_right_arithmetic3A_1806 : vector<16xi32>
      %sub3A_1810 = arith.subi %add3A_1790, %mul3A_1809 : vector<16xi32>
      %eq3A_1811 = arith.constant 0 : i32
      %eq3A_1812 = vector.broadcast %eq3A_1811 : i32 to vector<16xi32>
      %eq3A_1813 = arith.cmpi eq, %get3A_1782, %eq3A_1812 : vector<16xi32>
      %mul3A_1814 = arith.constant 5 : i32
      %mul3A_1815 = vector.broadcast %mul3A_1814 : i32 to vector<16xi32>
      %mul3A_1816 = arith.muli %sub3A_1800, %mul3A_1815 : vector<16xi32>
      %add3A_1817 = arith.addi %mul3A_1816, %sub3A_1810 : vector<16xi32>
      %jit3A_1818 = arith.constant 24 : i32
      %broadcast_in_dim3A_1819 = vector.broadcast %jit3A_1818 : i32 to vector<16xi32>
      %select_n3A_1820 = arith.select %eq3A_1813, %broadcast_in_dim3A_1819, %add3A_1817 : vector<16xi1>, vector<16xi32>
      %get3A_1821 = arith.index_cast %add3A_1615 : i32 to index
      %get3A_1822 = arith.constant 80 : index
      %get3A_1823 = tpu.vector_load %arg8[%get3A_1821, %get3A_1822] {strides = array<i32>} : memref<50x128xi32, #tpu.memory_space<vmem>>, vector<16xi32>,
      %get3A_1824 = arith.index_cast %add3A_1615 : i32 to index
      %get3A_1825 = arith.constant 80 : index
      %get3A_1826 = tpu.vector_load %arg9[%get3A_1824, %get3A_1825] {strides = array<i32>} : memref<50x128xf32, #tpu.memory_space<vmem>>, vector<16xf32>,
      %mul3A_1827 = arith.constant 1.000000e+03 : f32
      %mul3A_1828 = vector.broadcast %mul3A_1827 : f32 to vector<16xf32>
      %mul3A_1829 = arith.mulf %get3A_1826, %mul3A_1828 : vector<16xf32>
      %convert_element_type3A_1830 = arith.fptosi %mul3A_1829 : vector<16xf32> to vector<16xi32>
      %add3A_1831 = arith.addi %get3A_1823, %convert_element_type3A_1830 : vector<16xi32>
      %mul3A_1832 = arith.constant 26215 : i32
      %mul3A_1833 = vector.broadcast %mul3A_1832 : i32 to vector<16xi32>
      %mul3A_1834 = arith.muli %get3A_1823, %mul3A_1833 : vector<16xi32>
      %shift_right_arithmetic3A_1835 = arith.constant 17 : i32
      %shift_right_arithmetic3A_1836 = vector.broadcast %shift_right_arithmetic3A_1835 : i32 to vector<16xi32>
      %shift_right_arithmetic3A_1837 = arith.shrsi %mul3A_1834, %shift_right_arithmetic3A_1836 : vector<16xi32>
      %mul3A_1838 = arith.constant 5 : i32
      %mul3A_1839 = vector.broadcast %mul3A_1838 : i32 to vector<16xi32>
      %mul3A_1840 = arith.muli %mul3A_1839, %shift_right_arithmetic3A_1837 : vector<16xi32>
      %sub3A_1841 = arith.subi %get3A_1823, %mul3A_1840 : vector<16xi32>
      %mul3A_1842 = arith.constant 26215 : i32
      %mul3A_1843 = vector.broadcast %mul3A_1842 : i32 to vector<16xi32>
      %mul3A_1844 = arith.muli %add3A_1831, %mul3A_1843 : vector<16xi32>
      %shift_right_arithmetic3A_1845 = arith.constant 17 : i32
      %shift_right_arithmetic3A_1846 = vector.broadcast %shift_right_arithmetic3A_1845 : i32 to vector<16xi32>
      %shift_right_arithmetic3A_1847 = arith.shrsi %mul3A_1844, %shift_right_arithmetic3A_1846 : vector<16xi32>
      %mul3A_1848 = arith.constant 5 : i32
      %mul3A_1849 = vector.broadcast %mul3A_1848 : i32 to vector<16xi32>
      %mul3A_1850 = arith.muli %mul3A_1849, %shift_right_arithmetic3A_1847 : vector<16xi32>
      %sub3A_1851 = arith.subi %add3A_1831, %mul3A_1850 : vector<16xi32>
      %eq3A_1852 = arith.constant 0 : i32
      %eq3A_1853 = vector.broadcast %eq3A_1852 : i32 to vector<16xi32>
      %eq3A_1854 = arith.cmpi eq, %get3A_1823, %eq3A_1853 : vector<16xi32>
      %mul3A_1855 = arith.constant 5 : i32
      %mul3A_1856 = vector.broadcast %mul3A_1855 : i32 to vector<16xi32>
      %mul3A_1857 = arith.muli %sub3A_1841, %mul3A_1856 : vector<16xi32>
      %add3A_1858 = arith.addi %mul3A_1857, %sub3A_1851 : vector<16xi32>
      %jit3A_1859 = arith.constant 24 : i32
      %broadcast_in_dim3A_1860 = vector.broadcast %jit3A_1859 : i32 to vector<16xi32>
      %select_n3A_1861 = arith.select %eq3A_1854, %broadcast_in_dim3A_1860, %add3A_1858 : vector<16xi1>, vector<16xi32>
      %get3A_1862 = arith.index_cast %add3A_1615 : i32 to index
      %get3A_1863 = arith.constant 96 : index
      %get3A_1864 = tpu.vector_load %arg8[%get3A_1862, %get3A_1863] {strides = array<i32>} : memref<50x128xi32, #tpu.memory_space<vmem>>, vector<16xi32>,
      %get3A_1865 = arith.index_cast %add3A_1615 : i32 to index
      %get3A_1866 = arith.constant 96 : index
      %get3A_1867 = tpu.vector_load %arg9[%get3A_1865, %get3A_1866] {strides = array<i32>} : memref<50x128xf32, #tpu.memory_space<vmem>>, vector<16xf32>,
      %mul3A_1868 = arith.constant 1.000000e+03 : f32
      %mul3A_1869 = vector.broadcast %mul3A_1868 : f32 to vector<16xf32>
      %mul3A_1870 = arith.mulf %get3A_1867, %mul3A_1869 : vector<16xf32>
      %convert_element_type3A_1871 = arith.fptosi %mul3A_1870 : vector<16xf32> to vector<16xi32>
      %add3A_1872 = arith.addi %get3A_1864, %convert_element_type3A_1871 : vector<16xi32>
      %mul3A_1873 = arith.constant 26215 : i32
      %mul3A_1874 = vector.broadcast %mul3A_1873 : i32 to vector<16xi32>
      %mul3A_1875 = arith.muli %get3A_1864, %mul3A_1874 : vector<16xi32>
      %shift_right_arithmetic3A_1876 = arith.constant 17 : i32
      %shift_right_arithmetic3A_1877 = vector.broadcast %shift_right_arithmetic3A_1876 : i32 to vector<16xi32>
      %shift_right_arithmetic3A_1878 = arith.shrsi %mul3A_1875, %shift_right_arithmetic3A_1877 : vector<16xi32>
      %mul3A_1879 = arith.constant 5 : i32
      %mul3A_1880 = vector.broadcast %mul3A_1879 : i32 to vector<16xi32>
      %mul3A_1881 = arith.muli %mul3A_1880, %shift_right_arithmetic3A_1878 : vector<16xi32>
      %sub3A_1882 = arith.subi %get3A_1864, %mul3A_1881 : vector<16xi32>
      %mul3A_1883 = arith.constant 26215 : i32
      %mul3A_1884 = vector.broadcast %mul3A_1883 : i32 to vector<16xi32>
      %mul3A_1885 = arith.muli %add3A_1872, %mul3A_1884 : vector<16xi32>
      %shift_right_arithmetic3A_1886 = arith.constant 17 : i32
      %shift_right_arithmetic3A_1887 = vector.broadcast %shift_right_arithmetic3A_1886 : i32 to vector<16xi32>
      %shift_right_arithmetic3A_1888 = arith.shrsi %mul3A_1885, %shift_right_arithmetic3A_1887 : vector<16xi32>
      %mul3A_1889 = arith.constant 5 : i32
      %mul3A_1890 = vector.broadcast %mul3A_1889 : i32 to vector<16xi32>
      %mul3A_1891 = arith.muli %mul3A_1890, %shift_right_arithmetic3A_1888 : vector<16xi32>
      %sub3A_1892 = arith.subi %add3A_1872, %mul3A_1891 : vector<16xi32>
      %eq3A_1893 = arith.constant 0 : i32
      %eq3A_1894 = vector.broadcast %eq3A_1893 : i32 to vector<16xi32>
      %eq3A_1895 = arith.cmpi eq, %get3A_1864, %eq3A_1894 : vector<16xi32>
      %mul3A_1896 = arith.constant 5 : i32
      %mul3A_1897 = vector.broadcast %mul3A_1896 : i32 to vector<16xi32>
      %mul3A_1898 = arith.muli %sub3A_1882, %mul3A_1897 : vector<16xi32>
      %add3A_1899 = arith.addi %mul3A_1898, %sub3A_1892 : vector<16xi32>
      %jit3A_1900 = arith.constant 24 : i32
      %broadcast_in_dim3A_1901 = vector.broadcast %jit3A_1900 : i32 to vector<16xi32>
      %select_n3A_1902 = arith.select %eq3A_1895, %broadcast_in_dim3A_1901, %add3A_1899 : vector<16xi1>, vector<16xi32>
      %get3A_1903 = arith.index_cast %add3A_1615 : i32 to index
      %get3A_1904 = arith.constant 112 : index
      %get3A_1905 = tpu.vector_load %arg8[%get3A_1903, %get3A_1904] {strides = array<i32>} : memref<50x128xi32, #tpu.memory_space<vmem>>, vector<16xi32>,
      %get3A_1906 = arith.index_cast %add3A_1615 : i32 to index
      %get3A_1907 = arith.constant 112 : index
      %get3A_1908 = tpu.vector_load %arg9[%get3A_1906, %get3A_1907] {strides = array<i32>} : memref<50x128xf32, #tpu.memory_space<vmem>>, vector<16xf32>,
      %mul3A_1909 = arith.constant 1.000000e+03 : f32
      %mul3A_1910 = vector.broadcast %mul3A_1909 : f32 to vector<16xf32>
      %mul3A_1911 = arith.mulf %get3A_1908, %mul3A_1910 : vector<16xf32>
      %convert_element_type3A_1912 = arith.fptosi %mul3A_1911 : vector<16xf32> to vector<16xi32>
      %add3A_1913 = arith.addi %get3A_1905, %convert_element_type3A_1912 : vector<16xi32>
      %mul3A_1914 = arith.constant 26215 : i32
      %mul3A_1915 = vector.broadcast %mul3A_1914 : i32 to vector<16xi32>
      %mul3A_1916 = arith.muli %get3A_1905, %mul3A_1915 : vector<16xi32>
      %shift_right_arithmetic3A_1917 = arith.constant 17 : i32
      %shift_right_arithmetic3A_1918 = vector.broadcast %shift_right_arithmetic3A_1917 : i32 to vector<16xi32>
      %shift_right_arithmetic3A_1919 = arith.shrsi %mul3A_1916, %shift_right_arithmetic3A_1918 : vector<16xi32>
      %mul3A_1920 = arith.constant 5 : i32
      %mul3A_1921 = vector.broadcast %mul3A_1920 : i32 to vector<16xi32>
      %mul3A_1922 = arith.muli %mul3A_1921, %shift_right_arithmetic3A_1919 : vector<16xi32>
      %sub3A_1923 = arith.subi %get3A_1905, %mul3A_1922 : vector<16xi32>
      %mul3A_1924 = arith.constant 26215 : i32
      %mul3A_1925 = vector.broadcast %mul3A_1924 : i32 to vector<16xi32>
      %mul3A_1926 = arith.muli %add3A_1913, %mul3A_1925 : vector<16xi32>
      %shift_right_arithmetic3A_1927 = arith.constant 17 : i32
      %shift_right_arithmetic3A_1928 = vector.broadcast %shift_right_arithmetic3A_1927 : i32 to vector<16xi32>
      %shift_right_arithmetic3A_1929 = arith.shrsi %mul3A_1926, %shift_right_arithmetic3A_1928 : vector<16xi32>
      %mul3A_1930 = arith.constant 5 : i32
      %mul3A_1931 = vector.broadcast %mul3A_1930 : i32 to vector<16xi32>
      %mul3A_1932 = arith.muli %mul3A_1931, %shift_right_arithmetic3A_1929 : vector<16xi32>
      %sub3A_1933 = arith.subi %add3A_1913, %mul3A_1932 : vector<16xi32>
      %eq3A_1934 = arith.constant 0 : i32
      %eq3A_1935 = vector.broadcast %eq3A_1934 : i32 to vector<16xi32>
      %eq3A_1936 = arith.cmpi eq, %get3A_1905, %eq3A_1935 : vector<16xi32>
      %mul3A_1937 = arith.constant 5 : i32
      %mul3A_1938 = vector.broadcast %mul3A_1937 : i32 to vector<16xi32>
      %mul3A_1939 = arith.muli %sub3A_1923, %mul3A_1938 : vector<16xi32>
      %add3A_1940 = arith.addi %mul3A_1939, %sub3A_1933 : vector<16xi32>
      %jit3A_1941 = arith.constant 24 : i32
      %broadcast_in_dim3A_1942 = vector.broadcast %jit3A_1941 : i32 to vector<16xi32>
      %select_n3A_1943 = arith.select %eq3A_1936, %broadcast_in_dim3A_1942, %add3A_1940 : vector<16xi1>, vector<16xi32>
      %parallel_loop3A_1944 = arith.constant 0 : i32
      %parallel_loop3A_1945 = arith.constant 64 : i32
      %parallel_loop3A_1946 = arith.constant 1 : i32
      scf.for %parallel_loop3A_1962 = %parallel_loop3A_1944 to %parallel_loop3A_1945 step %parallel_loop3A_1946  : i32 {
        %parallel_loop3A_1963 = arith.constant 128 : i32
        %parallel_loop3A_1964 = arith.muli %parallel_loop3A_1962, %parallel_loop3A_1963 : i32
        %parallel_loop3A_1965 = vector.broadcast %parallel_loop3A_1964 : i32 to vector<16xi32>
        %parallel_loop3A_1966 = arith.addi %select_n3A_1656, %parallel_loop3A_1965 : vector<16xi32>
        %parallel_loop3A_1967 = tpu.vector_load_idx %arg7[%parallel_loop3A_1966] : memref<8192xf32, #tpu.memory_space<vmem>>[vector<16xi32>], vector<16xf32>,
        %parallel_loop3A_1968 = arith.constant 1 : i32
        %parallel_loop3A_1969 = arith.index_cast %parallel_loop3A_1968 : i32 to index
        %parallel_loop3A_1970 = arith.index_cast %parallel_loop3A_1962 : i32 to index
        %parallel_loop3A_1971 = arith.constant 0 : index
        %parallel_loop3A_1972 = tpu.vector_load %arg10[%parallel_loop3A_1969, %parallel_loop3A_1970, %parallel_loop3A_1971] {strides = array<i32>} : memref<2x64x128xf32, #tpu.memory_space<vmem>>, vector<16xf32>,
        tpu.vector_store %arg10[%parallel_loop3A_1969, %parallel_loop3A_1970, %parallel_loop3A_1971], %parallel_loop3A_1967 {strides = array<i32>} : memref<2x64x128xf32, #tpu.memory_space<vmem>>, vector<16xf32>,
        %parallel_loop3A_1973 = vector.broadcast %parallel_loop3A_1964 : i32 to vector<16xi32>
        %parallel_loop3A_1974 = arith.addi %select_n3A_1697, %parallel_loop3A_1973 : vector<16xi32>
        %parallel_loop3A_1975 = tpu.vector_load_idx %arg7[%parallel_loop3A_1974] : memref<8192xf32, #tpu.memory_space<vmem>>[vector<16xi32>], vector<16xf32>,
        %parallel_loop3A_1976 = arith.constant 1 : i32
        %parallel_loop3A_1977 = arith.index_cast %parallel_loop3A_1976 : i32 to index
        %parallel_loop3A_1978 = arith.index_cast %parallel_loop3A_1962 : i32 to index
        %parallel_loop3A_1979 = arith.constant 16 : index
        %parallel_loop3A_1980 = tpu.vector_load %arg10[%parallel_loop3A_1977, %parallel_loop3A_1978, %parallel_loop3A_1979] {strides = array<i32>} : memref<2x64x128xf32, #tpu.memory_space<vmem>>, vector<16xf32>,
        tpu.vector_store %arg10[%parallel_loop3A_1977, %parallel_loop3A_1978, %parallel_loop3A_1979], %parallel_loop3A_1975 {strides = array<i32>} : memref<2x64x128xf32, #tpu.memory_space<vmem>>, vector<16xf32>,
        %parallel_loop3A_1981 = vector.broadcast %parallel_loop3A_1964 : i32 to vector<16xi32>
        %parallel_loop3A_1982 = arith.addi %select_n3A_1738, %parallel_loop3A_1981 : vector<16xi32>
        %parallel_loop3A_1983 = tpu.vector_load_idx %arg7[%parallel_loop3A_1982] : memref<8192xf32, #tpu.memory_space<vmem>>[vector<16xi32>], vector<16xf32>,
        %parallel_loop3A_1984 = arith.constant 1 : i32
        %parallel_loop3A_1985 = arith.index_cast %parallel_loop3A_1984 : i32 to index
        %parallel_loop3A_1986 = arith.index_cast %parallel_loop3A_1962 : i32 to index
        %parallel_loop3A_1987 = arith.constant 32 : index
        %parallel_loop3A_1988 = tpu.vector_load %arg10[%parallel_loop3A_1985, %parallel_loop3A_1986, %parallel_loop3A_1987] {strides = array<i32>} : memref<2x64x128xf32, #tpu.memory_space<vmem>>, vector<16xf32>,
        tpu.vector_store %arg10[%parallel_loop3A_1985, %parallel_loop3A_1986, %parallel_loop3A_1987], %parallel_loop3A_1983 {strides = array<i32>} : memref<2x64x128xf32, #tpu.memory_space<vmem>>, vector<16xf32>,
        %parallel_loop3A_1989 = vector.broadcast %parallel_loop3A_1964 : i32 to vector<16xi32>
        %parallel_loop3A_1990 = arith.addi %select_n3A_1779, %parallel_loop3A_1989 : vector<16xi32>
        %parallel_loop3A_1991 = tpu.vector_load_idx %arg7[%parallel_loop3A_1990] : memref<8192xf32, #tpu.memory_space<vmem>>[vector<16xi32>], vector<16xf32>,
        %parallel_loop3A_1992 = arith.constant 1 : i32
        %parallel_loop3A_1993 = arith.index_cast %parallel_loop3A_1992 : i32 to index
        %parallel_loop3A_1994 = arith.index_cast %parallel_loop3A_1962 : i32 to index
        %parallel_loop3A_1995 = arith.constant 48 : index
        %parallel_loop3A_1996 = tpu.vector_load %arg10[%parallel_loop3A_1993, %parallel_loop3A_1994, %parallel_loop3A_1995] {strides = array<i32>} : memref<2x64x128xf32, #tpu.memory_space<vmem>>, vector<16xf32>,
        tpu.vector_store %arg10[%parallel_loop3A_1993, %parallel_loop3A_1994, %parallel_loop3A_1995], %parallel_loop3A_1991 {strides = array<i32>} : memref<2x64x128xf32, #tpu.memory_space<vmem>>, vector<16xf32>,
        %parallel_loop3A_1997 = vector.broadcast %parallel_loop3A_1964 : i32 to vector<16xi32>
        %parallel_loop3A_1998 = arith.addi %select_n3A_1820, %parallel_loop3A_1997 : vector<16xi32>
        %parallel_loop3A_1999 = tpu.vector_load_idx %arg7[%parallel_loop3A_1998] : memref<8192xf32, #tpu.memory_space<vmem>>[vector<16xi32>], vector<16xf32>,
        %parallel_loop3A_2000 = arith.constant 1 : i32
        %parallel_loop3A_2001 = arith.index_cast %parallel_loop3A_2000 : i32 to index
        %parallel_loop3A_2002 = arith.index_cast %parallel_loop3A_1962 : i32 to index
        %parallel_loop3A_2003 = arith.constant 64 : index
        %parallel_loop3A_2004 = tpu.vector_load %arg10[%parallel_loop3A_2001, %parallel_loop3A_2002, %parallel_loop3A_2003] {strides = array<i32>} : memref<2x64x128xf32, #tpu.memory_space<vmem>>, vector<16xf32>,
        tpu.vector_store %arg10[%parallel_loop3A_2001, %parallel_loop3A_2002, %parallel_loop3A_2003], %parallel_loop3A_1999 {strides = array<i32>} : memref<2x64x128xf32, #tpu.memory_space<vmem>>, vector<16xf32>,
        %parallel_loop3A_2005 = vector.broadcast %parallel_loop3A_1964 : i32 to vector<16xi32>
        %parallel_loop3A_2006 = arith.addi %select_n3A_1861, %parallel_loop3A_2005 : vector<16xi32>
        %parallel_loop3A_2007 = tpu.vector_load_idx %arg7[%parallel_loop3A_2006] : memref<8192xf32, #tpu.memory_space<vmem>>[vector<16xi32>], vector<16xf32>,
        %parallel_loop3A_2008 = arith.constant 1 : i32
        %parallel_loop3A_2009 = arith.index_cast %parallel_loop3A_2008 : i32 to index
        %parallel_loop3A_2010 = arith.index_cast %parallel_loop3A_1962 : i32 to index
        %parallel_loop3A_2011 = arith.constant 80 : index
        %parallel_loop3A_2012 = tpu.vector_load %arg10[%parallel_loop3A_2009, %parallel_loop3A_2010, %parallel_loop3A_2011] {strides = array<i32>} : memref<2x64x128xf32, #tpu.memory_space<vmem>>, vector<16xf32>,
        tpu.vector_store %arg10[%parallel_loop3A_2009, %parallel_loop3A_2010, %parallel_loop3A_2011], %parallel_loop3A_2007 {strides = array<i32>} : memref<2x64x128xf32, #tpu.memory_space<vmem>>, vector<16xf32>,
        %parallel_loop3A_2013 = vector.broadcast %parallel_loop3A_1964 : i32 to vector<16xi32>
        %parallel_loop3A_2014 = arith.addi %select_n3A_1902, %parallel_loop3A_2013 : vector<16xi32>
        %parallel_loop3A_2015 = tpu.vector_load_idx %arg7[%parallel_loop3A_2014] : memref<8192xf32, #tpu.memory_space<vmem>>[vector<16xi32>], vector<16xf32>,
        %parallel_loop3A_2016 = arith.constant 1 : i32
        %parallel_loop3A_2017 = arith.index_cast %parallel_loop3A_2016 : i32 to index
        %parallel_loop3A_2018 = arith.index_cast %parallel_loop3A_1962 : i32 to index
        %parallel_loop3A_2019 = arith.constant 96 : index
        %parallel_loop3A_2020 = tpu.vector_load %arg10[%parallel_loop3A_2017, %parallel_loop3A_2018, %parallel_loop3A_2019] {strides = array<i32>} : memref<2x64x128xf32, #tpu.memory_space<vmem>>, vector<16xf32>,
        tpu.vector_store %arg10[%parallel_loop3A_2017, %parallel_loop3A_2018, %parallel_loop3A_2019], %parallel_loop3A_2015 {strides = array<i32>} : memref<2x64x128xf32, #tpu.memory_space<vmem>>, vector<16xf32>,
        %parallel_loop3A_2021 = vector.broadcast %parallel_loop3A_1964 : i32 to vector<16xi32>
        %parallel_loop3A_2022 = arith.addi %select_n3A_1943, %parallel_loop3A_2021 : vector<16xi32>
        %parallel_loop3A_2023 = tpu.vector_load_idx %arg7[%parallel_loop3A_2022] : memref<8192xf32, #tpu.memory_space<vmem>>[vector<16xi32>], vector<16xf32>,
        %parallel_loop3A_2024 = arith.constant 1 : i32
        %parallel_loop3A_2025 = arith.index_cast %parallel_loop3A_2024 : i32 to index
        %parallel_loop3A_2026 = arith.index_cast %parallel_loop3A_1962 : i32 to index
        %parallel_loop3A_2027 = arith.constant 112 : index
        %parallel_loop3A_2028 = tpu.vector_load %arg10[%parallel_loop3A_2025, %parallel_loop3A_2026, %parallel_loop3A_2027] {strides = array<i32>} : memref<2x64x128xf32, #tpu.memory_space<vmem>>, vector<16xf32>,
        tpu.vector_store %arg10[%parallel_loop3A_2025, %parallel_loop3A_2026, %parallel_loop3A_2027], %parallel_loop3A_2023 {strides = array<i32>} : memref<2x64x128xf32, #tpu.memory_space<vmem>>, vector<16xf32>,
      } {sc.loop_unroll_factor = 2 : i64, sc.parallel_access}
      %dma_start3A_1947 = arith.constant 1 : i32
      %dma_start3A_1948 = arith.constant 0 : i32
      %dma_start3A_1949 = arith.constant 0 : i32
      %dma_start3A_1950 = tpu.memref_slice %arg10[%dma_start3A_1947, %dma_start3A_1948, %dma_start3A_1949] : memref<2x64x128xf32, #tpu.memory_space<vmem>> -> memref<1x64x128xf32, #tpu.memory_space<vmem>>
      %dma_start3A_1951 = tpu.memref_squeeze %dma_start3A_1950 : memref<1x64x128xf32, #tpu.memory_space<vmem>> -> memref<64x128xf32, #tpu.memory_space<vmem>>
      %dma_start3A_1952 = arith.constant 0 : i32
      %dma_start3A_1953 = tpu.memref_slice %arg5[%add3A_1615, %dma_start3A_1952, %multiple_of3A] : memref<50x64x4096xf32, #tpu.memory_space<hbm>> -> memref<1x64x128xf32, #tpu.memory_space<hbm>>
      %dma_start3A_1954 = tpu.memref_squeeze %dma_start3A_1953 : memref<1x64x128xf32, #tpu.memory_space<hbm>> -> memref<64x128xf32, #tpu.memory_space<hbm>>
      %dma_start3A_1955 = arith.constant 0 : i32
      %dma_start3A_1956 = tpu.memref_slice %arg5[%add3A_1615, %dma_start3A_1955, %multiple_of3A] : memref<50x64x4096xf32, #tpu.memory_space<hbm>> -> memref<1x64x128xf32, #tpu.memory_space<hbm>>
      %dma_start3A_1957 = tpu.memref_squeeze %dma_start3A_1956 : memref<1x64x128xf32, #tpu.memory_space<hbm>> -> memref<64x128xf32, #tpu.memory_space<hbm>>
      %dma_start3A_1958 = arith.constant 0 : i32
      %dma_start3A_1959 = arith.constant 0 : i32
      %dma_start3A_1960 = tpu.memref_slice %arg10[%dma_start3A_1947, %dma_start3A_1958, %dma_start3A_1959] : memref<2x64x128xf32, #tpu.memory_space<vmem>> -> memref<1x64x128xf32, #tpu.memory_space<vmem>>
      %dma_start3A_1961 = tpu.memref_squeeze %dma_start3A_1960 : memref<1x64x128xf32, #tpu.memory_space<vmem>> -> memref<64x128xf32, #tpu.memory_space<vmem>>
      tpu.enqueue_dma source(%dma_start3A_1961 : memref<64x128xf32, #tpu.memory_space<vmem>>) target(%dma_start3A_1957 : memref<64x128xf32, #tpu.memory_space<hbm>>) target_semaphore(%arg12 : memref<!tpu.dma_semaphore, #tpu.memory_space<semaphore_mem>>)
    }
    %scan3A_1230 = arith.constant 25 : i32
    %dma_wait3A = arith.constant 0 : i32
    %dma_wait3A_1231 = arith.constant 0 : i32
    %dma_wait3A_1232 = arith.constant 0 : i32
    %dma_wait3A_1233 = arith.constant 0 : i32
    %dma_wait3A_1234 = tpu.memref_slice %arg10[%dma_wait3A, %dma_wait3A_1232, %dma_wait3A_1233] : memref<2x64x128xf32, #tpu.memory_space<vmem>> -> memref<1x64x128xf32, #tpu.memory_space<vmem>>
    %dma_wait3A_1235 = tpu.memref_squeeze %dma_wait3A_1234 : memref<1x64x128xf32, #tpu.memory_space<vmem>> -> memref<64x128xf32, #tpu.memory_space<vmem>>
    %dma_wait3A_1236 = arith.constant 0 : i32
    %dma_wait3A_1237 = tpu.memref_slice %arg5[%dma_wait3A_1231, %dma_wait3A_1236, %multiple_of3A] : memref<50x64x4096xf32, #tpu.memory_space<hbm>> -> memref<1x64x128xf32, #tpu.memory_space<hbm>>
    %dma_wait3A_1238 = tpu.memref_squeeze %dma_wait3A_1237 : memref<1x64x128xf32, #tpu.memory_space<hbm>> -> memref<64x128xf32, #tpu.memory_space<hbm>>
    %dma_wait3A_1239 = arith.constant 0 : i32
    %dma_wait3A_1240 = tpu.memref_slice %arg5[%dma_wait3A_1231, %dma_wait3A_1239, %multiple_of3A] : memref<50x64x4096xf32, #tpu.memory_space<hbm>> -> memref<1x64x128xf32, #tpu.memory_space<hbm>>
    %dma_wait3A_1241 = tpu.memref_squeeze %dma_wait3A_1240 : memref<1x64x128xf32, #tpu.memory_space<hbm>> -> memref<64x128xf32, #tpu.memory_space<hbm>>
    %dma_wait3A_1242 = arith.constant 0 : i32
    %dma_wait3A_1243 = arith.constant 0 : i32
    %dma_wait3A_1244 = tpu.memref_slice %arg10[%dma_wait3A, %dma_wait3A_1242, %dma_wait3A_1243] : memref<2x64x128xf32, #tpu.memory_space<vmem>> -> memref<1x64x128xf32, #tpu.memory_space<vmem>>
    %dma_wait3A_1245 = tpu.memref_squeeze %dma_wait3A_1244 : memref<1x64x128xf32, #tpu.memory_space<vmem>> -> memref<64x128xf32, #tpu.memory_space<vmem>>
    tpu.wait_dma2 semaphore(%arg11 : memref<!tpu.dma_semaphore, #tpu.memory_space<semaphore_mem>>) src(%dma_wait3A_1245 : memref<64x128xf32, #tpu.memory_space<vmem>>) dst(%dma_wait3A_1241 : memref<64x128xf32, #tpu.memory_space<hbm>>)
    %dma_wait3A_1246 = arith.constant 1 : i32
    %dma_wait3A_1247 = arith.constant 0 : i32
    %dma_wait3A_1248 = arith.constant 0 : i32
    %dma_wait3A_1249 = arith.constant 0 : i32
    %dma_wait3A_1250 = tpu.memref_slice %arg10[%dma_wait3A_1246, %dma_wait3A_1248, %dma_wait3A_1249] : memref<2x64x128xf32, #tpu.memory_space<vmem>> -> memref<1x64x128xf32, #tpu.memory_space<vmem>>
    %dma_wait3A_1251 = tpu.memref_squeeze %dma_wait3A_1250 : memref<1x64x128xf32, #tpu.memory_space<vmem>> -> memref<64x128xf32, #tpu.memory_space<vmem>>
    %dma_wait3A_1252 = arith.constant 0 : i32
    %dma_wait3A_1253 = tpu.memref_slice %arg5[%dma_wait3A_1247, %dma_wait3A_1252, %multiple_of3A] : memref<50x64x4096xf32, #tpu.memory_space<hbm>> -> memref<1x64x128xf32, #tpu.memory_space<hbm>>
    %dma_wait3A_1254 = tpu.memref_squeeze %dma_wait3A_1253 : memref<1x64x128xf32, #tpu.memory_space<hbm>> -> memref<64x128xf32, #tpu.memory_space<hbm>>
    %dma_wait3A_1255 = arith.constant 0 : i32
    %dma_wait3A_1256 = tpu.memref_slice %arg5[%dma_wait3A_1247, %dma_wait3A_1255, %multiple_of3A] : memref<50x64x4096xf32, #tpu.memory_space<hbm>> -> memref<1x64x128xf32, #tpu.memory_space<hbm>>
    %dma_wait3A_1257 = tpu.memref_squeeze %dma_wait3A_1256 : memref<1x64x128xf32, #tpu.memory_space<hbm>> -> memref<64x128xf32, #tpu.memory_space<hbm>>
    %dma_wait3A_1258 = arith.constant 0 : i32
    %dma_wait3A_1259 = arith.constant 0 : i32
    %dma_wait3A_1260 = tpu.memref_slice %arg10[%dma_wait3A_1246, %dma_wait3A_1258, %dma_wait3A_1259] : memref<2x64x128xf32, #tpu.memory_space<vmem>> -> memref<1x64x128xf32, #tpu.memory_space<vmem>>
    %dma_wait3A_1261 = tpu.memref_squeeze %dma_wait3A_1260 : memref<1x64x128xf32, #tpu.memory_space<vmem>> -> memref<64x128xf32, #tpu.memory_space<vmem>>
    tpu.wait_dma2 semaphore(%arg12 : memref<!tpu.dma_semaphore, #tpu.memory_space<semaphore_mem>>) src(%dma_wait3A_1261 : memref<64x128xf32, #tpu.memory_space<vmem>>) dst(%dma_wait3A_1257 : memref<64x128xf32, #tpu.memory_space<hbm>>)
    return
  }
}

</mosaic_0001>

<sc_bundles>
// kernel: kernel.3.cloned.1.call-start
scs
__scs_entry_jumppad:
0x0: {  	(pc) =	sbr.rel $0x88, $3  }
0x1: {  	(tag) =	ssettag $0x0;
	lr =	simm.s32 $0x1  }
0x2: {  	[smem:$0x3F9E] =	sst lr;
	_ =	strace $0xD0000000  }
0x3: {  	_ = 	snop  }
0x4: {  	_ = 	snop  }
0x5: {  	_ = 	snop  }
0x6: {  	_ = 	snop  }
0x7: {  	_ = 	snop  }
__scs_overlays_trampoline_lowered:
0x8: {  	[smem:$0x3FAD] =	sst s0  }
0x9: {  	[smem:$0x3FAE] =	sst s1  }
0xa: {  	[smem:$0x3FAF] =	sst s2  }
0xb: {  	[smem:$0x3FB0] =	sst s3  }
0xc: {  	[smem:$0x3FB1] =	sst s4  }
0xd: {  	[smem:$0x3FB2] =	sst s5  }
0xe: {  	[smem:$0x3FB3] =	sst s6  }
0xf: {  	[smem:$0x3FB4] =	sst s7  }
0x10: {  	[smem:$0x3FB5] =	sst s8  }
0x11: {  	[smem:$0x3FB6] =	sst s9;
	s0 =	simm.s32 @!p0 $0x0  }
0x12: {  	s1 =	sld [smem:$0x3F9C];
	s0 =	simm.s32 @p0 $0x1  }
0x13: {  	[smem:$0x3FB7] =	sst s0;
	s0 =	simm.s32 @!p1 $0x0  }
0x14: {  	s2 =	sld [smem:$0x3F9B];
	s0 =	simm.s32 @p1 $0x1  }
0x15: {  	[smem:$0x3FB8] =	sst s0;
	s0 =	simm.s32 @!p2 $0x0  }
0x16: {  	s3 =	sld [smem:$0x3FDB];
	s0 =	simm.s32 @p2 $0x1  }
0x17: {  	s4 =	simm.s32 $0x1BF5;
	[smem:$0x3FBA] =	sst s0  }
0x18: {  	s0 =	sld [smem:$0x3F9D];
	_ =	swait.ge [sflag:s4], $0x0  }
0x19: {  	s7 =	sld [smem:$0x3F9E]  }
0x1a: {  	s8 =	sadd.s32 $0xFFFFE003, lr  }
0x1b: {  	s9 =	sadd.s32 $0xFFFFFEF7, lr;
	s5 =	simm.s32 $0xFFFFFFFF;
	p2 =	slt.u32 s8, $0xFFFFF086  }
0x1c: {  	p1 =	slt.u32 s9, $0xF7A;
	s5 =	simm.s32 @!p2 $0x0  }
0x1d: {  	s5 =	simm.s32 @p1 $0x1;
	p0 =	seq.s32 s7, s2  }
0x1e: {  	s7 =	smul.u32 @!p0 $0xF7A, s2;
	p2 =	seq.s32 @!p0 s5, $0x0  }
0x1f: {  	s9 =	smul.u32 $0xF7A, s1;
	s8 =	simm.s32 @!p0 $0x1BF5;
	p2 =	por !p2, p0  }
0x20: {  	[sflag:s8] =	ssyncset.s32 @!p0 $0xFFFFF086;
	s6 =	sadd.s32 @!p0 s3, s7;
	s7 =	simm.s32 @!p0 $0x108  }
0x21: {  	s3 =	sadd.s32 s3, s9;
	s6 =	sadd.s32 @!p0 $0x88, s6;
	s7 =	simm.s32 @p2 $0x1082  }
0x22: {  	[simem:s7], [sflag:s8] =	dma.local @!p0 [hbm:s6], $0xF7A  }
0x23: {  	s9 =	sor.u32 $0xD0000000, s2;
	s6 =	simm.s32 $0x108;
	_ =	swait.ge @!p0 [sflag:s8], $0x0  }
0x24: {  	s3 =	sadd.s32 $0x88, s3;
	s6 =	simm.s32 @!p1 $0x1082;
	[sflag:s4] =	ssyncset.s32 $0xFFFFF086  }
0x25: {  	[simem:s6], [sflag:s4] =	dma.local [hbm:s3], $0xF7A  }
0x26: {  	[smem:$0x3F9E] =	sst s1;
	(tag) =	ssettag s2;
	_ =	strace s9  }
0x27: {  	s1 =	sld [smem:$0x3FAE]  }
0x28: {  	s2 =	sld [smem:$0x3FAF]  }
0x29: {  	s4 =	sld [smem:$0x3FB1]  }
0x2a: {  	p0 =	seq.s32 s5, $0x0;
	s5 =	sld [smem:$0x3FB2]  }
0x2b: {  	s6 =	sld [smem:$0x3FB3]  }
0x2c: {  	s7 =	sld [smem:$0x3FB4]  }
0x2d: {  	s3 =	simm.s32 $0x108;
	s8 =	sld [smem:$0x3FB5]  }
0x2e: {  	s3 =	simm.s32 @!p0 $0x1082;
	s9 =	sld [smem:$0x3FB6]  }
0x2f: {  	lr =	sadd.s32 s0, s3;
	s0 =	sld [smem:$0x3FAD]  }
0x30: {  	s3 =	sld [smem:$0x3FB0]  }
0x31: {  	[smem:$0x3FB9] =	sst s10  }
0x32: {  	s10 =	sld [smem:$0x3FB7];
	_ =	sdelay $0x3  }
0x33: {  	p0 =	seq.s32 s10, $0x1;
	s10 =	sld [smem:$0x3FB9];
	_ =	sdelay $0x3  }
0x34: {  	[smem:$0x3FB9] =	sst s10  }
0x35: {  	s10 =	sld [smem:$0x3FB8];
	_ =	sdelay $0x3  }
0x36: {  	p1 =	seq.s32 s10, $0x1;
	s10 =	sld [smem:$0x3FB9];
	_ =	sdelay $0x3  }
0x37: {  	[smem:$0x3FB9] =	sst s10  }
0x38: {  	s10 =	sld [smem:$0x3FBA]  }
0x39: {  	_ = 	snop;
	(pc) =	sbr.ind lr, $3  }
0x3a: {  	_ = 	snop  }
0x3b: {  	_ = 	snop  }
0x3c: {  	p2 =	seq.s32 s10, $0x1;
	s10 =	sld [smem:$0x3FB9]  }
0x3d: {  	_ =	shalt  }
0x3e: {  	_ =	shalt  }
0x3f: {  	_ =	shalt  }
0x40: {  	_ =	shalt  }
0x41: {  	_ =	shalt  }
0x42: {  	_ =	shalt  }
0x43: {  	_ =	shalt  }
0x44: {  	_ =	shalt  }
0x45: {  	_ =	shalt  }
0x46: {  	_ =	shalt  }
0x47: {  	_ =	shalt  }
0x48: {  	_ =	shalt  }
0x49: {  	_ =	shalt  }
0x4a: {  	_ =	shalt  }
0x4b: {  	_ =	shalt  }
0x4c: {  	_ =	shalt  }
0x4d: {  	_ =	shalt  }
0x4e: {  	_ =	shalt  }
0x4f: {  	_ =	shalt  }
0x50: {  	_ =	shalt  }
0x51: {  	_ =	shalt  }
0x52: {  	_ =	shalt  }
0x53: {  	_ =	shalt  }
0x54: {  	_ =	shalt  }
0x55: {  	_ =	shalt  }
0x56: {  	_ =	shalt  }
0x57: {  	_ =	shalt  }
0x58: {  	_ =	shalt  }
0x59: {  	_ =	shalt  }
0x5a: {  	_ =	shalt  }
0x5b: {  	_ =	shalt  }
0x5c: {  	_ =	shalt  }
0x5d: {  	_ =	shalt  }
0x5e: {  	_ =	shalt  }
0x5f: {  	_ =	shalt  }
0x60: {  	_ =	shalt  }
0x61: {  	_ =	shalt  }
0x62: {  	_ =	shalt  }
0x63: {  	_ =	shalt  }
0x64: {  	_ =	shalt  }
0x65: {  	_ =	shalt  }
0x66: {  	_ =	shalt  }
0x67: {  	_ =	shalt  }
0x68: {  	_ =	shalt  }
0x69: {  	_ =	shalt  }
0x6a: {  	_ =	shalt  }
0x6b: {  	_ =	shalt  }
0x6c: {  	_ =	shalt  }
0x6d: {  	_ =	shalt  }
0x6e: {  	_ =	shalt  }
0x6f: {  	_ =	shalt  }
0x70: {  	_ =	shalt  }
0x71: {  	_ =	shalt  }
0x72: {  	_ =	shalt  }
0x73: {  	_ =	shalt  }
0x74: {  	_ =	shalt  }
0x75: {  	_ =	shalt  }
0x76: {  	_ =	shalt  }
0x77: {  	_ =	shalt  }
0x78: {  	_ =	shalt  }
0x79: {  	_ =	shalt  }
0x7a: {  	_ =	shalt  }
0x7b: {  	_ =	shalt  }
0x7c: {  	_ =	shalt  }
0x7d: {  	_ =	shalt  }
0x7e: {  	_ =	shalt  }
0x7f: {  	_ =	shalt  }
0x80: {  	_ =	shalt  }
0x81: {  	_ =	shalt  }
0x82: {  	_ =	shalt  }
0x83: {  	_ =	shalt  }
0x84: {  	_ =	shalt  }
0x85: {  	_ =	shalt  }
0x86: {  	_ =	shalt  }
0x87: {  	_ =	shalt  }
.Lfunc_end0:
.L_simem_size_0:
called_computation_lowered:
.L_overlay_start_0:
0x88: {  	s2 =	sld [smem:$0x3FD9]  }
0x89: {  	s3 =	sld [smem:$0x3FFE];
	_ =	sdelay $0x1  }
0x8a: {  	s1 =	srdreg.scid  }
0x8b: {  	s0 =	sand.u32 $0x1, s1  }
0x8c: {  	s18 =	sshll.u32 s0, $0xA;
	s2 =	sadd.s32 s3, s2  }
0x8d: {  	s2 =	sadd.s32 s2, s18  }
0x8e: {  	[smem:$0x3FC5] =	sst s2  }
0x8f: {  	_ = 	snop  }
0x90: {  	s2 =	sld [smem:$0x3FC9]  }
0x91: {  	s19 =	sld [smem:$0x3FC8]  }
0x92: {  	s4 =	sld [smem:$0x3FC7]  }
0x93: {  	s5 =	sld [smem:$0x3FD0];
	(tm) =	ssettm $0x1  }
0x94: {  	s6 =	sld [smem:$0x3FFB];
	_ =	sdelay $0x3  }
0x95: {  	_ =	strace s6  }
0x96: {  	s6 =	sld [smem:$0x3FFC];
	_ =	sdelay $0x3  }
0x97: {  	_ =	strace s6  }
0x98: {  	s6 =	sld [smem:$0x3FFD];
	_ =	sdelay $0x3  }
0x99: {  	_ =	strace s6  }
0x9a: {  	_ =	strace $0x8FFFFFFF  }
0x9b: {  	s20 =	sld [smem:$0x3FDB];
	_ =	sdelay $0x1  }
0x9c: {  	s7 =	simm.s32 $_scs_section_size  }
0x9d: {  	s8 =	simm.s32 $_size__tile_overlayer_lowered;
	s9 =	simm.s32 $_tile_overlayer_lowered  }
0x9e: {  	s23 =	simm.s32 $0x1BFF;
	s22 =	sshll.u32 s9, $0x1;
	s6 =	sadd.s32 s7, s20  }
0x9f: {  	s10 =	simm.s32 $0x0;
	s21 =	sshll.u32 s8, $0x1;
	s8 =	sadd.s32 s22, s6  }
0xa0: {  	[timem:s10], [sflag:s23] =	dma.local [hbm:s8], s21  }
0xa1: {  	_ =	swait.ge [sflag:s23], s21  }
0xa2: {  	s7 =	ssub.s32 $0x0, s21;
	[sflag:s23] =	ssyncset.done $0x0  }
0xa3: {  	[sflag:s23] =	ssyncadd.s32 s7;
	_ =	sdelay $0x1  }
0xa4: {  	s24 =	simm.s32 $0x1B8B  }
0xa5: {  	_ =	swait.ge [sflag:s24], $0x1  }
0xa6: {  	[sflag:s24] =	ssyncset.done $0x0  }
0xa7: {  	s25 =	simm.s32 $0x1B8E;
	[sflag:s24] =	ssyncadd.s32 $0xFFFFFFFF  }
0xa8: {  	s26 =	simm.s32 $execute0_lowered;
	[smem:$0x3FD2] =	sst s25  }
0xa9: {  	s7 =	sshll.u32 s26, $0x1;
	_ =	strace $0x80000046;
	[dreg:$0x1] =	wrdreg $0xFFFFFFFF  }
0xaa: {  	s28 =	simm.s32 $_size_execute0_lowered;
	s6 =	sadd.s32 s6, s7;
	[dreg:$0x0] =	wrdreg $0x0  }
0xab: {  	s7 =	sshll.u32 s28, $0x1;
	[dreg:$0x2] =	wrdreg s6  }
0xac: {  	[dreg:$0x3] =	wrdreg s7  }
0xad: {  	[dreg:$0x4] =	wrdreg $0xC0  }
0xae: {  	_ =	task [dreg:s10], $0x5FFFF  }
0xaf: {  	[dreg:$0x1] =	wrdreg $0xFFFFFFFF  }
0xb0: {  	[dreg:$0x0] =	wrdreg $0x60  }
0xb1: {  	[dreg:$0x2] =	wrdreg s2  }
0xb2: {  	[dreg:$0x3] =	wrdreg s19  }
0xb3: {  	[dreg:$0x4] =	wrdreg s4  }
0xb4: {  	[dreg:$0x5] =	wrdreg s5  }
0xb5: {  	[dreg:$0x6] =	wrdreg $0x9  }
0xb6: {  	_ =	task.clear_ibuf [dreg:s10], $0x7FFFF;
	_ =	strace $0x90000046  }
0xb7: {  	s29 =	simm.s32 $0x9;
	_ =	strace $0x80000048  }
0xb8: {  	_ =	swait.ge [sflag:s29], $0x1  }
0xb9: {  	[sflag:s29] =	ssyncadd.s32 $0xFFFFFFFF  }
0xba: {  	_ =	strace $0x90000048  }
0xbb: {  	_ =	sfence  }
0xbc: {  	s30 =	sld [smem:$0x0];
	_ =	sdelay $0x2  }
0xbd: {  	s31 =	sshll.u32 s1, $0xD;
	s1 =	sshrl.u32 s1, $0x2  }
0xbe: {  	s3 =	sand.u32 $0x4000, s31;
	s1 =	sadd.s32 s1, s30  }
0xbf: {  	s0 =	sor.u32 s3, s0;
	s1 =	sshll.u32 s1, $0x11  }
0xc0: {  	s0 =	sor.u32 s1, s0  }
0xc1: {  	s0 =	sadd.s32 $0x8F2B, s0  }
0xc2: {  	[sflag:s0] =	ssyncadd.remote.s32 $0x1  }
0xc3: {  	_ =	sfence.sel $0xFFFF  }
0xc4: {  	[dreg:$0x0] =	wrdreg $0xFFFFFFFF;
	(pc) =	sbr.abs _section_cstart, $3  }
0xc5: {  	[dreg:$0x1] =	wrdreg $0xFFFFFFFF  }
0xc6: {  	_ =	task.clear_ibuf [dreg:s10], $0x2FFFF;
	_ =	strace $0x9FFFFFFF  }
0xc7: {  	(tm) =	ssettm $0x7FFFFFFF  }
tec
execute0_lowered:
.L_overlay_start_1:
0x0: {  	(tag) =	ssettag $0x1  }
0x1: {  	v0 =	vlaneseq.u32  }
0x2: {  	v0 =	vmul.u32 $0x80, v0;
	_ =	sdelay $0x1  }
0x3: {  	v1 =	vor.u32 $0x1, v0  }
0x4: {  	[tilespmem:$0x1FD70] =	vst v1;
	v1 =	vor.u32 $0x2, v0  }
0x5: {  	[tilespmem:$0x1FD80] =	vst v1;
	v1 =	vor.u32 $0x3, v0  }
0x6: {  	[tilespmem:$0x1FD90] =	vst v1;
	v1 =	vor.u32 $0x4, v0  }
0x7: {  	[tilespmem:$0x1FDA0] =	vst v1;
	v1 =	vor.u32 $0x5, v0  }
0x8: {  	[tilespmem:$0x1FDB0] =	vst v1;
	v1 =	vor.u32 $0x6, v0  }
0x9: {  	[tilespmem:$0x1FDC0] =	vst v1;
	v1 =	vor.u32 $0x7, v0  }
0xa: {  	[tilespmem:$0x1FDD0] =	vst v1;
	v1 =	vor.u32 $0x8, v0  }
0xb: {  	[tilespmem:$0x1FDE0] =	vst v1;
	v1 =	vor.u32 $0x9, v0  }
0xc: {  	[tilespmem:$0x1FDF0] =	vst v1;
	v1 =	vor.u32 $0xA, v0  }
0xd: {  	[tilespmem:$0x1FE00] =	vst v1;
	v1 =	vor.u32 $0xB, v0  }
0xe: {  	[tilespmem:$0x1FE10] =	vst v1;
	v1 =	vor.u32 $0xC, v0  }
0xf: {  	[tilespmem:$0x1FE20] =	vst v1;
	v1 =	vor.u32 $0xD, v0  }
0x10: {  	[tilespmem:$0x1FE30] =	vst v1;
	v1 =	vor.u32 $0xE, v0  }
0x11: {  	[tilespmem:$0x1FE40] =	vst v1;
	v1 =	vor.u32 $0xF, v0  }
0x12: {  	[tilespmem:$0x1FE50] =	vst v1;
	v1 =	vor.u32 $0x10, v0  }
0x13: {  	[tilespmem:$0x1FE60] =	vst v1;
	v1 =	vor.u32 $0x11, v0  }
0x14: {  	[tilespmem:$0x1FE70] =	vst v1;
	v1 =	vor.u32 $0x12, v0  }
0x15: {  	[tilespmem:$0x1FE80] =	vst v1;
	v1 =	vor.u32 $0x13, v0  }
0x16: {  	[tilespmem:$0x1FE90] =	vst v1;
	v1 =	vor.u32 $0x14, v0  }
0x17: {  	[tilespmem:$0x1FEA0] =	vst v1;
	v1 =	vor.u32 $0x15, v0  }
0x18: {  	[tilespmem:$0x1FEB0] =	vst v1;
	v1 =	vor.u32 $0x16, v0  }
0x19: {  	[tilespmem:$0x1FEC0] =	vst v1;
	v1 =	vor.u32 $0x17, v0  }
0x1a: {  	[tilespmem:$0x1FED0] =	vst v1;
	v1 =	vor.u32 $0x18, v0  }
0x1b: {  	[tilespmem:$0x1FEE0] =	vst v1;
	v1 =	vor.u32 $0x800, v0  }
0x1c: {  	[tilespmem:$0x1FEF0] =	vst v1;
	v1 =	vor.u32 $0x801, v0  }
0x1d: {  	[tilespmem:$0x1FF00] =	vst v1;
	v1 =	vor.u32 $0x802, v0  }
0x1e: {  	[tilespmem:$0x1FF10] =	vst v1;
	v1 =	vor.u32 $0x803, v0  }
0x1f: {  	[tilespmem:$0x1FF20] =	vst v1;
	v1 =	vor.u32 $0x804, v0  }
0x20: {  	[tilespmem:$0x1FF30] =	vst v1;
	v1 =	vor.u32 $0x805, v0  }
0x21: {  	[tilespmem:$0x1FF40] =	vst v1;
	v1 =	vor.u32 $0x806, v0  }
0x22: {  	s0 =	rddreg [dreg:$0x0];
	[tilespmem:$0x1FF50] =	vst v1;
	v1 =	vor.u32 $0x807, v0  }
0x23: {  	s1 =	rddreg [dreg:$0x1];
	[tilespmem:$0x1FF60] =	vst v1;
	v1 =	vor.u32 $0x808, v0  }
0x24: {  	s2 =	rddreg [dreg:$0x3];
	v42 =	vor.u32 $0x811, v0;
	v43 =	vor.u32 $0x812, v0;
	[tilespmem:$0x1FF70] =	vst v1;
	v1 =	vor.u32 $0x809, v0  }
0x25: {  	s3 =	srdreg.scid;
	s5 =	stileid.u32;
	s4 =	simm.s32 $0x0;
	v44 =	vor.u32 $0x813, v0;
	v45 =	vor.u32 $0x814, v0;
	[tilespmem:$0x1FF80] =	vst v1;
	v1 =	vor.u32 $0x80A, v0  }
0x26: {  	s9 =	simm.s32 $0x3;
	s10 =	simm.s32 $0x400;
	s11 =	simm.s32 $0x8000;
	v46 =	vor.u32 $0x815, v0;
	v47 =	vor.u32 $0x816, v0;
	[tilespmem:$0x1FF90] =	vst v1;
	v1 =	vor.u32 $0x80B, v0  }
0x27: {  	s18 =	simm.s32 $0x5C00;
	s19 =	simm.s32 $0x7C00;
	s20 =	simm.s32 $0x1;
	v48 =	vor.u32 $0x817, v0;
	v49 =	vor.u32 $0x818, v0;
	[tilespmem:$0x1FFA0] =	vst v1;
	v1 =	vor.u32 $0x80C, v0  }
0x28: {  	s21 =	simm.s32 $0x2;
	s22 =	simm.s32 $0x0;
	s3 =	sand.u32 $0x1, s3;
	v50 =	vor.u32 $0x1000, v0;
	v51 =	vor.u32 $0x1001, v0;
	[tilespmem:$0x1FFB0] =	vst v1;
	v1 =	vor.u32 $0x80D, v0  }
0x29: {  	s5 =	sshll.u32 s5, $0xB;
	s6 =	sshll.u32 s3, $0xA;
	s3 =	ssub.s32 $0x2, s3;
	v52 =	vor.u32 $0x1002, v0;
	v53 =	vor.u32 $0x1003, v0;
	[tilespmem:$0x1FFC0] =	vst v1;
	v1 =	vor.u32 $0x80E, v0  }
0x2a: {  	s17 =	simm.s32 $0x480;
	s5 =	sor.u32 s6, s5;
	s31 =	sshrl.u32 s3, $0x1;
	v54 =	vor.u32 $0x1004, v0;
	v55 =	vor.u32 $0x1005, v0;
	[tilespmem:$0x1FFD0] =	vst v1;
	v1 =	vor.u32 $0x80F, v0  }
0x2b: {  	[smem:$0x7FF] =	sst s4;
	v56 =	vor.u32 $0x1006, v0;
	v57 =	vor.u32 $0x1007, v0;
	s7 =	sshrl.u32 s5, $0x3;
	s3 =	ssub.s32 s3, s31;
	[tilespmem:$0x1FFE0] =	vst v1;
	v1 =	vor.u32 $0x810, v0  }
0x2c: {  	v58 =	vor.u32 $0x1008, v0;
	v59 =	vor.u32 $0x1009, v0;
	v60 =	vor.u32 $0x100A, v0;
	s6 =	sadd.s32 s0, s7;
	s7 =	sadd.s32 s1, s7;
	s8 =	smax.u32 s3, $0x1;
	[tilespmem:$0x1FFF0] =	vst v1  }
0x2d: {  	v61 =	vor.u32 $0x100B, v0;
	v62 =	vor.u32 $0x100C, v0;
	v63 =	vor.u32 $0x100D, v0;
	s13 =	sadd.s32 $0x6000, s6;
	s16 =	sadd.s32 $0x6000, s7;
	_ =	strace $0x80000047  }
.LBB2_1:
0x2e: {  	s0 =	rddreg [dreg:$0x2]  }
0x2f: {  	[tilespmem:s4], [sflag:$0x3] =	stream.linear.gather [hbm4b:s0+s4], $0x280, $0x38;
	[tilespmem:$0x9C00] =	vst v63  }
0x30: {  	_ =	swait.ge [sflag:s9], $0x280  }
0x31: {  	[sflag:s9] =	ssyncset.done $0x0  }
0x32: {  	[sflag:s9] =	ssyncadd.s32 $0xFFFFFD80  }
0x33: {  	v1 =	vld [tilespmem:$0x0];
	_ =	sdelay $0x4  }
0x34: {  	v1 =	vadd.f32 v1, v1;
	_ =	sdelay $0x1  }
0x35: {  	[tilespmem:v0+s10+$0x0] =	vst.idx.msk $0xffff, v1  }
0x36: {  	v1 =	vld [tilespmem:$0x0]  }
0x37: {  	v2 =	vld [tilespmem:$0x80];
	_ =	sdelay $0x4  }
0x38: {  	v1 =	vadd.f32 v2, v1;
	v2 =	vld [tilespmem:$0x1FD70];
	_ =	sdelay $0x7  }
0x39: {  	[tilespmem:v2+s10+$0x0] =	vst.idx.msk $0xffff, v1  }
0x3a: {  	v1 =	vld [tilespmem:$0x0]  }
0x3b: {  	v2 =	vld [tilespmem:$0x100];
	_ =	sdelay $0x4  }
0x3c: {  	v1 =	vadd.f32 v2, v1;
	v2 =	vld [tilespmem:$0x1FD80];
	_ =	sdelay $0x7  }
0x3d: {  	[tilespmem:v2+s10+$0x0] =	vst.idx.msk $0xffff, v1  }
0x3e: {  	v1 =	vld [tilespmem:$0x0]  }
0x3f: {  	v2 =	vld [tilespmem:$0x180];
	_ =	sdelay $0x4  }
0x40: {  	v1 =	vadd.f32 v2, v1;
	v2 =	vld [tilespmem:$0x1FD90];
	_ =	sdelay $0x7  }
0x41: {  	[tilespmem:v2+s10+$0x0] =	vst.idx.msk $0xffff, v1  }
0x42: {  	v1 =	vld [tilespmem:$0x0]  }
0x43: {  	v2 =	vld [tilespmem:$0x200];
	_ =	sdelay $0x4  }
0x44: {  	v1 =	vadd.f32 v2, v1;
	v2 =	vld [tilespmem:$0x1FDA0];
	_ =	sdelay $0x7  }
0x45: {  	[tilespmem:v2+s10+$0x0] =	vst.idx.msk $0xffff, v1  }
0x46: {  	v1 =	vld [tilespmem:$0x80]  }
0x47: {  	v2 =	vld [tilespmem:$0x0];
	_ =	sdelay $0x4  }
0x48: {  	v1 =	vadd.f32 v2, v1;
	v2 =	vld [tilespmem:$0x1FDB0];
	_ =	sdelay $0x7  }
0x49: {  	[tilespmem:v2+s10+$0x0] =	vst.idx.msk $0xffff, v1;
	v2 =	vld [tilespmem:$0x1FDC0]  }
0x4a: {  	v1 =	vld [tilespmem:$0x80];
	_ =	sdelay $0x4  }
0x4b: {  	v1 =	vadd.f32 v1, v1;
	_ =	sdelay $0x1  }
0x4c: {  	[tilespmem:v2+s10+$0x0] =	vst.idx.msk $0xffff, v1  }
0x4d: {  	v1 =	vld [tilespmem:$0x80]  }
0x4e: {  	v2 =	vld [tilespmem:$0x100];
	_ =	sdelay $0x4  }
0x4f: {  	v1 =	vadd.f32 v2, v1;
	v2 =	vld [tilespmem:$0x1FDD0];
	_ =	sdelay $0x7  }
0x50: {  	[tilespmem:v2+s10+$0x0] =	vst.idx.msk $0xffff, v1  }
0x51: {  	v1 =	vld [tilespmem:$0x80]  }
0x52: {  	v2 =	vld [tilespmem:$0x180];
	_ =	sdelay $0x4  }
0x53: {  	v1 =	vadd.f32 v2, v1;
	v2 =	vld [tilespmem:$0x1FDE0];
	_ =	sdelay $0x7  }
0x54: {  	[tilespmem:v2+s10+$0x0] =	vst.idx.msk $0xffff, v1  }
0x55: {  	v1 =	vld [tilespmem:$0x80]  }
0x56: {  	v2 =	vld [tilespmem:$0x200];
	_ =	sdelay $0x4  }
0x57: {  	v1 =	vadd.f32 v2, v1;
	v2 =	vld [tilespmem:$0x1FDF0];
	_ =	sdelay $0x7  }
0x58: {  	[tilespmem:v2+s10+$0x0] =	vst.idx.msk $0xffff, v1  }
0x59: {  	v1 =	vld [tilespmem:$0x100]  }
0x5a: {  	v2 =	vld [tilespmem:$0x0];
	_ =	sdelay $0x4  }
0x5b: {  	v1 =	vadd.f32 v2, v1;
	v2 =	vld [tilespmem:$0x1FE00];
	_ =	sdelay $0x7  }
0x5c: {  	[tilespmem:v2+s10+$0x0] =	vst.idx.msk $0xffff, v1  }
0x5d: {  	v1 =	vld [tilespmem:$0x100]  }
0x5e: {  	v2 =	vld [tilespmem:$0x80];
	_ =	sdelay $0x4  }
0x5f: {  	v1 =	vadd.f32 v2, v1;
	v2 =	vld [tilespmem:$0x1FE10];
	_ =	sdelay $0x7  }
0x60: {  	[tilespmem:v2+s10+$0x0] =	vst.idx.msk $0xffff, v1;
	v2 =	vld [tilespmem:$0x1FE20]  }
0x61: {  	v1 =	vld [tilespmem:$0x100];
	_ =	sdelay $0x4  }
0x62: {  	v1 =	vadd.f32 v1, v1;
	_ =	sdelay $0x1  }
0x63: {  	[tilespmem:v2+s10+$0x0] =	vst.idx.msk $0xffff, v1  }
0x64: {  	v1 =	vld [tilespmem:$0x100]  }
0x65: {  	v2 =	vld [tilespmem:$0x180];
	_ =	sdelay $0x4  }
0x66: {  	v1 =	vadd.f32 v2, v1;
	v2 =	vld [tilespmem:$0x1FE30];
	_ =	sdelay $0x7  }
0x67: {  	[tilespmem:v2+s10+$0x0] =	vst.idx.msk $0xffff, v1  }
0x68: {  	v1 =	vld [tilespmem:$0x100]  }
0x69: {  	v2 =	vld [tilespmem:$0x200];
	_ =	sdelay $0x4  }
0x6a: {  	v1 =	vadd.f32 v2, v1;
	v2 =	vld [tilespmem:$0x1FE40];
	_ =	sdelay $0x7  }
0x6b: {  	[tilespmem:v2+s10+$0x0] =	vst.idx.msk $0xffff, v1  }
0x6c: {  	v1 =	vld [tilespmem:$0x180]  }
0x6d: {  	v2 =	vld [tilespmem:$0x0];
	_ =	sdelay $0x4  }
0x6e: {  	v1 =	vadd.f32 v2, v1;
	v2 =	vld [tilespmem:$0x1FE50];
	_ =	sdelay $0x7  }
0x6f: {  	[tilespmem:v2+s10+$0x0] =	vst.idx.msk $0xffff, v1  }
0x70: {  	v1 =	vld [tilespmem:$0x180]  }
0x71: {  	v2 =	vld [tilespmem:$0x80];
	_ =	sdelay $0x4  }
0x72: {  	v1 =	vadd.f32 v2, v1;
	v2 =	vld [tilespmem:$0x1FE60];
	_ =	sdelay $0x7  }
0x73: {  	[tilespmem:v2+s10+$0x0] =	vst.idx.msk $0xffff, v1  }
0x74: {  	v1 =	vld [tilespmem:$0x180]  }
0x75: {  	v2 =	vld [tilespmem:$0x100];
	_ =	sdelay $0x4  }
0x76: {  	v1 =	vadd.f32 v2, v1;
	v2 =	vld [tilespmem:$0x1FE70];
	_ =	sdelay $0x7  }
0x77: {  	[tilespmem:v2+s10+$0x0] =	vst.idx.msk $0xffff, v1;
	v2 =	vld [tilespmem:$0x1FE80]  }
0x78: {  	v1 =	vld [tilespmem:$0x180];
	_ =	sdelay $0x4  }
0x79: {  	v1 =	vadd.f32 v1, v1;
	_ =	sdelay $0x1  }
0x7a: {  	[tilespmem:v2+s10+$0x0] =	vst.idx.msk $0xffff, v1  }
0x7b: {  	v1 =	vld [tilespmem:$0x180]  }
0x7c: {  	v2 =	vld [tilespmem:$0x200];
	_ =	sdelay $0x4  }
0x7d: {  	v1 =	vadd.f32 v2, v1;
	v2 =	vld [tilespmem:$0x1FE90];
	_ =	sdelay $0x7  }
0x7e: {  	[tilespmem:v2+s10+$0x0] =	vst.idx.msk $0xffff, v1  }
0x7f: {  	v1 =	vld [tilespmem:$0x200]  }
0x80: {  	v2 =	vld [tilespmem:$0x0];
	_ =	sdelay $0x4  }
0x81: {  	v1 =	vadd.f32 v2, v1;
	v2 =	vld [tilespmem:$0x1FEA0];
	_ =	sdelay $0x7  }
0x82: {  	[tilespmem:v2+s10+$0x0] =	vst.idx.msk $0xffff, v1  }
0x83: {  	v1 =	vld [tilespmem:$0x200]  }
0x84: {  	v2 =	vld [tilespmem:$0x80];
	_ =	sdelay $0x4  }
0x85: {  	v1 =	vadd.f32 v2, v1;
	v2 =	vld [tilespmem:$0x1FEB0];
	_ =	sdelay $0x7  }
0x86: {  	[tilespmem:v2+s10+$0x0] =	vst.idx.msk $0xffff, v1  }
0x87: {  	v1 =	vld [tilespmem:$0x200]  }
0x88: {  	v2 =	vld [tilespmem:$0x100];
	_ =	sdelay $0x4  }
0x89: {  	v1 =	vadd.f32 v2, v1;
	v2 =	vld [tilespmem:$0x1FEC0];
	_ =	sdelay $0x7  }
0x8a: {  	[tilespmem:v2+s10+$0x0] =	vst.idx.msk $0xffff, v1  }
0x8b: {  	v1 =	vld [tilespmem:$0x200]  }
0x8c: {  	v2 =	vld [tilespmem:$0x180];
	_ =	sdelay $0x4  }
0x8d: {  	v1 =	vadd.f32 v2, v1;
	v2 =	vld [tilespmem:$0x1FED0];
	_ =	sdelay $0x7  }
0x8e: {  	[tilespmem:v2+s10+$0x0] =	vst.idx.msk $0xffff, v1;
	v2 =	vld [tilespmem:$0x1FEE0]  }
0x8f: {  	v1 =	vld [tilespmem:$0x200];
	_ =	sdelay $0x4  }
0x90: {  	v1 =	vadd.f32 v1, v1;
	_ =	sdelay $0x1  }
0x91: {  	[tilespmem:v2+s10+$0x0] =	vst.idx.msk $0xffff, v1;
	v2 =	vld [tilespmem:$0x1FEF0]  }
0x92: {  	v1 =	vld [tilespmem:$0x10];
	_ =	sdelay $0x4  }
0x93: {  	v1 =	vadd.f32 v1, v1;
	_ =	sdelay $0x1  }
0x94: {  	[tilespmem:v2+s10+$0x0] =	vst.idx.msk $0xffff, v1  }
0x95: {  	v1 =	vld [tilespmem:$0x10]  }
0x96: {  	v2 =	vld [tilespmem:$0x90];
	_ =	sdelay $0x4  }
0x97: {  	v1 =	vadd.f32 v2, v1;
	v2 =	vld [tilespmem:$0x1FF00];
	_ =	sdelay $0x7  }
0x98: {  	[tilespmem:v2+s10+$0x0] =	vst.idx.msk $0xffff, v1  }
0x99: {  	v1 =	vld [tilespmem:$0x10]  }
0x9a: {  	v2 =	vld [tilespmem:$0x110];
	_ =	sdelay $0x4  }
0x9b: {  	v1 =	vadd.f32 v2, v1;
	v2 =	vld [tilespmem:$0x1FF10];
	_ =	sdelay $0x7  }
0x9c: {  	[tilespmem:v2+s10+$0x0] =	vst.idx.msk $0xffff, v1  }
0x9d: {  	v1 =	vld [tilespmem:$0x10]  }
0x9e: {  	v2 =	vld [tilespmem:$0x190];
	_ =	sdelay $0x4  }
0x9f: {  	v1 =	vadd.f32 v2, v1;
	v2 =	vld [tilespmem:$0x1FF20];
	_ =	sdelay $0x7  }
0xa0: {  	[tilespmem:v2+s10+$0x0] =	vst.idx.msk $0xffff, v1  }
0xa1: {  	v1 =	vld [tilespmem:$0x10]  }
0xa2: {  	v2 =	vld [tilespmem:$0x210];
	_ =	sdelay $0x4  }
0xa3: {  	v1 =	vadd.f32 v2, v1;
	v2 =	vld [tilespmem:$0x1FF30];
	_ =	sdelay $0x7  }
0xa4: {  	[tilespmem:v2+s10+$0x0] =	vst.idx.msk $0xffff, v1  }
0xa5: {  	v1 =	vld [tilespmem:$0x90]  }
0xa6: {  	v2 =	vld [tilespmem:$0x10];
	_ =	sdelay $0x4  }
0xa7: {  	v1 =	vadd.f32 v2, v1;
	v2 =	vld [tilespmem:$0x1FF40];
	_ =	sdelay $0x7  }
0xa8: {  	[tilespmem:v2+s10+$0x0] =	vst.idx.msk $0xffff, v1;
	v2 =	vld [tilespmem:$0x1FF50]  }
0xa9: {  	v1 =	vld [tilespmem:$0x90];
	_ =	sdelay $0x4  }
0xaa: {  	v1 =	vadd.f32 v1, v1;
	_ =	sdelay $0x1  }
0xab: {  	[tilespmem:v2+s10+$0x0] =	vst.idx.msk $0xffff, v1  }
0xac: {  	v1 =	vld [tilespmem:$0x90]  }
0xad: {  	v2 =	vld [tilespmem:$0x110];
	_ =	sdelay $0x4  }
0xae: {  	v1 =	vadd.f32 v2, v1;
	v2 =	vld [tilespmem:$0x1FF60];
	_ =	sdelay $0x7  }
0xaf: {  	[tilespmem:v2+s10+$0x0] =	vst.idx.msk $0xffff, v1  }
0xb0: {  	v1 =	vld [tilespmem:$0x90]  }
0xb1: {  	v2 =	vld [tilespmem:$0x190];
	_ =	sdelay $0x4  }
0xb2: {  	v1 =	vadd.f32 v2, v1;
	v2 =	vld [tilespmem:$0x1FF70];
	_ =	sdelay $0x7  }
0xb3: {  	[tilespmem:v2+s10+$0x0] =	vst.idx.msk $0xffff, v1  }
0xb4: {  	v1 =	vld [tilespmem:$0x90]  }
0xb5: {  	v2 =	vld [tilespmem:$0x210];
	_ =	sdelay $0x4  }
0xb6: {  	v1 =	vadd.f32 v2, v1;
	v2 =	vld [tilespmem:$0x1FF80];
	_ =	sdelay $0x7  }
0xb7: {  	[tilespmem:v2+s10+$0x0] =	vst.idx.msk $0xffff, v1  }
0xb8: {  	v1 =	vld [tilespmem:$0x110]  }
0xb9: {  	v2 =	vld [tilespmem:$0x10];
	_ =	sdelay $0x4  }
0xba: {  	v1 =	vadd.f32 v2, v1;
	v2 =	vld [tilespmem:$0x1FF90];
	_ =	sdelay $0x7  }
0xbb: {  	[tilespmem:v2+s10+$0x0] =	vst.idx.msk $0xffff, v1  }
0xbc: {  	v1 =	vld [tilespmem:$0x110]  }
0xbd: {  	v2 =	vld [tilespmem:$0x90];
	_ =	sdelay $0x4  }
0xbe: {  	v1 =	vadd.f32 v2, v1;
	v2 =	vld [tilespmem:$0x1FFA0];
	_ =	sdelay $0x7  }
0xbf: {  	[tilespmem:v2+s10+$0x0] =	vst.idx.msk $0xffff, v1;
	v2 =	vld [tilespmem:$0x1FFB0]  }
0xc0: {  	v1 =	vld [tilespmem:$0x110];
	_ =	sdelay $0x4  }
0xc1: {  	v1 =	vadd.f32 v1, v1;
	_ =	sdelay $0x1  }
0xc2: {  	[tilespmem:v2+s10+$0x0] =	vst.idx.msk $0xffff, v1  }
0xc3: {  	v1 =	vld [tilespmem:$0x110]  }
0xc4: {  	v2 =	vld [tilespmem:$0x190];
	_ =	sdelay $0x4  }
0xc5: {  	v1 =	vadd.f32 v2, v1;
	v2 =	vld [tilespmem:$0x1FFC0];
	_ =	sdelay $0x7  }
0xc6: {  	[tilespmem:v2+s10+$0x0] =	vst.idx.msk $0xffff, v1  }
0xc7: {  	v1 =	vld [tilespmem:$0x110]  }
0xc8: {  	v2 =	vld [tilespmem:$0x210];
	_ =	sdelay $0x4  }
0xc9: {  	v1 =	vadd.f32 v2, v1;
	v2 =	vld [tilespmem:$0x1FFD0];
	_ =	sdelay $0x7  }
0xca: {  	[tilespmem:v2+s10+$0x0] =	vst.idx.msk $0xffff, v1  }
0xcb: {  	v1 =	vld [tilespmem:$0x190]  }
0xcc: {  	v2 =	vld [tilespmem:$0x10];
	_ =	sdelay $0x4  }
0xcd: {  	v1 =	vadd.f32 v2, v1;
	v2 =	vld [tilespmem:$0x1FFE0];
	_ =	sdelay $0x7  }
0xce: {  	[tilespmem:v2+s10+$0x0] =	vst.idx.msk $0xffff, v1  }
0xcf: {  	v1 =	vld [tilespmem:$0x190]  }
0xd0: {  	v2 =	vld [tilespmem:$0x90];
	_ =	sdelay $0x4  }
0xd1: {  	v1 =	vadd.f32 v2, v1;
	v2 =	vld [tilespmem:$0x1FFF0];
	_ =	sdelay $0x7  }
0xd2: {  	[tilespmem:v2+s10+$0x0] =	vst.idx.msk $0xffff, v1  }
0xd3: {  	v1 =	vld [tilespmem:$0x190]  }
0xd4: {  	v2 =	vld [tilespmem:$0x110];
	_ =	sdelay $0x4  }
0xd5: {  	v1 =	vadd.f32 v2, v1;
	_ =	sdelay $0x1  }
0xd6: {  	[tilespmem:v42+s10+$0x0] =	vst.idx.msk $0xffff, v1  }
0xd7: {  	v1 =	vld [tilespmem:$0x190];
	_ =	sdelay $0x4  }
0xd8: {  	v1 =	vadd.f32 v1, v1;
	_ =	sdelay $0x1  }
0xd9: {  	[tilespmem:v43+s10+$0x0] =	vst.idx.msk $0xffff, v1  }
0xda: {  	v1 =	vld [tilespmem:$0x190]  }
0xdb: {  	v2 =	vld [tilespmem:$0x210];
	_ =	sdelay $0x4  }
0xdc: {  	v1 =	vadd.f32 v2, v1;
	_ =	sdelay $0x1  }
0xdd: {  	[tilespmem:v44+s10+$0x0] =	vst.idx.msk $0xffff, v1  }
0xde: {  	v1 =	vld [tilespmem:$0x210]  }
0xdf: {  	v2 =	vld [tilespmem:$0x10];
	_ =	sdelay $0x4  }
0xe0: {  	v1 =	vadd.f32 v2, v1;
	_ =	sdelay $0x1  }
0xe1: {  	[tilespmem:v45+s10+$0x0] =	vst.idx.msk $0xffff, v1  }
0xe2: {  	v1 =	vld [tilespmem:$0x210]  }
0xe3: {  	v2 =	vld [tilespmem:$0x90];
	_ =	sdelay $0x4  }
0xe4: {  	v1 =	vadd.f32 v2, v1;
	_ =	sdelay $0x1  }
0xe5: {  	[tilespmem:v46+s10+$0x0] =	vst.idx.msk $0xffff, v1  }
0xe6: {  	v1 =	vld [tilespmem:$0x210]  }
0xe7: {  	v2 =	vld [tilespmem:$0x110];
	_ =	sdelay $0x4  }
0xe8: {  	v1 =	vadd.f32 v2, v1;
	_ =	sdelay $0x1  }
0xe9: {  	[tilespmem:v47+s10+$0x0] =	vst.idx.msk $0xffff, v1  }
0xea: {  	v1 =	vld [tilespmem:$0x210]  }
0xeb: {  	v2 =	vld [tilespmem:$0x190];
	_ =	sdelay $0x4  }
0xec: {  	v1 =	vadd.f32 v2, v1;
	_ =	sdelay $0x1  }
0xed: {  	[tilespmem:v48+s10+$0x0] =	vst.idx.msk $0xffff, v1  }
0xee: {  	v1 =	vld [tilespmem:$0x210];
	_ =	sdelay $0x4  }
0xef: {  	v1 =	vadd.f32 v1, v1;
	_ =	sdelay $0x1  }
0xf0: {  	[tilespmem:v49+s10+$0x0] =	vst.idx.msk $0xffff, v1  }
0xf1: {  	v1 =	vld [tilespmem:$0x20];
	_ =	sdelay $0x4  }
0xf2: {  	v1 =	vadd.f32 v1, v1;
	_ =	sdelay $0x1  }
0xf3: {  	[tilespmem:v50+s10+$0x0] =	vst.idx.msk $0xffff, v1  }
0xf4: {  	v1 =	vld [tilespmem:$0x20]  }
0xf5: {  	v2 =	vld [tilespmem:$0xA0];
	_ =	sdelay $0x4  }
0xf6: {  	v1 =	vadd.f32 v2, v1;
	_ =	sdelay $0x1  }
0xf7: {  	[tilespmem:v51+s10+$0x0] =	vst.idx.msk $0xffff, v1  }
0xf8: {  	v1 =	vld [tilespmem:$0x20]  }
0xf9: {  	v2 =	vld [tilespmem:$0x120];
	_ =	sdelay $0x4  }
0xfa: {  	v1 =	vadd.f32 v2, v1;
	_ =	sdelay $0x1  }
0xfb: {  	[tilespmem:v52+s10+$0x0] =	vst.idx.msk $0xffff, v1  }
0xfc: {  	v1 =	vld [tilespmem:$0x20]  }
0xfd: {  	v2 =	vld [tilespmem:$0x1A0];
	_ =	sdelay $0x4  }
0xfe: {  	v1 =	vadd.f32 v2, v1;
	_ =	sdelay $0x1  }
0xff: {  	[tilespmem:v53+s10+$0x0] =	vst.idx.msk $0xffff, v1  }
0x100: {  	v1 =	vld [tilespmem:$0x20]  }
0x101: {  	v2 =	vld [tilespmem:$0x220];
	_ =	sdelay $0x4  }
0x102: {  	v1 =	vadd.f32 v2, v1;
	_ =	sdelay $0x1  }
0x103: {  	[tilespmem:v54+s10+$0x0] =	vst.idx.msk $0xffff, v1  }
0x104: {  	v1 =	vld [tilespmem:$0xA0]  }
0x105: {  	v2 =	vld [tilespmem:$0x20];
	_ =	sdelay $0x4  }
0x106: {  	v1 =	vadd.f32 v2, v1;
	_ =	sdelay $0x1  }
0x107: {  	[tilespmem:v55+s10+$0x0] =	vst.idx.msk $0xffff, v1  }
0x108: {  	v1 =	vld [tilespmem:$0xA0];
	_ =	sdelay $0x4  }
0x109: {  	v1 =	vadd.f32 v1, v1;
	_ =	sdelay $0x1  }
0x10a: {  	[tilespmem:v56+s10+$0x0] =	vst.idx.msk $0xffff, v1  }
0x10b: {  	v1 =	vld [tilespmem:$0xA0]  }
0x10c: {  	v2 =	vld [tilespmem:$0x120];
	_ =	sdelay $0x4  }
0x10d: {  	v1 =	vadd.f32 v2, v1;
	_ =	sdelay $0x1  }
0x10e: {  	[tilespmem:v57+s10+$0x0] =	vst.idx.msk $0xffff, v1  }
0x10f: {  	v1 =	vld [tilespmem:$0xA0]  }
0x110: {  	v2 =	vld [tilespmem:$0x1A0];
	_ =	sdelay $0x4  }
0x111: {  	v1 =	vadd.f32 v2, v1;
	_ =	sdelay $0x1  }
0x112: {  	[tilespmem:v58+s10+$0x0] =	vst.idx.msk $0xffff, v1  }
0x113: {  	v1 =	vld [tilespmem:$0xA0]  }
0x114: {  	v2 =	vld [tilespmem:$0x220];
	_ =	sdelay $0x4  }
0x115: {  	v1 =	vadd.f32 v2, v1;
	_ =	sdelay $0x1  }
0x116: {  	[tilespmem:v59+s10+$0x0] =	vst.idx.msk $0xffff, v1  }
0x117: {  	v1 =	vld [tilespmem:$0x120]  }
0x118: {  	v2 =	vld [tilespmem:$0x20];
	_ =	sdelay $0x4  }
0x119: {  	v1 =	vadd.f32 v2, v1;
	_ =	sdelay $0x1  }
0x11a: {  	[tilespmem:v60+s10+$0x0] =	vst.idx.msk $0xffff, v1  }
0x11b: {  	v1 =	vld [tilespmem:$0x120]  }
0x11c: {  	v2 =	vld [tilespmem:$0xA0];
	_ =	sdelay $0x4  }
0x11d: {  	v1 =	vadd.f32 v2, v1;
	_ =	sdelay $0x1  }
0x11e: {  	[tilespmem:v61+s10+$0x0] =	vst.idx.msk $0xffff, v1  }
0x11f: {  	v1 =	vld [tilespmem:$0x120];
	_ =	sdelay $0x4  }
0x120: {  	v1 =	vadd.f32 v1, v1;
	_ =	sdelay $0x1  }
0x121: {  	[tilespmem:v62+s10+$0x0] =	vst.idx.msk $0xffff, v1  }
0x122: {  	v1 =	vld [tilespmem:$0x120]  }
0x123: {  	v2 =	vld [tilespmem:$0x1A0];
	_ =	sdelay $0x4  }
0x124: {  	v1 =	vadd.f32 v2, v1;
	_ =	sdelay $0x1  }
0x125: {  	[tilespmem:v63+s10+$0x0] =	vst.idx.msk $0xffff, v1  }
0x126: {  	v1 =	vld [tilespmem:$0x120]  }
0x127: {  	v2 =	vld [tilespmem:$0x220];
	_ =	sdelay $0x1  }
0x128: {  	v3 =	vor.u32 $0x100E, v0;
	_ =	sdelay $0x2  }
0x129: {  	v1 =	vadd.f32 v2, v1;
	_ =	sdelay $0x1  }
0x12a: {  	[tilespmem:v3+s10+$0x0] =	vst.idx.msk $0xffff, v1  }
0x12b: {  	v1 =	vld [tilespmem:$0x1A0]  }
0x12c: {  	v2 =	vld [tilespmem:$0x20];
	_ =	sdelay $0x1  }
0x12d: {  	v3 =	vor.u32 $0x100F, v0;
	_ =	sdelay $0x2  }
0x12e: {  	v1 =	vadd.f32 v2, v1;
	_ =	sdelay $0x1  }
0x12f: {  	[tilespmem:v3+s10+$0x0] =	vst.idx.msk $0xffff, v1  }
0x130: {  	v1 =	vld [tilespmem:$0x1A0]  }
0x131: {  	v2 =	vld [tilespmem:$0xA0];
	_ =	sdelay $0x1  }
0x132: {  	v3 =	vor.u32 $0x1010, v0;
	_ =	sdelay $0x2  }
0x133: {  	v1 =	vadd.f32 v2, v1;
	_ =	sdelay $0x1  }
0x134: {  	[tilespmem:v3+s10+$0x0] =	vst.idx.msk $0xffff, v1  }
0x135: {  	v1 =	vld [tilespmem:$0x1A0]  }
0x136: {  	v2 =	vld [tilespmem:$0x120];
	_ =	sdelay $0x1  }
0x137: {  	v3 =	vor.u32 $0x1011, v0;
	_ =	sdelay $0x2  }
0x138: {  	v1 =	vadd.f32 v2, v1;
	_ =	sdelay $0x1  }
0x139: {  	[tilespmem:v3+s10+$0x0] =	vst.idx.msk $0xffff, v1  }
0x13a: {  	v1 =	vld [tilespmem:$0x1A0];
	_ =	sdelay $0x1  }
0x13b: {  	v2 =	vor.u32 $0x1012, v0;
	_ =	sdelay $0x2  }
0x13c: {  	v1 =	vadd.f32 v1, v1;
	_ =	sdelay $0x1  }
0x13d: {  	[tilespmem:v2+s10+$0x0] =	vst.idx.msk $0xffff, v1  }
0x13e: {  	v1 =	vld [tilespmem:$0x1A0]  }
0x13f: {  	v2 =	vld [tilespmem:$0x220];
	_ =	sdelay $0x1  }
0x140: {  	v3 =	vor.u32 $0x1013, v0;
	_ =	sdelay $0x2  }
0x141: {  	v1 =	vadd.f32 v2, v1;
	_ =	sdelay $0x1  }
0x142: {  	[tilespmem:v3+s10+$0x0] =	vst.idx.msk $0xffff, v1  }
0x143: {  	v1 =	vld [tilespmem:$0x220]  }
0x144: {  	v2 =	vld [tilespmem:$0x20];
	_ =	sdelay $0x1  }
0x145: {  	v3 =	vor.u32 $0x1014, v0;
	_ =	sdelay $0x2  }
0x146: {  	v1 =	vadd.f32 v2, v1;
	_ =	sdelay $0x1  }
0x147: {  	[tilespmem:v3+s10+$0x0] =	vst.idx.msk $0xffff, v1  }
0x148: {  	v1 =	vld [tilespmem:$0x220]  }
0x149: {  	v2 =	vld [tilespmem:$0xA0];
	_ =	sdelay $0x1  }
0x14a: {  	v3 =	vor.u32 $0x1015, v0;
	_ =	sdelay $0x2  }
0x14b: {  	v1 =	vadd.f32 v2, v1;
	_ =	sdelay $0x1  }
0x14c: {  	[tilespmem:v3+s10+$0x0] =	vst.idx.msk $0xffff, v1  }
0x14d: {  	v1 =	vld [tilespmem:$0x220]  }
0x14e: {  	v2 =	vld [tilespmem:$0x120];
	_ =	sdelay $0x1  }
0x14f: {  	v3 =	vor.u32 $0x1016, v0;
	_ =	sdelay $0x2  }
0x150: {  	v1 =	vadd.f32 v2, v1;
	_ =	sdelay $0x1  }
0x151: {  	[tilespmem:v3+s10+$0x0] =	vst.idx.msk $0xffff, v1  }
0x152: {  	v1 =	vld [tilespmem:$0x220]  }
0x153: {  	v2 =	vld [tilespmem:$0x1A0];
	_ =	sdelay $0x1  }
0x154: {  	v3 =	vor.u32 $0x1017, v0;
	_ =	sdelay $0x2  }
0x155: {  	v1 =	vadd.f32 v2, v1;
	_ =	sdelay $0x1  }
0x156: {  	[tilespmem:v3+s10+$0x0] =	vst.idx.msk $0xffff, v1  }
0x157: {  	v1 =	vld [tilespmem:$0x220];
	_ =	sdelay $0x1  }
0x158: {  	v2 =	vor.u32 $0x1018, v0;
	_ =	sdelay $0x2  }
0x159: {  	v1 =	vadd.f32 v1, v1;
	_ =	sdelay $0x1  }
0x15a: {  	[tilespmem:v2+s10+$0x0] =	vst.idx.msk $0xffff, v1  }
0x15b: {  	v1 =	vld [tilespmem:$0x30];
	_ =	sdelay $0x1  }
0x15c: {  	v2 =	vor.u32 $0x1800, v0;
	_ =	sdelay $0x2  }
0x15d: {  	v1 =	vadd.f32 v1, v1;
	_ =	sdelay $0x1  }
0x15e: {  	[tilespmem:v2+s10+$0x0] =	vst.idx.msk $0xffff, v1  }
0x15f: {  	v1 =	vld [tilespmem:$0x30]  }
0x160: {  	v2 =	vld [tilespmem:$0xB0];
	_ =	sdelay $0x1  }
0x161: {  	v3 =	vor.u32 $0x1801, v0;
	_ =	sdelay $0x2  }
0x162: {  	v1 =	vadd.f32 v2, v1;
	_ =	sdelay $0x1  }
0x163: {  	[tilespmem:v3+s10+$0x0] =	vst.idx.msk $0xffff, v1  }
0x164: {  	v1 =	vld [tilespmem:$0x30]  }
0x165: {  	v2 =	vld [tilespmem:$0x130];
	_ =	sdelay $0x1  }
0x166: {  	v3 =	vor.u32 $0x1802, v0;
	_ =	sdelay $0x2  }
0x167: {  	v1 =	vadd.f32 v2, v1;
	_ =	sdelay $0x1  }
0x168: {  	[tilespmem:v3+s10+$0x0] =	vst.idx.msk $0xffff, v1  }
0x169: {  	v1 =	vld [tilespmem:$0x30]  }
0x16a: {  	v2 =	vld [tilespmem:$0x1B0];
	_ =	sdelay $0x1  }
0x16b: {  	v3 =	vor.u32 $0x1803, v0;
	_ =	sdelay $0x2  }
0x16c: {  	v1 =	vadd.f32 v2, v1;
	_ =	sdelay $0x1  }
0x16d: {  	[tilespmem:v3+s10+$0x0] =	vst.idx.msk $0xffff, v1  }
0x16e: {  	v1 =	vld [tilespmem:$0x30]  }
0x16f: {  	v2 =	vld [tilespmem:$0x230];
	_ =	sdelay $0x1  }
0x170: {  	v3 =	vor.u32 $0x1804, v0;
	_ =	sdelay $0x2  }
0x171: {  	v1 =	vadd.f32 v2, v1;
	_ =	sdelay $0x1  }
0x172: {  	[tilespmem:v3+s10+$0x0] =	vst.idx.msk $0xffff, v1  }
0x173: {  	v1 =	vld [tilespmem:$0xB0]  }
0x174: {  	v2 =	vld [tilespmem:$0x30];
	_ =	sdelay $0x1  }
0x175: {  	v3 =	vor.u32 $0x1805, v0;
	_ =	sdelay $0x2  }
0x176: {  	v1 =	vadd.f32 v2, v1;
	_ =	sdelay $0x1  }
0x177: {  	[tilespmem:v3+s10+$0x0] =	vst.idx.msk $0xffff, v1  }
0x178: {  	v1 =	vld [tilespmem:$0xB0];
	_ =	sdelay $0x1  }
0x179: {  	v2 =	vor.u32 $0x1806, v0;
	_ =	sdelay $0x2  }
0x17a: {  	v1 =	vadd.f32 v1, v1;
	_ =	sdelay $0x1  }
0x17b: {  	[tilespmem:v2+s10+$0x0] =	vst.idx.msk $0xffff, v1  }
0x17c: {  	v1 =	vld [tilespmem:$0xB0]  }
0x17d: {  	v2 =	vld [tilespmem:$0x130];
	_ =	sdelay $0x1  }
0x17e: {  	v3 =	vor.u32 $0x1807, v0;
	_ =	sdelay $0x2  }
0x17f: {  	v1 =	vadd.f32 v2, v1;
	_ =	sdelay $0x1  }
0x180: {  	[tilespmem:v3+s10+$0x0] =	vst.idx.msk $0xffff, v1  }
0x181: {  	v1 =	vld [tilespmem:$0xB0]  }
0x182: {  	v2 =	vld [tilespmem:$0x1B0];
	_ =	sdelay $0x1  }
0x183: {  	v3 =	vor.u32 $0x1808, v0;
	_ =	sdelay $0x2  }
0x184: {  	v1 =	vadd.f32 v2, v1;
	_ =	sdelay $0x1  }
0x185: {  	[tilespmem:v3+s10+$0x0] =	vst.idx.msk $0xffff, v1  }
0x186: {  	v1 =	vld [tilespmem:$0xB0]  }
0x187: {  	v2 =	vld [tilespmem:$0x230];
	_ =	sdelay $0x1  }
0x188: {  	v3 =	vor.u32 $0x1809, v0;
	_ =	sdelay $0x2  }
0x189: {  	v1 =	vadd.f32 v2, v1;
	_ =	sdelay $0x1  }
0x18a: {  	[tilespmem:v3+s10+$0x0] =	vst.idx.msk $0xffff, v1  }
0x18b: {  	v1 =	vld [tilespmem:$0x130]  }
0x18c: {  	v2 =	vld [tilespmem:$0x30];
	_ =	sdelay $0x1  }
0x18d: {  	v3 =	vor.u32 $0x180A, v0;
	_ =	sdelay $0x2  }
0x18e: {  	v1 =	vadd.f32 v2, v1;
	_ =	sdelay $0x1  }
0x18f: {  	[tilespmem:v3+s10+$0x0] =	vst.idx.msk $0xffff, v1  }
0x190: {  	v1 =	vld [tilespmem:$0x130]  }
0x191: {  	v2 =	vld [tilespmem:$0xB0];
	_ =	sdelay $0x1  }
0x192: {  	v3 =	vor.u32 $0x180B, v0;
	_ =	sdelay $0x2  }
0x193: {  	v1 =	vadd.f32 v2, v1;
	_ =	sdelay $0x1  }
0x194: {  	[tilespmem:v3+s10+$0x0] =	vst.idx.msk $0xffff, v1  }
0x195: {  	v1 =	vld [tilespmem:$0x130];
	_ =	sdelay $0x1  }
0x196: {  	v2 =	vor.u32 $0x180C, v0;
	_ =	sdelay $0x2  }
0x197: {  	v1 =	vadd.f32 v1, v1;
	_ =	sdelay $0x1  }
0x198: {  	[tilespmem:v2+s10+$0x0] =	vst.idx.msk $0xffff, v1  }
0x199: {  	v1 =	vld [tilespmem:$0x130]  }
0x19a: {  	v2 =	vld [tilespmem:$0x1B0];
	_ =	sdelay $0x1  }
0x19b: {  	v3 =	vor.u32 $0x180D, v0;
	_ =	sdelay $0x2  }
0x19c: {  	v1 =	vadd.f32 v2, v1;
	_ =	sdelay $0x1  }
0x19d: {  	[tilespmem:v3+s10+$0x0] =	vst.idx.msk $0xffff, v1  }
0x19e: {  	v1 =	vld [tilespmem:$0x130]  }
0x19f: {  	v2 =	vld [tilespmem:$0x230];
	_ =	sdelay $0x1  }
0x1a0: {  	v3 =	vor.u32 $0x180E, v0;
	_ =	sdelay $0x2  }
0x1a1: {  	v1 =	vadd.f32 v2, v1;
	_ =	sdelay $0x1  }
0x1a2: {  	[tilespmem:v3+s10+$0x0] =	vst.idx.msk $0xffff, v1  }
0x1a3: {  	v1 =	vld [tilespmem:$0x1B0]  }
0x1a4: {  	v2 =	vld [tilespmem:$0x30];
	_ =	sdelay $0x1  }
0x1a5: {  	v3 =	vor.u32 $0x180F, v0;
	_ =	sdelay $0x2  }
0x1a6: {  	v1 =	vadd.f32 v2, v1;
	_ =	sdelay $0x1  }
0x1a7: {  	[tilespmem:v3+s10+$0x0] =	vst.idx.msk $0xffff, v1  }
0x1a8: {  	v1 =	vld [tilespmem:$0x1B0]  }
0x1a9: {  	v2 =	vld [tilespmem:$0xB0];
	_ =	sdelay $0x1  }
0x1aa: {  	v3 =	vor.u32 $0x1810, v0;
	_ =	sdelay $0x2  }
0x1ab: {  	v1 =	vadd.f32 v2, v1;
	_ =	sdelay $0x1  }
0x1ac: {  	[tilespmem:v3+s10+$0x0] =	vst.idx.msk $0xffff, v1  }
0x1ad: {  	v1 =	vld [tilespmem:$0x1B0]  }
0x1ae: {  	v2 =	vld [tilespmem:$0x130];
	_ =	sdelay $0x1  }
0x1af: {  	v3 =	vor.u32 $0x1811, v0;
	_ =	sdelay $0x2  }
0x1b0: {  	v1 =	vadd.f32 v2, v1;
	_ =	sdelay $0x1  }
0x1b1: {  	[tilespmem:v3+s10+$0x0] =	vst.idx.msk $0xffff, v1  }
0x1b2: {  	v1 =	vld [tilespmem:$0x1B0];
	_ =	sdelay $0x1  }
0x1b3: {  	v2 =	vor.u32 $0x1812, v0;
	_ =	sdelay $0x2  }
0x1b4: {  	v1 =	vadd.f32 v1, v1;
	_ =	sdelay $0x1  }
0x1b5: {  	[tilespmem:v2+s10+$0x0] =	vst.idx.msk $0xffff, v1  }
0x1b6: {  	v1 =	vld [tilespmem:$0x1B0]  }
0x1b7: {  	v2 =	vld [tilespmem:$0x230];
	_ =	sdelay $0x1  }
0x1b8: {  	v3 =	vor.u32 $0x1813, v0;
	_ =	sdelay $0x2  }
0x1b9: {  	v1 =	vadd.f32 v2, v1;
	_ =	sdelay $0x1  }
0x1ba: {  	[tilespmem:v3+s10+$0x0] =	vst.idx.msk $0xffff, v1  }
0x1bb: {  	v1 =	vld [tilespmem:$0x230]  }
0x1bc: {  	v2 =	vld [tilespmem:$0x30];
	_ =	sdelay $0x1  }
0x1bd: {  	v3 =	vor.u32 $0x1814, v0;
	_ =	sdelay $0x2  }
0x1be: {  	v1 =	vadd.f32 v2, v1;
	_ =	sdelay $0x1  }
0x1bf: {  	[tilespmem:v3+s10+$0x0] =	vst.idx.msk $0xffff, v1  }
0x1c0: {  	v1 =	vld [tilespmem:$0x230]  }
0x1c1: {  	v2 =	vld [tilespmem:$0xB0];
	_ =	sdelay $0x1  }
0x1c2: {  	v3 =	vor.u32 $0x1815, v0;
	_ =	sdelay $0x2  }
0x1c3: {  	v1 =	vadd.f32 v2, v1;
	_ =	sdelay $0x1  }
0x1c4: {  	[tilespmem:v3+s10+$0x0] =	vst.idx.msk $0xffff, v1  }
0x1c5: {  	v1 =	vld [tilespmem:$0x230]  }
0x1c6: {  	v2 =	vld [tilespmem:$0x130];
	_ =	sdelay $0x1  }
0x1c7: {  	v3 =	vor.u32 $0x1816, v0;
	_ =	sdelay $0x2  }
0x1c8: {  	v1 =	vadd.f32 v2, v1;
	_ =	sdelay $0x1  }
0x1c9: {  	[tilespmem:v3+s10+$0x0] =	vst.idx.msk $0xffff, v1  }
0x1ca: {  	v1 =	vld [tilespmem:$0x230]  }
0x1cb: {  	v2 =	vld [tilespmem:$0x1B0];
	_ =	sdelay $0x1  }
0x1cc: {  	v3 =	vor.u32 $0x1817, v0;
	_ =	sdelay $0x2  }
0x1cd: {  	v1 =	vadd.f32 v2, v1;
	_ =	sdelay $0x1  }
0x1ce: {  	[tilespmem:v3+s10+$0x0] =	vst.idx.msk $0xffff, v1  }
0x1cf: {  	v1 =	vld [tilespmem:$0x230];
	_ =	sdelay $0x1  }
0x1d0: {  	v2 =	vor.u32 $0x1818, v0;
	_ =	sdelay $0x2  }
0x1d1: {  	v1 =	vadd.f32 v1, v1;
	_ =	sdelay $0x1  }
0x1d2: {  	s28 =	simm.s32 $0x2400;
	[tilespmem:v2+s10+$0x0] =	vst.idx.msk $0xffff, v1  }
0x1d3: {  	[tilespmem:s28], [sflag:$0x3] =	stream.strided.gather [hbm4b:s6+s10], $0x1800, s11, s10, $0x38;
	[tilespmem:$0x9C00] =	vst v63  }
0x1d4: {  	s29 =	simm.s32 $0x3C00  }
0x1d5: {  	[tilespmem:s29], [sflag:$0x3] =	stream.linear.gather [hbm4b:s13+s4], $0x100, $0x38;
	[tilespmem:$0x9C00] =	vst v63  }
0x1d6: {  	_ =	swait.ge [sflag:s9], $0x1900  }
0x1d7: {  	[sflag:s9] =	ssyncset.done $0x0  }
0x1d8: {  	s30 =	simm.s32 $0x4000;
	[sflag:s9] =	ssyncadd.s32 $0xFFFFE700  }
0x1d9: {  	[tilespmem:s30], [sflag:$0x3] =	stream.strided.gather [hbm4b:s7+s10], $0x1800, s11, s10, $0x38;
	[tilespmem:$0x9C00] =	vst v63  }
0x1da: {  	s31 =	simm.s32 $0x5800  }
0x1db: {  	[tilespmem:s31], [sflag:$0x3] =	stream.linear.gather [hbm4b:s16+s4], $0x100, $0x38;
	[tilespmem:$0x9C00] =	vst v63  }
0x1dc: {  	_ =	swait.ge [sflag:s9], $0x1900  }
0x1dd: {  	[sflag:s9] =	ssyncset.done $0x0  }
0x1de: {  	s23 =	simm.s32 $0x0;
	[sflag:s9] =	ssyncadd.s32 $0xFFFFE700  }
.LBB2_2:
0x1df: {  	p0 =	seq.s32 s23, $0x0  }
0x1e0: {  	s0 =	simm.s32 @!p0 $0x1  }
0x1e1: {  	_ =	swait.ge @!p0 [sflag:s0], $0x2000  }
0x1e2: {  	[sflag:s0] =	ssyncset.done @!p0 $0x0  }
0x1e3: {  	s26 =	sshll.u32 s23, $0x8;
	[sflag:s0] =	ssyncadd.s32 @!p0 $0xFFFFE000  }
0x1e4: {  	v1 =	vld [tilespmem:s26+$0x4000];
	_ =	sdelay $0x1  }
0x1e5: {  	v2 =	vld [tilespmem:s26+$0x2400];
	_ =	sdelay $0x1  }
0x1e6: {  	v3 =	vld [tilespmem:s26+$0x4010]  }
0x1e7: {  	v1 =	vmul.f32 $1.000000000e+03, v1;
	_ =	sdelay $0x1  }
0x1e8: {  	v5 =	vld [tilespmem:s26+$0x2410];
	v4 =	vmul.u32 $0x6667, v2;
	v1 =	vtrunc.f32 v1  }
0x1e9: {  	v1 =	vcvt.f32.s32 v1  }
0x1ea: {  	v3 =	vmul.f32 $1.000000000e+03, v3;
	v4 =	vshra.s32 v4, $0x11  }
0x1eb: {  	v7 =	vld [tilespmem:s26+$0x4020];
	v4 =	vmul.u32 $0xFFFFFFFB, v4;
	v1 =	vadd.s32 v1, v2  }
0x1ec: {  	v8 =	vld [tilespmem:s26+$0x2420];
	v3 =	vtrunc.f32 v3;
	v6 =	vmul.u32 $0x6667, v1  }
0x1ed: {  	v9 =	vmul.u32 $0x6667, v5;
	v3 =	vcvt.f32.s32 v3;
	v4 =	vadd.s32 v2, v4  }
0x1ee: {  	vm0 =	veq.s32 v2, $0x0;
	v4 =	vmul.u32 $0x5, v4;
	v6 =	vshra.s32 v6, $0x11  }
0x1ef: {  	v2 =	vadd.s32 v3, v5;
	v3 =	vshra.s32 v9, $0x11;
	v6 =	vmul.u32 $0xFFFFFFFB, v6  }
0x1f0: {  	v3 =	vmul.u32 $0xFFFFFFFB, v3;
	v1 =	vadd.s32 v1, v4  }
0x1f1: {  	v9 =	vmul.u32 $0x6667, v8;
	v1 =	vadd.s32 v6, v1;
	v6 =	vmul.f32 $1.000000000e+03, v7;
	v7 =	vld [tilespmem:s26+$0x4030]  }
0x1f2: {  	vm9 =	veq.s32 v5, $0x0;
	v4 =	vmul.u32 $0x6667, v2;
	v3 =	vadd.s32 v5, v3  }
0x1f3: {  	v10 =	vld [tilespmem:s26+$0x2430];
	v9 =	vshra.s32 v9, $0x11;
	v3 =	vmul.u32 $0x5, v3;
	v6 =	vtrunc.f32 v6  }
0x1f4: {  	s1 =	simm.s32 $0x0;
	v4 =	vshra.s32 v4, $0x11;
	v1 =	vsel vm0, $0x18, v1;
	v6 =	vcvt.f32.s32 v6  }
0x1f5: {  	v5 =	vmul.u32 $0xFFFFFFFB, v9;
	v4 =	vmul.u32 $0xFFFFFFFB, v4;
	v9 =	vadd.s32 s1, v1  }
0x1f6: {  	v2 =	vadd.s32 v2, v3;
	v3 =	vadd.s32 v6, v8;
	v6 =	vmul.f32 $1.000000000e+03, v7  }
0x1f7: {  	v11 =	vld [tilespmem:s26+$0x4040];
	v2 =	vadd.s32 v4, v2;
	v4 =	vadd.s32 v8, v5;
	v5 =	vmul.u32 $0x6667, v3  }
0x1f8: {  	v13 =	vld [tilespmem:s26+$0x2450];
	v12 =	vmul.u32 $0x6667, v10;
	v4 =	vmul.u32 $0x5, v4;
	v6 =	vtrunc.f32 v6  }
0x1f9: {  	v2 =	vsel vm9, $0x18, v2;
	v7 =	vld [tilespmem:s26+$0x2440];
	v5 =	vshra.s32 v5, $0x11;
	v6 =	vcvt.f32.s32 v6  }
0x1fa: {  	v3 =	vadd.s32 v3, v4;
	v4 =	vshra.s32 v12, $0x11;
	v9 =	vld.idx.msk [tilespmem:v9+s10+$0x0], $0xffff;
	v5 =	vmul.u32 $0xFFFFFFFB, v5  }
0x1fb: {  	v14 =	vld [tilespmem:s26+$0x4050];
	v15 =	vadd.s32 s1, v2;
	v4 =	vmul.u32 $0xFFFFFFFB, v4;
	v6 =	vadd.s32 v6, v10  }
0x1fc: {  	v16 =	vld [tilespmem:s26+$0x4060];
	vm10 =	veq.s32 v8, $0x0;
	v3 =	vadd.s32 v5, v3;
	v5 =	vmul.u32 $0x6667, v6  }
0x1fd: {  	s31 =	simm.s32 $0x80;
	v17 =	vld [tilespmem:s26+$0x4070];
	v11 =	vmul.f32 $1.000000000e+03, v11;
	vm11 =	veq.s32 v10, $0x0;
	v4 =	vadd.s32 v10, v4  }
0x1fe: {  	s24 =	simm.s32 $0x5C80;
	v18 =	vadd.s32 s31, v1;
	v8 =	vld [tilespmem:s26+$0x2470];
	v4 =	vmul.u32 $0x5, v4;
	v5 =	vshra.s32 v5, $0x11  }
0x1ff: {  	v11 =	vtrunc.f32 v11;
	v12 =	vld [tilespmem:s26+$0x2460];
	v19 =	vmul.u32 $0x6667, v7;
	[tilespmem:s24+$0xFFFFFF80] =	vst v9;
	v5 =	vmul.u32 $0xFFFFFFFB, v5  }
0x200: {  	v3 =	vsel vm10, $0x18, v3;
	v4 =	vadd.s32 v6, v4;
	v6 =	vcvt.f32.s32 v11;
	v9 =	vld.idx.msk [tilespmem:v15+s10+$0x0], $0xffff  }
0x201: {  	v10 =	vadd.s32 s1, v3;
	v4 =	vadd.s32 v5, v4;
	v5 =	vshra.s32 v19, $0x11  }
0x202: {  	s0 =	simm.s32 $0x100;
	v11 =	vmul.f32 $1.000000000e+03, v14;
	v6 =	vadd.s32 v6, v7;
	v5 =	vmul.u32 $0xFFFFFFFB, v5  }
0x203: {  	vm12 =	veq.s32 v7, $0x0;
	v15 =	vld.idx.msk [tilespmem:v18+s10+$0x0], $0xffff;
	v18 =	vadd.s32 s0, v1;
	v14 =	vmul.u32 $0x6667, v6  }
0x204: {  	v11 =	vtrunc.f32 v11;
	v19 =	vadd.s32 s31, v2;
	v5 =	vadd.s32 v7, v5  }
0x205: {  	v11 =	vcvt.f32.s32 v11;
	v14 =	vshra.s32 v14, $0x11;
	[tilespmem:s24+$0xFFFFFF90] =	vst v9;
	v5 =	vmul.u32 $0x5, v5  }
0x206: {  	v4 =	vsel vm11, $0x18, v4;
	v9 =	vmul.u32 $0xFFFFFFFB, v14;
	v7 =	vmul.u32 $0x6667, v13;
	v10 =	vld.idx.msk [tilespmem:v10+s10+$0x0], $0xffff  }
0x207: {  	s3 =	simm.s32 $0x180;
	v5 =	vadd.s32 v6, v5;
	v6 =	vadd.s32 v11, v13;
	v11 =	vadd.s32 s1, v4  }
0x208: {  	v16 =	vmul.f32 $1.000000000e+03, v16;
	[tilespmem:s24+$0x0] =	vst v15;
	v15 =	vadd.s32 s3, v1;
	v18 =	vld.idx.msk [tilespmem:v18+s10+$0x0], $0xffff;
	v7 =	vshra.s32 v7, $0x11  }
0x209: {  	v7 =	vmul.u32 $0xFFFFFFFB, v7;
	v5 =	vadd.s32 v9, v5;
	v9 =	vld.idx.msk [tilespmem:v19+s10+$0x0], $0xffff;
	v19 =	vadd.s32 s0, v2  }
0x20a: {  	vm13 =	veq.s32 v13, $0x0;
	v20 =	vadd.s32 s31, v3;
	v14 =	vmul.u32 $0x6667, v6  }
0x20b: {  	v5 =	vsel vm12, $0x18, v5;
	v7 =	vadd.s32 v13, v7;
	[tilespmem:s24+$0xFFFFFFA0] =	vst v10;
	v10 =	vtrunc.f32 v16  }
0x20c: {  	s25 =	simm.s32 $0x5D80;
	v16 =	vmul.u32 $0x6667, v12;
	v14 =	vshra.s32 v14, $0x11;
	v7 =	vmul.u32 $0x5, v7;
	v11 =	vld.idx.msk [tilespmem:v11+s10+$0x0], $0xffff  }
0x20d: {  	[tilespmem:s25+$0xFFFFFF80] =	vst v18;
	v13 =	vld.idx.msk [tilespmem:v15+s10+$0x0], $0xffff;
	v10 =	vcvt.f32.s32 v10;
	v15 =	vadd.s32 s1, v5;
	v14 =	vmul.u32 $0xFFFFFFFB, v14  }
0x20e: {  	v6 =	vadd.s32 v6, v7;
	v7 =	vshra.s32 v16, $0x11;
	v16 =	vadd.s32 s3, v2;
	[tilespmem:s24+$0x10] =	vst v9;
	v9 =	vld.idx.msk [tilespmem:v19+s10+$0x0], $0xffff  }
0x20f: {  	v10 =	vadd.s32 v10, v12;
	v7 =	vmul.u32 $0xFFFFFFFB, v7;
	v19 =	vadd.s32 s0, v3;
	v18 =	vld.idx.msk [tilespmem:v20+s10+$0x0], $0xffff  }
0x210: {  	s26 =	simm.s32 $0x200;
	v6 =	vadd.s32 v14, v6;
	v14 =	vmul.u32 $0x6667, v10;
	v20 =	vadd.s32 s31, v4  }
0x211: {  	s12 =	simm.s32 $0x280;
	v21 =	vadd.s32 s26, v1;
	v6 =	vsel vm13, $0x18, v6;
	v7 =	vadd.s32 v12, v7;
	[tilespmem:s24+$0xFFFFFFB0] =	vst v11  }
0x212: {  	[tilespmem:s25+$0x0] =	vst v13;
	v13 =	vadd.s32 s12, v1;
	v7 =	vmul.u32 $0x5, v7;
	v11 =	vshra.s32 v14, $0x11;
	v14 =	vld.idx.msk [tilespmem:v15+s10+$0x0], $0xffff  }
0x213: {  	vm14 =	veq.s32 v12, $0x0;
	v16 =	vld.idx.msk [tilespmem:v16+s10+$0x0], $0xffff;
	v15 =	vmul.f32 $1.000000000e+03, v17;
	[tilespmem:s25+$0xFFFFFF90] =	vst v9;
	v9 =	vadd.s32 s1, v6  }
0x214: {  	v11 =	vmul.u32 $0xFFFFFFFB, v11;
	v7 =	vadd.s32 v10, v7;
	v10 =	vadd.s32 s3, v3;
	[tilespmem:s24+$0x20] =	vst v18;
	v12 =	vld.idx.msk [tilespmem:v19+s10+$0x0], $0xffff  }
0x215: {  	v17 =	vmul.u32 $0x6667, v8;
	v19 =	vadd.s32 s0, v4;
	v15 =	vtrunc.f32 v15;
	v18 =	vld.idx.msk [tilespmem:v20+s10+$0x0], $0xffff  }
0x216: {  	v7 =	vadd.s32 v11, v7;
	v20 =	vld.idx.msk [tilespmem:v21+s10+$0x0], $0xffff;
	v11 =	vcvt.f32.s32 v15;
	v15 =	vadd.s32 s31, v5  }
0x217: {  	v13 =	vld.idx.msk [tilespmem:v13+s10+$0x0], $0xffff;
	v17 =	vshra.s32 v17, $0x11;
	v21 =	vadd.s32 s26, v2;
	v7 =	vsel vm14, $0x18, v7;
	[tilespmem:s24+$0xFFFFFFC0] =	vst v14  }
0x218: {  	[tilespmem:s25+$0x10] =	vst v16;
	v11 =	vadd.s32 v11, v8;
	v14 =	vmul.u32 $0xFFFFFFFB, v17;
	v17 =	vadd.s32 s12, v2;
	v9 =	vld.idx.msk [tilespmem:v9+s10+$0x0], $0xffff  }
0x219: {  	v10 =	vld.idx.msk [tilespmem:v10+s10+$0x0], $0xffff;
	v16 =	vmul.u32 $0x6667, v11;
	[tilespmem:s25+$0xFFFFFFA0] =	vst v12;
	v12 =	vadd.s32 s1, v7  }
0x21a: {  	s28 =	simm.s32 $0x5E80;
	v22 =	vadd.s32 s3, v4;
	v14 =	vadd.s32 v8, v14;
	[tilespmem:s24+$0x30] =	vst v18;
	v18 =	vld.idx.msk [tilespmem:v19+s10+$0x0], $0xffff  }
0x21b: {  	[tilespmem:s28+$0xFFFFFF80] =	vst v20;
	v19 =	vadd.s32 s0, v5;
	v16 =	vshra.s32 v16, $0x11;
	v14 =	vmul.u32 $0x5, v14;
	v15 =	vld.idx.msk [tilespmem:v15+s10+$0x0], $0xffff  }
0x21c: {  	[tilespmem:s28+$0x0] =	vst v13;
	v20 =	vadd.s32 s31, v6;
	v21 =	vld.idx.msk [tilespmem:v21+s10+$0x0], $0xffff;
	v16 =	vmul.u32 $0xFFFFFFFB, v16  }
0x21d: {  	s14 =	simm.s32 $0x380;
	v13 =	vadd.s32 s26, v3;
	v11 =	vadd.s32 v11, v14;
	v14 =	vld.idx.msk [tilespmem:v17+s10+$0x0], $0xffff;
	[tilespmem:s24+$0xFFFFFFD0] =	vst v9  }
0x21e: {  	s29 =	simm.s32 $0x300;
	vm15 =	veq.s32 v8, $0x0;
	[tilespmem:s25+$0x20] =	vst v10;
	v8 =	vadd.s32 v16, v11;
	v9 =	vadd.s32 s14, v1;
	v10 =	vld.idx.msk [tilespmem:v12+s10+$0x0], $0xffff  }
0x21f: {  	v11 =	vadd.s32 s29, v1;
	v8 =	vsel vm15, $0x18, v8;
	[tilespmem:s25+$0xFFFFFFB0] =	vst v18;
	v12 =	vld.idx.msk [tilespmem:v22+s10+$0x0], $0xffff  }
0x220: {  	v16 =	vld.idx.msk [tilespmem:v19+s10+$0x0], $0xffff;
	v17 =	vadd.s32 s1, v8;
	[tilespmem:s24+$0x40] =	vst v15  }
0x221: {  	v15 =	vadd.s32 s12, v3;
	[tilespmem:s28+$0xFFFFFF90] =	vst v21;
	v18 =	vld.idx.msk [tilespmem:v20+s10+$0x0], $0xffff  }
0x222: {  	v19 =	vadd.s32 s0, v6;
	v13 =	vld.idx.msk [tilespmem:v13+s10+$0x0], $0xffff  }
0x223: {  	v20 =	vadd.s32 s3, v5;
	[tilespmem:s28+$0x10] =	vst v14;
	v9 =	vld.idx.msk [tilespmem:v9+s10+$0x0], $0xffff  }
0x224: {  	v21 =	vadd.s32 s26, v4;
	v11 =	vld.idx.msk [tilespmem:v11+s10+$0x0], $0xffff;
	[tilespmem:s24+$0xFFFFFFE0] =	vst v10  }
0x225: {  	v10 =	vadd.s32 s31, v7;
	[tilespmem:s25+$0x30] =	vst v12;
	v14 =	vld.idx.msk [tilespmem:v17+s10+$0x0], $0xffff  }
0x226: {  	v17 =	vadd.s32 s29, v2;
	v15 =	vld.idx.msk [tilespmem:v15+s10+$0x0], $0xffff;
	[tilespmem:s25+$0xFFFFFFC0] =	vst v16  }
0x227: {  	v16 =	vadd.s32 s14, v2;
	v12 =	vld.idx.msk [tilespmem:v19+s10+$0x0], $0xffff;
	[tilespmem:s28+$0xFFFFFFA0] =	vst v13  }
0x228: {  	s30 =	simm.s32 $0x5F80;
	v13 =	vld.idx.msk [tilespmem:v20+s10+$0x0], $0xffff;
	v19 =	vadd.s32 s0, v7;
	[tilespmem:s24+$0x50] =	vst v18  }
0x229: {  	v20 =	vadd.s32 s12, v4;
	v18 =	vld.idx.msk [tilespmem:v21+s10+$0x0], $0xffff;
	[tilespmem:s30+$0xFFFFFF80] =	vst v11  }
0x22a: {  	v21 =	vadd.s32 s3, v6;
	[tilespmem:s30+$0x0] =	vst v9;
	v10 =	vld.idx.msk [tilespmem:v10+s10+$0x0], $0xffff  }
0x22b: {  	v11 =	vadd.s32 s26, v5;
	v17 =	vld.idx.msk [tilespmem:v17+s10+$0x0], $0xffff;
	[tilespmem:s28+$0x20] =	vst v15  }
0x22c: {  	s15 =	simm.s32 $0x480;
	v9 =	vadd.s32 s29, v3;
	v16 =	vld.idx.msk [tilespmem:v16+s10+$0x0], $0xffff;
	[tilespmem:s25+$0xFFFFFFD0] =	vst v12  }
0x22d: {  	v12 =	vadd.s32 s15, v1;
	[tilespmem:s25+$0x40] =	vst v13;
	v15 =	vld.idx.msk [tilespmem:v19+s10+$0x0], $0xffff  }
0x22e: {  	[tilespmem:s28+$0xFFFFFFB0] =	vst v18;
	v18 =	vld.idx.msk [tilespmem:v20+s10+$0x0], $0xffff;
	v20 =	vadd.s32 s0, v8  }
0x22f: {  	s1 =	simm.s32 $0x400;
	[tilespmem:s24+$0xFFFFFFF0] =	vst v14;
	v13 =	vadd.s32 s14, v3;
	v22 =	vld.idx.msk [tilespmem:v21+s10+$0x0], $0xffff  }
0x230: {  	v19 =	vadd.s32 s1, v1;
	v11 =	vld.idx.msk [tilespmem:v11+s10+$0x0], $0xffff;
	[tilespmem:s30+$0xFFFFFF90] =	vst v17  }
0x231: {  	v32 =	vadd.s32 s31, v8;
	[tilespmem:s24+$0x60] =	vst v10;
	v14 =	vld.idx.msk [tilespmem:v9+s10+$0x0], $0xffff  }
0x232: {  	v17 =	vadd.s32 s26, v6;
	v31 =	vld.idx.msk [tilespmem:v12+s10+$0x0], $0xffff;
	[tilespmem:s25+$0xFFFFFFE0] =	vst v15  }
0x233: {  	v21 =	vadd.s32 s12, v5;
	[tilespmem:s30+$0x10] =	vst v16;
	v29 =	vld.idx.msk [tilespmem:v20+s10+$0x0], $0xffff  }
0x234: {  	v24 =	vadd.s32 s29, v4;
	v27 =	vld.idx.msk [tilespmem:v13+s10+$0x0], $0xffff;
	[tilespmem:s28+$0x30] =	vst v18  }
0x235: {  	v23 =	vld.idx.msk [tilespmem:v19+s10+$0x0], $0xffff;
	v15 =	vadd.s32 s3, v7;
	[tilespmem:s25+$0x50] =	vst v22  }
0x236: {  	v35 =	vadd.s32 s15, v2;
	v30 =	vadd.s32 s1, v2;
	v33 =	vadd.s32 s1, v3;
	v22 =	vld.idx.msk [tilespmem:v32+s10+$0x0], $0xffff;
	[tilespmem:s28+$0xFFFFFFC0] =	vst v11  }
0x237: {  	v10 =	vadd.s32 s12, v8;
	v9 =	vadd.s32 s3, v8;
	v34 =	vld.idx.msk [tilespmem:v17+s10+$0x0], $0xffff;
	[tilespmem:s30+$0xFFFFFFA0] =	vst v14  }
0x238: {  	v16 =	vadd.s32 s12, v6;
	v12 =	vadd.s32 s12, v7;
	s3 =	simm.s32 $0x6080;
	v26 =	vld.idx.msk [tilespmem:v21+s10+$0x0], $0xffff;
	[tilespmem:s25+$0xFFFFFFF0] =	vst v29;
	v29 =	vadd.s32 s26, v7  }
0x239: {  	v13 =	vadd.s32 s15, v8;
	v18 =	vadd.s32 s15, v6;
	v21 =	vadd.s32 s14, v4;
	[tilespmem:s3+$0x0] =	vst v31;
	v28 =	vld.idx.msk [tilespmem:v24+s10+$0x0], $0xffff  }
0x23a: {  	v19 =	vadd.s32 s14, v5;
	v11 =	vadd.s32 s14, v8;
	v31 =	vadd.s32 s29, v5;
	[tilespmem:s3+$0xFFFFFF80] =	vst v23;
	v25 =	vld.idx.msk [tilespmem:v15+s10+$0x0], $0xffff  }
0x23b: {  	v20 =	vadd.s32 s15, v5;
	v17 =	vadd.s32 s14, v6;
	v14 =	vadd.s32 s14, v7;
	v30 =	vld.idx.msk [tilespmem:v30+s10+$0x0], $0xffff  }
0x23c: {  	s0 =	simm.s32 $0x6080;
	s12 =	simm.s32 $0x8;
	s14 =	simm.s32 $0x580;
	v24 =	vadd.s32 s15, v3;
	v23 =	vadd.s32 s15, v4;
	v15 =	vadd.s32 s15, v7;
	v32 =	vld.idx.msk [tilespmem:v35+s10+$0x0], $0xffff;
	[tilespmem:s28+$0xFFFFFFD0] =	vst v34  }
.LBB2_3:
0x23d: {  	s15 =	sadd.s32 $0xFFFFFF80, s14;
	v34 =	vadd.s32 s14, v1;
	v35 =	vadd.s32 s14, v2;
	v36 =	vadd.s32 s14, v3;
	s12 =	sadd.s32 $0x2, s12;
	[tilespmem:s30+$0x20] =	vst v27;
	v27 =	vld.idx.msk [tilespmem:v29+s10+$0x0], $0xffff  }
0x23e: {  	v37 =	vadd.s32 s14, v5;
	v29 =	vadd.s32 s15, v1;
	p1 =	slt.u32 s12, $0x3E;
	[tilespmem:s30+$0xFFFFFFB0] =	vst v28;
	v28 =	vld.idx.msk [tilespmem:v21+s10+$0x0], $0xffff;
	v21 =	vmovc v23;
	v23 =	vadd.s32 s14, v4  }
0x23f: {  	v38 =	vadd.s32 s14, v6;
	v39 =	vadd.s32 s14, v7;
	v40 =	vadd.s32 s26, v8;
	s26 =	smov.u32 s29;
	s29 =	smov.u32 s1;
	s1 =	smov.u32 s15;
	v31 =	vld.idx.msk [tilespmem:v31+s10+$0x0], $0xffff;
	[tilespmem:s28+$0x40] =	vst v26  }
0x240: {  	v41 =	vadd.s32 s14, v8;
	[tilespmem:s3+$0xFFFFFF90] =	vst v30;
	v26 =	vld.idx.msk [tilespmem:v16+s10+$0x0], $0xffff;
	v16 =	vmovc v17;
	v17 =	vmov v18;
	v18 =	vmov v38  }
0x241: {  	v30 =	vld.idx.msk [tilespmem:v33+s10+$0x0], $0xffff;
	v33 =	vadd.s32 s26, v6;
	[tilespmem:s25+$0x60] =	vst v25  }
0x242: {  	v34 =	vld.idx.msk [tilespmem:v34+s10+$0x0], $0xffff;
	[tilespmem:s3+$0x10] =	vst v32  }
0x243: {  	v25 =	vld.idx.msk [tilespmem:v29+s10+$0x0], $0xffff;
	v29 =	vadd.s32 s29, v4;
	[tilespmem:s28+$0xFFFFFFE0] =	vst v27  }
0x244: {  	[tilespmem:s30+$0x30] =	vst v28;
	v32 =	vld.idx.msk [tilespmem:v40+s10+$0x0], $0xffff  }
0x245: {  	v38 =	vadd.s32 s1, v2;
	v27 =	vld.idx.msk [tilespmem:v24+s10+$0x0], $0xffff;
	[tilespmem:s30+$0xFFFFFFC0] =	vst v31;
	v24 =	vmov v36  }
0x246: {  	v36 =	vld.idx.msk [tilespmem:v33+s10+$0x0], $0xffff;
	[tilespmem:s28+$0x50] =	vst v26  }
0x247: {  	[tilespmem:s3+$0xFFFFFFA0] =	vst v30;
	v26 =	vld.idx.msk [tilespmem:v19+s10+$0x0], $0xffff;
	v19 =	vmov v20;
	v20 =	vmov v37  }
.Ltmp0:
0x248: {  	s3 =	sadd.s32 $0x100, s3;
	v28 =	vld.idx.msk [tilespmem:v29+s10+$0x0], $0xffff;
	v29 =	vadd.s32 s26, v7;
	[tilespmem:s24+$0x70] =	vst v22;
	s24 =	smov.u32 s25;
	(pc) =	sbr.rel @p1 .LBB2_3-.Ltmp0, $4  }
0x249: {  	s25 =	smov.u32 s28;
	s28 =	smov.u32 s30;
	s30 =	smov.u32 s0;
	[tilespmem:s3+$0xFFFFFF80] =	vst v25;
	v25 =	vld.idx.msk [tilespmem:v12+s10+$0x0], $0xffff;
	v12 =	vmov v14;
	v14 =	vmov v15;
	v15 =	vmov v39  }
0x24a: {  	v31 =	vadd.s32 s29, v5;
	s0 =	smov.u32 s3;
	v30 =	vld.idx.msk [tilespmem:v38+s10+$0x0], $0xffff;
	[tilespmem:s25+$0xFFFFFFF0] =	vst v32  }
0x24b: {  	[tilespmem:s3+$0x0] =	vst v34;
	v22 =	vld.idx.msk [tilespmem:v9+s10+$0x0], $0xffff;
	v9 =	vmovc v10;
	v10 =	vmov v11;
	v11 =	vmov v13;
	v13 =	vmov v41  }
0x24c: {  	s14 =	sadd.s32 $0x100, s14;
	v33 =	vadd.s32 s1, v3;
	v32 =	vld.idx.msk [tilespmem:v35+s10+$0x0], $0xffff;
	[tilespmem:s28+$0xFFFFFFD0] =	vst v36  }
0x24d: {  	_ =	sdelay $0x2  }
0x24e: {  	[tilespmem:s3+$0xFFFFFF90] =	vst v30  }
0x24f: {  	v1 =	vld.idx.msk [tilespmem:v33+s10+$0x0], $0xffff  }
0x250: {  	v2 =	vadd.s32 s1, v4;
	[tilespmem:s3+$0x10] =	vst v32  }
0x251: {  	v3 =	vld.idx.msk [tilespmem:v24+s10+$0x0], $0xffff;
	_ =	sdelay $0x2  }
0x252: {  	[tilespmem:s3+$0xFFFFFFA0] =	vst v1  }
0x253: {  	[tilespmem:s30+$0x20] =	vst v27;
	v1 =	vld.idx.msk [tilespmem:v2+s10+$0x0], $0xffff  }
0x254: {  	v4 =	vadd.s32 s1, v5;
	v2 =	vld.idx.msk [tilespmem:v21+s10+$0x0], $0xffff;
	[tilespmem:s0+$0x20] =	vst v3  }
0x255: {  	v3 =	vld.idx.msk [tilespmem:v23+s10+$0x0], $0xffff  }
0x256: {  	[tilespmem:s30+$0xFFFFFFB0] =	vst v28  }
0x257: {  	[tilespmem:s28+$0x40] =	vst v26  }
0x258: {  	v5 =	vld.idx.msk [tilespmem:v31+s10+$0x0], $0xffff;
	[tilespmem:s0+$0xFFFFFFB0] =	vst v1  }
0x259: {  	v23 =	vadd.s32 s29, v6;
	[tilespmem:s30+$0x30] =	vst v2;
	v1 =	vld.idx.msk [tilespmem:v4+s10+$0x0], $0xffff  }
0x25a: {  	v2 =	vld.idx.msk [tilespmem:v19+s10+$0x0], $0xffff;
	v4 =	vadd.s32 s1, v6;
	[tilespmem:s0+$0x30] =	vst v3  }
0x25b: {  	[tilespmem:s25+$0x60] =	vst v25;
	v3 =	vld.idx.msk [tilespmem:v20+s10+$0x0], $0xffff  }
0x25c: {  	[tilespmem:s24+$0x70] =	vst v22;
	v21 =	vld.idx.msk [tilespmem:v29+s10+$0x0], $0xffff  }
0x25d: {  	[tilespmem:s30+$0xFFFFFFC0] =	vst v5;
	v5 =	vadd.s32 s26, v8;
	v6 =	vld.idx.msk [tilespmem:v16+s10+$0x0], $0xffff  }
0x25e: {  	v16 =	vld.idx.msk [tilespmem:v23+s10+$0x0], $0xffff;
	[tilespmem:s0+$0xFFFFFFC0] =	vst v1  }
0x25f: {  	v19 =	vadd.s32 s29, v7;
	[tilespmem:s30+$0x40] =	vst v2;
	v1 =	vld.idx.msk [tilespmem:v4+s10+$0x0], $0xffff  }
0x260: {  	v2 =	vld.idx.msk [tilespmem:v17+s10+$0x0], $0xffff;
	v4 =	vadd.s32 s1, v7;
	[tilespmem:s0+$0x40] =	vst v3  }
0x261: {  	[tilespmem:s28+$0xFFFFFFE0] =	vst v21;
	v3 =	vld.idx.msk [tilespmem:v18+s10+$0x0], $0xffff  }
0x262: {  	v5 =	vld.idx.msk [tilespmem:v5+s10+$0x0], $0xffff;
	[tilespmem:s28+$0x50] =	vst v6  }
0x263: {  	[tilespmem:s30+$0xFFFFFFD0] =	vst v16;
	v7 =	vld.idx.msk [tilespmem:v12+s10+$0x0], $0xffff  }
0x264: {  	v6 =	vld.idx.msk [tilespmem:v19+s10+$0x0], $0xffff;
	[tilespmem:s0+$0xFFFFFFD0] =	vst v1  }
0x265: {  	v12 =	vadd.s32 s29, v8;
	[tilespmem:s30+$0x50] =	vst v2;
	v1 =	vld.idx.msk [tilespmem:v4+s10+$0x0], $0xffff  }
0x266: {  	v2 =	vld.idx.msk [tilespmem:v14+s10+$0x0], $0xffff;
	v4 =	vadd.s32 s1, v8;
	[tilespmem:s0+$0x50] =	vst v3  }
0x267: {  	[tilespmem:s28+$0xFFFFFFF0] =	vst v5;
	v3 =	vld.idx.msk [tilespmem:v15+s10+$0x0], $0xffff  }
0x268: {  	v5 =	vld.idx.msk [tilespmem:v9+s10+$0x0], $0xffff;
	[tilespmem:s28+$0x60] =	vst v7  }
0x269: {  	[tilespmem:s30+$0xFFFFFFE0] =	vst v6;
	v7 =	vld.idx.msk [tilespmem:v10+s10+$0x0], $0xffff  }
0x26a: {  	v6 =	vld.idx.msk [tilespmem:v12+s10+$0x0], $0xffff;
	[tilespmem:s0+$0xFFFFFFE0] =	vst v1  }
0x26b: {  	[tilespmem:s30+$0x60] =	vst v2;
	v1 =	vld.idx.msk [tilespmem:v4+s10+$0x0], $0xffff  }
0x26c: {  	v2 =	vld.idx.msk [tilespmem:v11+s10+$0x0], $0xffff;
	[tilespmem:s0+$0x60] =	vst v3  }
0x26d: {  	[tilespmem:s25+$0x70] =	vst v5;
	v3 =	vld.idx.msk [tilespmem:v13+s10+$0x0], $0xffff  }
0x26e: {  	[tilespmem:s28+$0x70] =	vst v7  }
0x26f: {  	s15 =	sshll.u32 s23, $0x13;
	[tilespmem:s30+$0xFFFFFFF0] =	vst v6  }
0x270: {  	s1 =	sor.u32 s5, s15;
	[tilespmem:s0+$0xFFFFFFF0] =	vst v1  }
0x271: {  	s1 =	sshrl.u32 s1, $0x3;
	[tilespmem:s30+$0x70] =	vst v2  }
0x272: {  	s24 =	sadd.s32 s2, s1;
	[tilespmem:s0+$0x70] =	vst v3;
	s0 =	simm.s32 @!p0 $0x2  }
0x273: {  	[hbm4b:s24+s10] =	stream.strided.scatter [tilespmem:s18], [sflag:$0x1], $0x2000, s11, s10, $0x38;
	[tilespmem:$0x9C00] =	vst v63  }
0x274: {  	s25 =	sshll.u32 s23, $0x1;
	_ =	swait.ge @!p0 [sflag:s0], $0x2000  }
0x275: {  	s24 =	sor.u32 $0x1, s25;
	[sflag:s0] =	ssyncset.done @!p0 $0x0  }
0x276: {  	s26 =	sshll.u32 s24, $0x7;
	[sflag:s0] =	ssyncadd.s32 @!p0 $0xFFFFE000  }
0x277: {  	v1 =	vld [tilespmem:s26+$0x4000];
	_ =	sdelay $0x1  }
0x278: {  	v2 =	vld [tilespmem:s26+$0x2400];
	_ =	sdelay $0x1  }
0x279: {  	v3 =	vld [tilespmem:s26+$0x4010]  }
0x27a: {  	v1 =	vmul.f32 $1.000000000e+03, v1;
	_ =	sdelay $0x1  }
0x27b: {  	v5 =	vld [tilespmem:s26+$0x2410];
	v4 =	vmul.u32 $0x6667, v2;
	v1 =	vtrunc.f32 v1  }
0x27c: {  	v1 =	vcvt.f32.s32 v1  }
0x27d: {  	v3 =	vmul.f32 $1.000000000e+03, v3;
	v4 =	vshra.s32 v4, $0x11  }
0x27e: {  	v7 =	vld [tilespmem:s26+$0x4020];
	v4 =	vmul.u32 $0xFFFFFFFB, v4;
	v1 =	vadd.s32 v1, v2  }
0x27f: {  	v8 =	vld [tilespmem:s26+$0x2420];
	v3 =	vtrunc.f32 v3;
	v6 =	vmul.u32 $0x6667, v1  }
0x280: {  	v9 =	vmul.u32 $0x6667, v5;
	v3 =	vcvt.f32.s32 v3;
	v4 =	vadd.s32 v2, v4  }
0x281: {  	vm0 =	veq.s32 v2, $0x0;
	v4 =	vmul.u32 $0x5, v4;
	v6 =	vshra.s32 v6, $0x11  }
0x282: {  	v2 =	vadd.s32 v3, v5;
	v3 =	vshra.s32 v9, $0x11;
	v6 =	vmul.u32 $0xFFFFFFFB, v6  }
0x283: {  	v3 =	vmul.u32 $0xFFFFFFFB, v3;
	v1 =	vadd.s32 v1, v4  }
0x284: {  	v9 =	vmul.u32 $0x6667, v8;
	v1 =	vadd.s32 v6, v1;
	v6 =	vmul.f32 $1.000000000e+03, v7;
	v7 =	vld [tilespmem:s26+$0x4030]  }
0x285: {  	vm9 =	veq.s32 v5, $0x0;
	v4 =	vmul.u32 $0x6667, v2;
	v3 =	vadd.s32 v5, v3  }
0x286: {  	v10 =	vld [tilespmem:s26+$0x2430];
	v9 =	vshra.s32 v9, $0x11;
	v3 =	vmul.u32 $0x5, v3;
	v6 =	vtrunc.f32 v6  }
0x287: {  	s3 =	simm.s32 $0x0;
	v4 =	vshra.s32 v4, $0x11;
	v1 =	vsel vm0, $0x18, v1;
	v6 =	vcvt.f32.s32 v6  }
0x288: {  	v5 =	vmul.u32 $0xFFFFFFFB, v9;
	v4 =	vmul.u32 $0xFFFFFFFB, v4;
	v9 =	vadd.s32 s3, v1  }
0x289: {  	v2 =	vadd.s32 v2, v3;
	v3 =	vadd.s32 v6, v8;
	v6 =	vmul.f32 $1.000000000e+03, v7  }
0x28a: {  	v11 =	vld [tilespmem:s26+$0x4040];
	v2 =	vadd.s32 v4, v2;
	v4 =	vadd.s32 v8, v5;
	v5 =	vmul.u32 $0x6667, v3  }
0x28b: {  	v13 =	vld [tilespmem:s26+$0x2450];
	v12 =	vmul.u32 $0x6667, v10;
	v4 =	vmul.u32 $0x5, v4;
	v6 =	vtrunc.f32 v6  }
0x28c: {  	v2 =	vsel vm9, $0x18, v2;
	v7 =	vld [tilespmem:s26+$0x2440];
	v5 =	vshra.s32 v5, $0x11;
	v6 =	vcvt.f32.s32 v6  }
0x28d: {  	v3 =	vadd.s32 v3, v4;
	v4 =	vshra.s32 v12, $0x11;
	v9 =	vld.idx.msk [tilespmem:v9+s10+$0x0], $0xffff;
	v5 =	vmul.u32 $0xFFFFFFFB, v5  }
0x28e: {  	v14 =	vld [tilespmem:s26+$0x4050];
	v15 =	vadd.s32 s3, v2;
	v4 =	vmul.u32 $0xFFFFFFFB, v4;
	v6 =	vadd.s32 v6, v10  }
0x28f: {  	v16 =	vld [tilespmem:s26+$0x4060];
	vm10 =	veq.s32 v8, $0x0;
	v3 =	vadd.s32 v5, v3;
	v5 =	vmul.u32 $0x6667, v6  }
0x290: {  	s1 =	simm.s32 $0x80;
	v17 =	vld [tilespmem:s26+$0x4070];
	v11 =	vmul.f32 $1.000000000e+03, v11;
	vm11 =	veq.s32 v10, $0x0;
	v4 =	vadd.s32 v10, v4  }
0x291: {  	s25 =	simm.s32 $0x7CF0;
	v18 =	vadd.s32 s1, v1;
	v8 =	vld [tilespmem:s26+$0x2470];
	v4 =	vmul.u32 $0x5, v4;
	v5 =	vshra.s32 v5, $0x11  }
0x292: {  	v11 =	vtrunc.f32 v11;
	v12 =	vld [tilespmem:s26+$0x2460];
	v19 =	vmul.u32 $0x6667, v7;
	[tilespmem:s25+$0xFFFFFF10] =	vst v9;
	v5 =	vmul.u32 $0xFFFFFFFB, v5  }
0x293: {  	v3 =	vsel vm10, $0x18, v3;
	v4 =	vadd.s32 v6, v4;
	v6 =	vcvt.f32.s32 v11;
	v9 =	vld.idx.msk [tilespmem:v15+s10+$0x0], $0xffff  }
0x294: {  	v10 =	vadd.s32 s3, v3;
	v4 =	vadd.s32 v5, v4;
	v5 =	vshra.s32 v19, $0x11  }
0x295: {  	s12 =	simm.s32 $0x100;
	v11 =	vmul.f32 $1.000000000e+03, v14;
	v6 =	vadd.s32 v6, v7;
	v5 =	vmul.u32 $0xFFFFFFFB, v5  }
0x296: {  	vm12 =	veq.s32 v7, $0x0;
	v15 =	vld.idx.msk [tilespmem:v18+s10+$0x0], $0xffff;
	v18 =	vadd.s32 s12, v1;
	v14 =	vmul.u32 $0x6667, v6  }
0x297: {  	v11 =	vtrunc.f32 v11;
	v19 =	vadd.s32 s1, v2;
	v5 =	vadd.s32 v7, v5  }
0x298: {  	v11 =	vcvt.f32.s32 v11;
	v14 =	vshra.s32 v14, $0x11;
	[tilespmem:s25+$0xFFFFFF20] =	vst v9;
	v5 =	vmul.u32 $0x5, v5  }
0x299: {  	v4 =	vsel vm11, $0x18, v4;
	v9 =	vmul.u32 $0xFFFFFFFB, v14;
	v7 =	vmul.u32 $0x6667, v13;
	v10 =	vld.idx.msk [tilespmem:v10+s10+$0x0], $0xffff  }
0x29a: {  	s0 =	simm.s32 $0x180;
	v5 =	vadd.s32 v6, v5;
	v6 =	vadd.s32 v11, v13;
	v11 =	vadd.s32 s3, v4  }
0x29b: {  	v16 =	vmul.f32 $1.000000000e+03, v16;
	[tilespmem:s25+$0xFFFFFF90] =	vst v15;
	v15 =	vadd.s32 s0, v1;
	v18 =	vld.idx.msk [tilespmem:v18+s10+$0x0], $0xffff;
	v7 =	vshra.s32 v7, $0x11  }
0x29c: {  	v7 =	vmul.u32 $0xFFFFFFFB, v7;
	v5 =	vadd.s32 v9, v5;
	v9 =	vld.idx.msk [tilespmem:v19+s10+$0x0], $0xffff;
	v19 =	vadd.s32 s12, v2  }
0x29d: {  	vm13 =	veq.s32 v13, $0x0;
	v20 =	vadd.s32 s1, v3;
	v14 =	vmul.u32 $0x6667, v6  }
0x29e: {  	v5 =	vsel vm12, $0x18, v5;
	v7 =	vadd.s32 v13, v7;
	[tilespmem:s25+$0xFFFFFF30] =	vst v10;
	v10 =	vtrunc.f32 v16  }
0x29f: {  	s26 =	simm.s32 $0x7DF0;
	v16 =	vmul.u32 $0x6667, v12;
	v14 =	vshra.s32 v14, $0x11;
	v7 =	vmul.u32 $0x5, v7;
	v11 =	vld.idx.msk [tilespmem:v11+s10+$0x0], $0xffff  }
0x2a0: {  	[tilespmem:s26+$0xFFFFFF10] =	vst v18;
	v13 =	vld.idx.msk [tilespmem:v15+s10+$0x0], $0xffff;
	v10 =	vcvt.f32.s32 v10;
	v15 =	vadd.s32 s3, v5;
	v14 =	vmul.u32 $0xFFFFFFFB, v14  }
0x2a1: {  	v6 =	vadd.s32 v6, v7;
	v7 =	vshra.s32 v16, $0x11;
	v16 =	vadd.s32 s0, v2;
	[tilespmem:s25+$0xFFFFFFA0] =	vst v9;
	v9 =	vld.idx.msk [tilespmem:v19+s10+$0x0], $0xffff  }
0x2a2: {  	v10 =	vadd.s32 v10, v12;
	v7 =	vmul.u32 $0xFFFFFFFB, v7;
	v19 =	vadd.s32 s12, v3;
	v18 =	vld.idx.msk [tilespmem:v20+s10+$0x0], $0xffff  }
0x2a3: {  	s28 =	simm.s32 $0x200;
	v6 =	vadd.s32 v14, v6;
	v14 =	vmul.u32 $0x6667, v10;
	v20 =	vadd.s32 s1, v4  }
0x2a4: {  	s14 =	simm.s32 $0x280;
	v21 =	vadd.s32 s28, v1;
	v6 =	vsel vm13, $0x18, v6;
	v7 =	vadd.s32 v12, v7;
	[tilespmem:s25+$0xFFFFFF40] =	vst v11  }
0x2a5: {  	[tilespmem:s26+$0xFFFFFF90] =	vst v13;
	v13 =	vadd.s32 s14, v1;
	v7 =	vmul.u32 $0x5, v7;
	v11 =	vshra.s32 v14, $0x11;
	v14 =	vld.idx.msk [tilespmem:v15+s10+$0x0], $0xffff  }
0x2a6: {  	vm14 =	veq.s32 v12, $0x0;
	v16 =	vld.idx.msk [tilespmem:v16+s10+$0x0], $0xffff;
	v15 =	vmul.f32 $1.000000000e+03, v17;
	[tilespmem:s26+$0xFFFFFF20] =	vst v9;
	v9 =	vadd.s32 s3, v6  }
0x2a7: {  	v11 =	vmul.u32 $0xFFFFFFFB, v11;
	v7 =	vadd.s32 v10, v7;
	v10 =	vadd.s32 s0, v3;
	[tilespmem:s25+$0xFFFFFFB0] =	vst v18;
	v12 =	vld.idx.msk [tilespmem:v19+s10+$0x0], $0xffff  }
0x2a8: {  	v17 =	vmul.u32 $0x6667, v8;
	v19 =	vadd.s32 s12, v4;
	v15 =	vtrunc.f32 v15;
	v18 =	vld.idx.msk [tilespmem:v20+s10+$0x0], $0xffff  }
0x2a9: {  	v7 =	vadd.s32 v11, v7;
	v20 =	vld.idx.msk [tilespmem:v21+s10+$0x0], $0xffff;
	v11 =	vcvt.f32.s32 v15;
	v15 =	vadd.s32 s1, v5  }
0x2aa: {  	v13 =	vld.idx.msk [tilespmem:v13+s10+$0x0], $0xffff;
	v17 =	vshra.s32 v17, $0x11;
	v21 =	vadd.s32 s28, v2;
	v7 =	vsel vm14, $0x18, v7;
	[tilespmem:s25+$0xFFFFFF50] =	vst v14  }
0x2ab: {  	[tilespmem:s26+$0xFFFFFFA0] =	vst v16;
	v11 =	vadd.s32 v11, v8;
	v14 =	vmul.u32 $0xFFFFFFFB, v17;
	v17 =	vadd.s32 s14, v2;
	v9 =	vld.idx.msk [tilespmem:v9+s10+$0x0], $0xffff  }
0x2ac: {  	v10 =	vld.idx.msk [tilespmem:v10+s10+$0x0], $0xffff;
	v16 =	vmul.u32 $0x6667, v11;
	[tilespmem:s26+$0xFFFFFF30] =	vst v12;
	v12 =	vadd.s32 s3, v7  }
0x2ad: {  	s29 =	simm.s32 $0x7EF0;
	v22 =	vadd.s32 s0, v4;
	v14 =	vadd.s32 v8, v14;
	[tilespmem:s25+$0xFFFFFFC0] =	vst v18;
	v18 =	vld.idx.msk [tilespmem:v19+s10+$0x0], $0xffff  }
0x2ae: {  	[tilespmem:s29+$0xFFFFFF10] =	vst v20;
	v19 =	vadd.s32 s12, v5;
	v16 =	vshra.s32 v16, $0x11;
	v14 =	vmul.u32 $0x5, v14;
	v15 =	vld.idx.msk [tilespmem:v15+s10+$0x0], $0xffff  }
0x2af: {  	[tilespmem:s29+$0xFFFFFF90] =	vst v13;
	v20 =	vadd.s32 s1, v6;
	v21 =	vld.idx.msk [tilespmem:v21+s10+$0x0], $0xffff;
	v16 =	vmul.u32 $0xFFFFFFFB, v16  }
0x2b0: {  	s15 =	simm.s32 $0x380;
	v13 =	vadd.s32 s28, v3;
	v11 =	vadd.s32 v11, v14;
	v14 =	vld.idx.msk [tilespmem:v17+s10+$0x0], $0xffff;
	[tilespmem:s25+$0xFFFFFF60] =	vst v9  }
0x2b1: {  	s30 =	simm.s32 $0x300;
	vm15 =	veq.s32 v8, $0x0;
	[tilespmem:s26+$0xFFFFFFB0] =	vst v10;
	v8 =	vadd.s32 v16, v11;
	v9 =	vadd.s32 s15, v1;
	v10 =	vld.idx.msk [tilespmem:v12+s10+$0x0], $0xffff  }
0x2b2: {  	v11 =	vadd.s32 s30, v1;
	v8 =	vsel vm15, $0x18, v8;
	[tilespmem:s26+$0xFFFFFF40] =	vst v18;
	v12 =	vld.idx.msk [tilespmem:v22+s10+$0x0], $0xffff  }
0x2b3: {  	v16 =	vld.idx.msk [tilespmem:v19+s10+$0x0], $0xffff;
	v17 =	vadd.s32 s3, v8;
	[tilespmem:s25+$0xFFFFFFD0] =	vst v15  }
0x2b4: {  	v15 =	vadd.s32 s14, v3;
	[tilespmem:s29+$0xFFFFFF20] =	vst v21;
	v18 =	vld.idx.msk [tilespmem:v20+s10+$0x0], $0xffff  }
0x2b5: {  	v19 =	vadd.s32 s12, v6;
	v13 =	vld.idx.msk [tilespmem:v13+s10+$0x0], $0xffff  }
0x2b6: {  	v20 =	vadd.s32 s0, v5;
	[tilespmem:s29+$0xFFFFFFA0] =	vst v14;
	v9 =	vld.idx.msk [tilespmem:v9+s10+$0x0], $0xffff  }
0x2b7: {  	v21 =	vadd.s32 s28, v4;
	v11 =	vld.idx.msk [tilespmem:v11+s10+$0x0], $0xffff;
	[tilespmem:s25+$0xFFFFFF70] =	vst v10  }
0x2b8: {  	v10 =	vadd.s32 s1, v7;
	[tilespmem:s26+$0xFFFFFFC0] =	vst v12;
	v14 =	vld.idx.msk [tilespmem:v17+s10+$0x0], $0xffff  }
0x2b9: {  	v17 =	vadd.s32 s30, v2;
	v15 =	vld.idx.msk [tilespmem:v15+s10+$0x0], $0xffff;
	[tilespmem:s26+$0xFFFFFF50] =	vst v16  }
0x2ba: {  	v16 =	vadd.s32 s15, v2;
	v12 =	vld.idx.msk [tilespmem:v19+s10+$0x0], $0xffff;
	[tilespmem:s29+$0xFFFFFF30] =	vst v13  }
0x2bb: {  	s31 =	simm.s32 $0x7FF0;
	v13 =	vld.idx.msk [tilespmem:v20+s10+$0x0], $0xffff;
	v19 =	vadd.s32 s12, v7;
	[tilespmem:s25+$0xFFFFFFE0] =	vst v18  }
0x2bc: {  	v20 =	vadd.s32 s14, v4;
	v18 =	vld.idx.msk [tilespmem:v21+s10+$0x0], $0xffff;
	[tilespmem:s31+$0xFFFFFF10] =	vst v11  }
0x2bd: {  	v21 =	vadd.s32 s0, v6;
	[tilespmem:s31+$0xFFFFFF90] =	vst v9;
	v10 =	vld.idx.msk [tilespmem:v10+s10+$0x0], $0xffff  }
0x2be: {  	v11 =	vadd.s32 s28, v5;
	v17 =	vld.idx.msk [tilespmem:v17+s10+$0x0], $0xffff;
	[tilespmem:s29+$0xFFFFFFB0] =	vst v15  }
0x2bf: {  	v9 =	vadd.s32 s30, v3;
	v16 =	vld.idx.msk [tilespmem:v16+s10+$0x0], $0xffff;
	[tilespmem:s26+$0xFFFFFF60] =	vst v12  }
0x2c0: {  	v12 =	vadd.s32 s17, v1;
	[tilespmem:s26+$0xFFFFFFD0] =	vst v13;
	v15 =	vld.idx.msk [tilespmem:v19+s10+$0x0], $0xffff  }
0x2c1: {  	[tilespmem:s29+$0xFFFFFF40] =	vst v18;
	v18 =	vld.idx.msk [tilespmem:v20+s10+$0x0], $0xffff;
	v20 =	vadd.s32 s12, v8  }
0x2c2: {  	s3 =	simm.s32 $0x400;
	[tilespmem:s25+$0xFFFFFF80] =	vst v14;
	v13 =	vadd.s32 s15, v3;
	v22 =	vld.idx.msk [tilespmem:v21+s10+$0x0], $0xffff  }
0x2c3: {  	v19 =	vadd.s32 s3, v1;
	v11 =	vld.idx.msk [tilespmem:v11+s10+$0x0], $0xffff;
	[tilespmem:s31+$0xFFFFFF20] =	vst v17  }
0x2c4: {  	v41 =	vadd.s32 s1, v8;
	[tilespmem:s25+$0xFFFFFFF0] =	vst v10;
	v14 =	vld.idx.msk [tilespmem:v9+s10+$0x0], $0xffff  }
0x2c5: {  	v17 =	vadd.s32 s28, v6;
	v31 =	vld.idx.msk [tilespmem:v12+s10+$0x0], $0xffff;
	[tilespmem:s26+$0xFFFFFF70] =	vst v15  }
0x2c6: {  	v21 =	vadd.s32 s14, v5;
	[tilespmem:s31+$0xFFFFFFA0] =	vst v16;
	v29 =	vld.idx.msk [tilespmem:v20+s10+$0x0], $0xffff  }
0x2c7: {  	v24 =	vadd.s32 s30, v4;
	v27 =	vld.idx.msk [tilespmem:v13+s10+$0x0], $0xffff;
	[tilespmem:s29+$0xFFFFFFC0] =	vst v18  }
0x2c8: {  	v23 =	vld.idx.msk [tilespmem:v19+s10+$0x0], $0xffff;
	v15 =	vadd.s32 s0, v7;
	[tilespmem:s26+$0xFFFFFFE0] =	vst v22  }
0x2c9: {  	v35 =	vadd.s32 s17, v2;
	v30 =	vadd.s32 s3, v2;
	v33 =	vadd.s32 s3, v3;
	v22 =	vld.idx.msk [tilespmem:v41+s10+$0x0], $0xffff;
	[tilespmem:s29+$0xFFFFFF50] =	vst v11  }
0x2ca: {  	v10 =	vadd.s32 s14, v8;
	v9 =	vadd.s32 s0, v8;
	v34 =	vld.idx.msk [tilespmem:v17+s10+$0x0], $0xffff;
	[tilespmem:s31+$0xFFFFFF30] =	vst v14  }
0x2cb: {  	s1 =	simm.s32 $0x80F0;
	v16 =	vadd.s32 s14, v6;
	v12 =	vadd.s32 s14, v7;
	v26 =	vld.idx.msk [tilespmem:v21+s10+$0x0], $0xffff;
	[tilespmem:s26+$0xFFFFFF80] =	vst v29;
	v29 =	vadd.s32 s28, v7  }
0x2cc: {  	v13 =	vadd.s32 s17, v8;
	v18 =	vadd.s32 s17, v6;
	v21 =	vadd.s32 s15, v4;
	[tilespmem:s1+$0xFFFFFF90] =	vst v31;
	v28 =	vld.idx.msk [tilespmem:v24+s10+$0x0], $0xffff  }
0x2cd: {  	v19 =	vadd.s32 s15, v5;
	v11 =	vadd.s32 s15, v8;
	v31 =	vadd.s32 s30, v5;
	[tilespmem:s1+$0xFFFFFF10] =	vst v23;
	v25 =	vld.idx.msk [tilespmem:v15+s10+$0x0], $0xffff  }
0x2ce: {  	v20 =	vadd.s32 s17, v5;
	v17 =	vadd.s32 s15, v6;
	v14 =	vadd.s32 s15, v7;
	v30 =	vld.idx.msk [tilespmem:v30+s10+$0x0], $0xffff  }
0x2cf: {  	s12 =	simm.s32 $0x8;
	s14 =	simm.s32 $0x580;
	s0 =	simm.s32 $0x80F0;
	v24 =	vadd.s32 s17, v3;
	v23 =	vadd.s32 s17, v4;
	v15 =	vadd.s32 s17, v7;
	v32 =	vld.idx.msk [tilespmem:v35+s10+$0x0], $0xffff;
	[tilespmem:s29+$0xFFFFFF60] =	vst v34  }
.LBB2_5:
0x2d0: {  	s15 =	sadd.s32 $0xFFFFFF80, s14;
	v34 =	vadd.s32 s14, v1;
	v35 =	vadd.s32 s14, v2;
	v36 =	vadd.s32 s14, v3;
	s12 =	sadd.s32 $0x2, s12;
	[tilespmem:s31+$0xFFFFFFB0] =	vst v27;
	v27 =	vld.idx.msk [tilespmem:v29+s10+$0x0], $0xffff  }
0x2d1: {  	v37 =	vadd.s32 s14, v5;
	v29 =	vadd.s32 s15, v1;
	p0 =	slt.u32 s12, $0x3E;
	[tilespmem:s31+$0xFFFFFF40] =	vst v28;
	v28 =	vld.idx.msk [tilespmem:v21+s10+$0x0], $0xffff;
	v21 =	vmovc v23;
	v23 =	vadd.s32 s14, v4  }
0x2d2: {  	v38 =	vadd.s32 s14, v6;
	v39 =	vadd.s32 s14, v7;
	v40 =	vadd.s32 s28, v8;
	s28 =	smov.u32 s30;
	s30 =	smov.u32 s3;
	s3 =	smov.u32 s15;
	v31 =	vld.idx.msk [tilespmem:v31+s10+$0x0], $0xffff;
	[tilespmem:s29+$0xFFFFFFD0] =	vst v26  }
0x2d3: {  	v41 =	vadd.s32 s14, v8;
	[tilespmem:s1+$0xFFFFFF20] =	vst v30;
	v26 =	vld.idx.msk [tilespmem:v16+s10+$0x0], $0xffff;
	v16 =	vmovc v17;
	v17 =	vmov v18;
	v18 =	vmov v38  }
0x2d4: {  	v30 =	vld.idx.msk [tilespmem:v33+s10+$0x0], $0xffff;
	v33 =	vadd.s32 s28, v6;
	[tilespmem:s26+$0xFFFFFFF0] =	vst v25  }
0x2d5: {  	v34 =	vld.idx.msk [tilespmem:v34+s10+$0x0], $0xffff;
	[tilespmem:s1+$0xFFFFFFA0] =	vst v32  }
0x2d6: {  	v25 =	vld.idx.msk [tilespmem:v29+s10+$0x0], $0xffff;
	v29 =	vadd.s32 s30, v4;
	[tilespmem:s29+$0xFFFFFF70] =	vst v27  }
0x2d7: {  	[tilespmem:s31+$0xFFFFFFC0] =	vst v28;
	v32 =	vld.idx.msk [tilespmem:v40+s10+$0x0], $0xffff  }
0x2d8: {  	v38 =	vadd.s32 s3, v2;
	v27 =	vld.idx.msk [tilespmem:v24+s10+$0x0], $0xffff;
	[tilespmem:s31+$0xFFFFFF50] =	vst v31;
	v24 =	vmov v36  }
0x2d9: {  	v36 =	vld.idx.msk [tilespmem:v33+s10+$0x0], $0xffff;
	[tilespmem:s29+$0xFFFFFFE0] =	vst v26  }
0x2da: {  	[tilespmem:s1+$0xFFFFFF30] =	vst v30;
	v26 =	vld.idx.msk [tilespmem:v19+s10+$0x0], $0xffff;
	v19 =	vmov v20;
	v20 =	vmov v37  }
.Ltmp1:
0x2db: {  	s1 =	sadd.s32 $0x100, s1;
	v28 =	vld.idx.msk [tilespmem:v29+s10+$0x0], $0xffff;
	v29 =	vadd.s32 s28, v7;
	[tilespmem:s25+$0x0] =	vst v22;
	s25 =	smov.u32 s26;
	(pc) =	sbr.rel @p0 .LBB2_5-.Ltmp1, $4  }
0x2dc: {  	s26 =	smov.u32 s29;
	s29 =	smov.u32 s31;
	s31 =	smov.u32 s0;
	[tilespmem:s1+$0xFFFFFF10] =	vst v25;
	v25 =	vld.idx.msk [tilespmem:v12+s10+$0x0], $0xffff;
	v12 =	vmov v14;
	v14 =	vmov v15;
	v15 =	vmov v39  }
0x2dd: {  	v31 =	vadd.s32 s30, v5;
	s0 =	smov.u32 s1;
	v30 =	vld.idx.msk [tilespmem:v38+s10+$0x0], $0xffff;
	[tilespmem:s26+$0xFFFFFF80] =	vst v32  }
0x2de: {  	[tilespmem:s1+$0xFFFFFF90] =	vst v34;
	v22 =	vld.idx.msk [tilespmem:v9+s10+$0x0], $0xffff;
	v9 =	vmovc v10;
	v10 =	vmov v11;
	v11 =	vmov v13;
	v13 =	vmov v41  }
0x2df: {  	s14 =	sadd.s32 $0x100, s14;
	v33 =	vadd.s32 s3, v3;
	v32 =	vld.idx.msk [tilespmem:v35+s10+$0x0], $0xffff;
	[tilespmem:s29+$0xFFFFFF60] =	vst v36  }
0x2e0: {  	_ =	sdelay $0x2  }
0x2e1: {  	[tilespmem:s1+$0xFFFFFF20] =	vst v30  }
0x2e2: {  	v1 =	vld.idx.msk [tilespmem:v33+s10+$0x0], $0xffff  }
0x2e3: {  	v2 =	vadd.s32 s3, v4;
	[tilespmem:s1+$0xFFFFFFA0] =	vst v32  }
0x2e4: {  	v3 =	vld.idx.msk [tilespmem:v24+s10+$0x0], $0xffff;
	_ =	sdelay $0x2  }
0x2e5: {  	[tilespmem:s1+$0xFFFFFF30] =	vst v1  }
0x2e6: {  	[tilespmem:s31+$0xFFFFFFB0] =	vst v27;
	v1 =	vld.idx.msk [tilespmem:v2+s10+$0x0], $0xffff  }
0x2e7: {  	v27 =	vadd.s32 s3, v5;
	v2 =	vld.idx.msk [tilespmem:v21+s10+$0x0], $0xffff;
	[tilespmem:s0+$0xFFFFFFB0] =	vst v3  }
0x2e8: {  	v3 =	vld.idx.msk [tilespmem:v23+s10+$0x0], $0xffff  }
0x2e9: {  	[tilespmem:s31+$0xFFFFFF40] =	vst v28  }
0x2ea: {  	[tilespmem:s29+$0xFFFFFFD0] =	vst v26  }
0x2eb: {  	v28 =	vld.idx.msk [tilespmem:v31+s10+$0x0], $0xffff;
	[tilespmem:s0+$0xFFFFFF40] =	vst v1  }
0x2ec: {  	v30 =	vadd.s32 s30, v6;
	[tilespmem:s31+$0xFFFFFFC0] =	vst v2;
	v1 =	vld.idx.msk [tilespmem:v27+s10+$0x0], $0xffff  }
0x2ed: {  	v31 =	vadd.s32 s3, v6;
	v2 =	vld.idx.msk [tilespmem:v19+s10+$0x0], $0xffff;
	[tilespmem:s0+$0xFFFFFFC0] =	vst v3  }
0x2ee: {  	[tilespmem:s26+$0xFFFFFFF0] =	vst v25;
	v3 =	vld.idx.msk [tilespmem:v20+s10+$0x0], $0xffff  }
0x2ef: {  	v29 =	vld.idx.msk [tilespmem:v29+s10+$0x0], $0xffff;
	[tilespmem:s25+$0x0] =	vst v22  }
0x2f0: {  	v32 =	vld.idx.msk [tilespmem:v16+s10+$0x0], $0xffff;
	[tilespmem:s31+$0xFFFFFF50] =	vst v28  }
0x2f1: {  	v34 =	vld.idx.msk [tilespmem:v30+s10+$0x0], $0xffff;
	[tilespmem:s0+$0xFFFFFF50] =	vst v1  }
0x2f2: {  	v35 =	vadd.s32 s30, v7;
	[tilespmem:s31+$0xFFFFFFD0] =	vst v2;
	v1 =	vld.idx.msk [tilespmem:v31+s10+$0x0], $0xffff  }
0x2f3: {  	v36 =	vadd.s32 s3, v7;
	v2 =	vld.idx.msk [tilespmem:v17+s10+$0x0], $0xffff;
	[tilespmem:s0+$0xFFFFFFD0] =	vst v3  }
0x2f4: {  	[tilespmem:s29+$0xFFFFFF70] =	vst v29;
	v3 =	vld.idx.msk [tilespmem:v18+s10+$0x0], $0xffff  }
0x2f5: {  	v41 =	vld.idx.msk [tilespmem:v9+s10+$0x0], $0xffff;
	[tilespmem:s29+$0xFFFFFFE0] =	vst v32  }
0x2f6: {  	v33 =	vadd.s32 s28, v8;
	v38 =	vld.idx.msk [tilespmem:v12+s10+$0x0], $0xffff;
	[tilespmem:s31+$0xFFFFFF60] =	vst v34  }
0x2f7: {  	v37 =	vld.idx.msk [tilespmem:v35+s10+$0x0], $0xffff;
	[tilespmem:s0+$0xFFFFFF60] =	vst v1  }
0x2f8: {  	v39 =	vadd.s32 s30, v8;
	[tilespmem:s31+$0xFFFFFFE0] =	vst v2;
	v1 =	vld.idx.msk [tilespmem:v36+s10+$0x0], $0xffff  }
0x2f9: {  	v40 =	vadd.s32 s3, v8;
	v2 =	vld.idx.msk [tilespmem:v14+s10+$0x0], $0xffff;
	[tilespmem:s0+$0xFFFFFFE0] =	vst v3  }
0x2fa: {  	[tilespmem:s26+$0x0] =	vst v41;
	v3 =	vld.idx.msk [tilespmem:v15+s10+$0x0], $0xffff  }
0x2fb: {  	v5 =	vld.idx.msk [tilespmem:v33+s10+$0x0], $0xffff;
	[tilespmem:s29+$0xFFFFFFF0] =	vst v38  }
0x2fc: {  	v7 =	vld.idx.msk [tilespmem:v10+s10+$0x0], $0xffff;
	[tilespmem:s31+$0xFFFFFF70] =	vst v37  }
0x2fd: {  	v6 =	vld.idx.msk [tilespmem:v39+s10+$0x0], $0xffff;
	[tilespmem:s0+$0xFFFFFF70] =	vst v1  }
0x2fe: {  	[tilespmem:s31+$0xFFFFFFF0] =	vst v2;
	v1 =	vld.idx.msk [tilespmem:v40+s10+$0x0], $0xffff  }
0x2ff: {  	v2 =	vld.idx.msk [tilespmem:v11+s10+$0x0], $0xffff;
	[tilespmem:s0+$0xFFFFFFF0] =	vst v3  }
0x300: {  	s23 =	sadd.s32 $0x1, s23;
	[tilespmem:s29+$0xFFFFFF80] =	vst v5;
	v3 =	vld.idx.msk [tilespmem:v13+s10+$0x0], $0xffff  }
0x301: {  	p0 =	sne.s32 s23, $0x19;
	[tilespmem:s29+$0x0] =	vst v7  }
.Ltmp2:
0x302: {  	s30 =	sshll.u32 s24, $0x12;
	[tilespmem:s31+$0xFFFFFF80] =	vst v6;
	(pc) =	sbr.rel @p0 .LBB2_2-.Ltmp2, $4  }
0x303: {  	s1 =	sor.u32 s5, s30;
	[tilespmem:s0+$0xFFFFFF80] =	vst v1  }
0x304: {  	s1 =	sshrl.u32 s1, $0x3;
	[tilespmem:s31+$0x0] =	vst v2  }
0x305: {  	s31 =	sadd.s32 s2, s1;
	[tilespmem:s0+$0x0] =	vst v3  }
0x306: {  	[hbm4b:s31+s10] =	stream.strided.scatter [tilespmem:s19], [sflag:$0x2], $0x2000, s11, s10, $0x38;
	[tilespmem:$0x9C00] =	vst v63  }
0x307: {  	s22 =	sadd.s32 $0x1, s22  }
0x308: {  	_ =	swait.ge [sflag:s20], $0x2000;
	p0 =	sne.s32 s22, s8  }
.Ltmp3:
0x309: {  	[sflag:s20] =	ssyncset.done $0x0;
	(pc) =	sbr.rel @p0 .LBB2_1-.Ltmp3, $4  }
0x30a: {  	[sflag:s20] =	ssyncadd.s32 $0xFFFFE000  }
0x30b: {  	_ =	swait.ge [sflag:s21], $0x2000  }
0x30c: {  	[sflag:s21] =	ssyncset.done $0x0  }
0x30d: {  	[sflag:s21] =	ssyncadd.s32 $0xFFFFE000  }
0x30e: {  	_ =	sfence.sel $0x180000  }
0x30f: {  	[bflag:$0x0] =	sbarrier.arrive $0xFFFF  }
0x310: {  	_ =	strace $0x90000047  }
0x311: {  	s0 =	stileid.u32;
	[bflag:$0x2] =	sbarrier.arrive $0xFFFF  }
0x312: {  	p0 =	sne.s32 s0, $0x0;
	s0 =	rddreg [dreg:$0x4]  }
0x313: {  	s0 =	sadd.s32 @!p0 $0x100000, s0  }
0x314: {  	[sflag:s0] =	ssyncadd.tile.s32 @!p0 $0x1;
	_ =	shalt  }
.Lfunc_end2:
_tile_overlayer_lowered:
.L_overlay_start_2:
0x315: {  	(tag) =	ssettag $0x2  }
0x316: {  	s0 =	rddreg [dreg:$0x0];
	s2 =	stileid.u32  }
0x317: {  	s1 =	rddreg [dreg:$0x1];
	p0 =	sne.s32 s2, $0x0  }
0x318: {  	s3 =	rddreg [dreg:$0x2];
	[bflag:$0x3] =	sbarrier.arrive $0xFFFF;
	s2 =	simm.s32 @!p0 $0x1C03  }
0x319: {  	[timem:s3], [sflag:s2] =	dma.local @!p0 [hbm:s0], s1  }
0x31a: {  	s0 =	simm.s32 @!p0 $0x3  }
0x31b: {  	_ =	swait.ge @!p0 [sflag:s0], s1  }
0x31c: {  	s1 =	ssub.s32 @!p0 $0x0, s1;
	[sflag:s0] =	ssyncset.done @!p0 $0x0  }
0x31d: {  	[sflag:s0] =	ssyncadd.s32 @!p0 s1  }
0x31e: {  	[bflag:$0x3] =	sbarrier.arrive $0xFFFF  }
0x31f: {  	_ =	shalt  }

</sc_bundles>
